<compile_context>
chip_gen: v7x
topology: tpu7x:2x2x1
jax: 0.10.2.dev20260603
libtpu: 0.0.44.dev20260713+nightly
codegen_flags: <defaults>
</compile_context>

<pallas_src>
import jax
import jax.numpy as jnp
from jax import lax
from jax.experimental import pallas as pl
from jax.experimental.pallas import tpu as pltpu
from jax.experimental.pallas import tpu_sc as plsc

N_NODES = 50000
CHANNELS = 32
N_EDGES = 1600000

NC = 2
NS = 16

HALF = N_NODES // NC
TRASH = 512
N_ACC = HALF + TRASH

BB = 128
BPT = 800
GB = 40
NGRP = BPT // GB
NB = NS * BPT
E_PAD = NB * BB

NBUF = 8
SDEPTH = 5

CCAP = GB * BB + 256

ZROWS = 1000
NZCH = HALF // ZROWS
CCHUNK = 1000
NCCH = HALF // CCHUNK


def _sc_body(x_hbm, src_hbm, tgt_hbm, psums_hbm, pcnt_hbm,
             src_v, tgt_v, rows_v, srcc_v, tgtc_v, srci_v, tgti_v,
             ones_v, zc_v, sums_sh, cnt_sh, gsem, ssem, isem):
    c = lax.axis_index("c")
    s = lax.axis_index("s")

    z16 = jnp.zeros((16,), jnp.float32)
    o16 = jnp.full((16,), 1.0, jnp.float32)

    def _zrow(i, carry):
        rows_v[i, pl.ds(0, 16)] = z16
        rows_v[i, pl.ds(16, 16)] = z16
        return carry
    lax.fori_loop(0, ZROWS, _zrow, 0)

    def _zc(i, carry):
        zc_v[pl.ds(i * 16, 16)] = z16
        return carry
    lax.fori_loop(0, 1008 // 16, _zc, 0)

    def _ofill(i, carry):
        ones_v[pl.ds(i * 16, 16)] = o16
        return carry
    lax.fori_loop(0, BB // 16, _ofill, 0)

    def _zero_chunk(m):
        pltpu.sync_copy(rows_v.at[pl.ds(0, ZROWS), :],
                        sums_sh.at[pl.ds(m * ZROWS, ZROWS), :])
        pltpu.sync_copy(zc_v.at[pl.ds(0, CCHUNK)],
                        cnt_sh.at[pl.ds(m * CCHUNK, CCHUNK)])

    _zero_chunk(s)

    @pl.when(s < NZCH - NS)
    def _():
        _zero_chunk(NS + s)

    plsc.subcore_barrier()

    base = c * HALF
    tile_b0 = s * BPT

    def _stage_idx(g):
        pltpu.async_copy(src_hbm.at[pl.ds(tile_b0 + g * GB, GB), :],
                         src_v.at[g % 2], isem)
        pltpu.async_copy(tgt_hbm.at[pl.ds(tile_b0 + g * GB, GB), :],
                         tgt_v.at[g % 2], isem)

    def _wait_idx():
        pltpu.make_async_copy(src_hbm.at[pl.ds(0, GB), :], src_v.at[0], isem).wait()
        pltpu.make_async_copy(tgt_hbm.at[pl.ds(0, GB), :], tgt_v.at[0], isem).wait()

    def _drain_g1():
        pltpu.make_async_copy(x_hbm.at[pl.ds(0, BB), :],
                              rows_v.at[pl.ds(0, BB), :], gsem).wait()

    def _drain_s1():
        pltpu.make_async_copy(rows_v.at[pl.ds(0, BB), :],
                              sums_sh.at[pl.ds(0, BB), :], ssem).wait()
        pltpu.make_async_copy(ones_v, cnt_sh.at[pl.ds(0, BB)], ssem).wait()

    def _fire_gather_block(kf, J):
        slot = J % NBUF
        o = kf * BB
        for q in range(BB // 16):
            srci_v[slot, pl.ds(q * 16, 16)] = srcc_v[pl.ds(o + q * 16, 16)]
            tgti_v[slot, pl.ds(q * 16, 16)] = tgtc_v[pl.ds(o + q * 16, 16)]
        rbuf = rows_v.at[pl.ds(slot * BB, BB), :]
        pltpu.async_copy(x_hbm.at[srci_v.at[slot]], rbuf, gsem)

    def _fire_scatter_block(j):
        slot = j % NBUF
        rbuf = rows_v.at[pl.ds(slot * BB, BB), :]
        idxr = tgti_v.at[slot]
        pltpu.async_copy(rbuf, sums_sh.at[idxr], ssem, add=True)
        pltpu.async_copy(ones_v, cnt_sh.at[idxr], ssem, add=True)

    _stage_idx(0)
    _wait_idx()

    def _group(g, carry):
        W, J, sf, sd = carry
        par = g % 2

        @pl.when(g + 1 < NGRP)
        def _():
            _stage_idx(g + 1)

        @pl.when(g > 0)
        def _():
            _wait_idx()

        def _crow(r, cr):
            W1, kf1, J1, sf1, sd1 = cr
            tls, svs, masks, offs = [], [], [], []
            off = W1
            for cl in range(BB // 16):
                t = tgt_v[par, r, pl.ds(cl * 16, 16)]
                sv = src_v[par, r, pl.ds(cl * 16, 16)]
                tl = t - base
                inr = plsc.bitcast(tl, jnp.uint32) < jnp.uint32(HALF)
                tls.append(tl)
                svs.append(sv)
                masks.append(inr)
            pcs = [jnp.max(plsc.all_reduce_population_count(m)) for m in masks]
            for cl in range(BB // 16):
                offs.append(off)
                off = off + pcs[cl]
            for cl in range(BB // 16):
                plsc.store_compressed(tgtc_v.at[pl.ds(offs[cl], 16)],
                                      tls[cl], mask=masks[cl])
                plsc.store_compressed(srcc_v.at[pl.ds(offs[cl], 16)],
                                      svs[cl], mask=masks[cl])
            W1 = off

            fire = (W1 // BB > kf1).astype(jnp.int32)
            scat = jnp.logical_and(fire == 1, kf1 >= 2).astype(jnp.int32)
            drn = jnp.logical_and(fire == 1, sf1 - sd1 >= SDEPTH).astype(jnp.int32)

            @pl.when(fire == 1)
            def _():
                @pl.when(sf1 - sd1 >= SDEPTH)
                def _():
                    _drain_s1()
                _fire_gather_block(kf1, J1)

                @pl.when(kf1 >= 2)
                def _():
                    _drain_g1()
                    _fire_scatter_block(J1 - 2)

            return (W1, kf1 + fire, J1 + fire, sf1 + scat, sd1 + drn)

        W, kf, J, sf, sd = lax.fori_loop(0, GB, _crow, (W, 0, J, sf, sd))
        nf = W // BB

        def _tail(k, cr):
            J1, sf1, sd1 = cr
            drn = (sf1 - sd1 >= SDEPTH).astype(jnp.int32)

            @pl.when(sf1 - sd1 >= SDEPTH)
            def _():
                _drain_s1()
            _drain_g1()
            _fire_scatter_block(J1 - nf + k)
            return (J1, sf1 + 1, sd1 + drn)

        J, sf, sd = lax.fori_loop(jnp.maximum(nf - 2, 0), nf, _tail, (J, sf, sd))

        L = W - nf * BB
        o = nf * BB

        @pl.when(L > 0)
        def _():
            for q in range(BB // 16):
                srcc_v[pl.ds(q * 16, 16)] = srcc_v[pl.ds(o + q * 16, 16)]
                tgtc_v[pl.ds(q * 16, 16)] = tgtc_v[pl.ds(o + q * 16, 16)]

        return (L, J, sf, sd)

    W, J, sf, sd = lax.fori_loop(0, NGRP, _group, (0, 0, 0, 0))

    iota16 = lax.iota(jnp.int32, 16)

    @pl.when(W > 0)
    def _():
        for q in range(BB // 16):
            pad_src = iota16 + (q * 16)
            pad_tgt = pad_src + HALF
            srcc_v[pl.ds(W + q * 16, 16)] = pad_src
            tgtc_v[pl.ds(W + q * 16, 16)] = pad_tgt
        _fire_gather_block(0, J)
        _drain_g1()
        _fire_scatter_block(J)

    sf = sf + (W > 0).astype(jnp.int32)

    def _draina(i, carry):
        _drain_s1()
        return carry
    lax.fori_loop(sd, sf, _draina, 0)

    plsc.subcore_barrier()

    def _copy_chunk(m):
        pltpu.sync_copy(sums_sh.at[pl.ds(m * ZROWS, ZROWS), :],
                        rows_v.at[pl.ds(0, ZROWS), :])
        pltpu.sync_copy(rows_v.at[pl.ds(0, ZROWS), :],
                        psums_hbm.at[pl.ds(c * HALF + m * ZROWS, ZROWS), :])
        pltpu.sync_copy(cnt_sh.at[pl.ds(m * CCHUNK, CCHUNK)], zc_v.at[pl.ds(0, CCHUNK)])
        pltpu.sync_copy(zc_v.at[pl.ds(0, CCHUNK)],
                        pcnt_hbm.at[pl.ds(c * HALF + m * CCHUNK, CCHUNK)])

    _copy_chunk(s)

    @pl.when(s < NZCH - NS)
    def _():
        _copy_chunk(NS + s)


_sc_scatter = pl.kernel(
    _sc_body,
    out_type=(
        jax.ShapeDtypeStruct((N_NODES, CHANNELS), jnp.float32),
        jax.ShapeDtypeStruct((N_NODES,), jnp.float32),
    ),
    mesh=plsc.VectorSubcoreMesh(core_axis_name="c", subcore_axis_name="s"),
    compiler_params=pltpu.CompilerParams(use_tc_tiling_on_sc=False,
                                        needs_layout_passes=False),
    scratch_types=[
        pltpu.VMEM((2, GB, BB), jnp.int32),
        pltpu.VMEM((2, GB, BB), jnp.int32),
        pltpu.VMEM((NBUF * BB, CHANNELS), jnp.float32),
        pltpu.VMEM((CCAP,), jnp.int32),
        pltpu.VMEM((CCAP,), jnp.int32),
        pltpu.VMEM((NBUF, BB), jnp.int32),
        pltpu.VMEM((NBUF, BB), jnp.int32),
        pltpu.VMEM((BB,), jnp.float32),
        pltpu.VMEM((1008,), jnp.float32),
        pltpu.VMEM_SHARED((N_ACC, CHANNELS), jnp.float32),
        pltpu.VMEM_SHARED((N_ACC,), jnp.float32),
        pltpu.SemaphoreType.DMA,
        pltpu.SemaphoreType.DMA,
        pltpu.SemaphoreType.DMA,
    ],
)


TC_BLK = 5000
TC_GRID = N_NODES // TC_BLK


def _tc_body(sums_ref, cnt_ref, gamma_ref, beta_ref, w_ref, b_ref, out_ref,
             acc_ref):
    i = pl.program_id(0)
    agg = sums_ref[...] / jnp.maximum(cnt_ref[...], 1.0)

    @pl.when(i < TC_GRID)
    def _():
        ps = jnp.sum(agg, axis=0, keepdims=True)
        pq = jnp.sum(agg * agg, axis=0, keepdims=True)
        blk = jnp.concatenate([ps, pq], axis=0)

        @pl.when(i == 0)
        def _():
            acc_ref[...] = blk

        @pl.when(i > 0)
        def _():
            acc_ref[...] += blk

    @pl.when(i >= TC_GRID)
    def _():
        stats = acc_ref[...]
        mu = stats[0:1, :] * (1.0 / N_NODES)
        var = stats[1:2, :] * (1.0 / N_NODES) - mu * mu
        scale = gamma_ref[...] * lax.rsqrt(var + 1e-5)
        shift = beta_ref[...] - mu * scale
        xb = agg * scale + shift
        y = lax.dot_general(xb, w_ref[...], (((1,), (1,)), ((), ())),
                            preferred_element_type=jnp.float32)
        out_ref[...] = jnp.maximum(y + b_ref[...], 0.0)


def kernel(x, sources, targets, gamma, beta, W, b):
    pad = E_PAD - N_EDGES
    pad_iota = jnp.arange(pad, dtype=jnp.int32)
    src_pad = pad_iota % N_NODES
    tgt_pad = jnp.full((pad,), N_NODES, jnp.int32)
    src2 = jnp.concatenate([jnp.asarray(sources, jnp.int32), src_pad]).reshape(NB, BB)
    tgt2 = jnp.concatenate([jnp.asarray(targets, jnp.int32), tgt_pad]).reshape(NB, BB)
    sums, cnt = _sc_scatter(x, src2, tgt2)
    cnt2 = cnt.reshape(N_NODES, 1)
    row_blk = lambda i: (i % TC_GRID, 0)
    rep_blk = lambda i: (0, 0)
    out = pl.pallas_call(
        _tc_body,
        grid=(2 * TC_GRID,),
        in_specs=[
            pl.BlockSpec((TC_BLK, CHANNELS), row_blk),
            pl.BlockSpec((TC_BLK, 1), row_blk),
            pl.BlockSpec((1, CHANNELS), rep_blk),
            pl.BlockSpec((1, CHANNELS), rep_blk),
            pl.BlockSpec((CHANNELS, CHANNELS), rep_blk),
            pl.BlockSpec((1, CHANNELS), rep_blk),
        ],
        out_specs=pl.BlockSpec((TC_BLK, CHANNELS), row_blk),
        out_shape=jax.ShapeDtypeStruct((N_NODES, CHANNELS), jnp.float32),
        scratch_shapes=[pltpu.VMEM((2, CHANNELS), jnp.float32)],
    )(sums, cnt2, gamma.reshape(1, CHANNELS), beta.reshape(1, CHANNELS),
      W, b.reshape(1, CHANNELS))
    return out

# --- scband reference (transcript-rebuilt; emitter-appended) ---
"""Pipeline reference for scband-conv-63926293234286 (READ-ONLY COPY).

The authoritative reference and input builder live on the scoring server;
editing this copy changes nothing except your own understanding.
"""

import jax, jax.numpy as jnp
import numpy as np

CHANNELS = 32
N_NODES = 50000
N_EDGES = 1600000


def setup_inputs(seed: int = 0) -> dict:
    key = jax.random.key(seed)
    ks = jax.random.split(key, 8)
    x = jax.random.normal(ks[0], (N_NODES, CHANNELS), dtype=jnp.float32)
    sources = jax.random.randint(ks[1], (N_EDGES,), 0, N_NODES, dtype=jnp.int64)
    targets = jax.random.randint(ks[2], (N_EDGES,), 0, N_NODES, dtype=jnp.int64)
    # BatchNorm1d affine params (gamma init 1, beta init 0 per torch default)
    gamma = jnp.ones((CHANNELS,), dtype=jnp.float32)
    beta = jnp.zeros((CHANNELS,), dtype=jnp.float32)
    # Linear(CHANNELS, CHANNELS) with xavier_normal_ weight
    std = float(np.sqrt(2.0 / (CHANNELS + CHANNELS)))
    W = jax.random.normal(ks[3], (CHANNELS, CHANNELS), dtype=jnp.float32) * std
    bound = float(1.0 / np.sqrt(CHANNELS))
    b = jax.random.uniform(ks[4], (CHANNELS,), dtype=jnp.float32, minval=-bound, maxval=bound)
    return {"x": x, "sources": sources, "targets": targets, "gamma": gamma, "beta": beta, "W": W, "b": b}


def reference(x, sources, targets, gamma, beta, W, b):
    N = x.shape[0]
    # scatter_mean(x[sources], targets, dim_size=N, dim=0)
    gathered = jnp.take(x, sources, axis=0)
    summed = jax.ops.segment_sum(gathered, targets, num_segments=N)
    counts = jax.ops.segment_sum(jnp.ones((sources.shape[0],), dtype=x.dtype), targets, num_segments=N)
    agg = summed / jnp.clip(counts, 1.0, None)[:, None]
    # BatchNorm1d (training mode: batch statistics, biased variance, eps=1e-5)
    mu = jnp.mean(agg, axis=0)
    var = jnp.var(agg, axis=0)
    xn = (agg - mu) / jnp.sqrt(var + 1e-5)
    xb = xn * gamma + beta
    # Linear + relu
    out = jax.nn.relu(xb @ W.T + b)
    return out

if __name__ == "__main__":
    import jax
    _d = setup_inputs()
    print(jax.jit(kernel)(*tuple(_d.values())))

</pallas_src>

<mosaic_0001>
#map = affine_map<(d0, d1) -> (0, 0)>
#map1 = affine_map<(d0, d1) -> (0)>
module attributes {stable_mosaic.version = 14 : i64} {
  func.func @_sc_body(%arg0: i32, %arg1: i32, %arg2: memref<50000x32xf32, #tpu.memory_space<hbm>>, %arg3: memref<12800x128xi32, #tpu.memory_space<hbm>>, %arg4: memref<12800x128xi32, #tpu.memory_space<hbm>>, %arg5: memref<50000x32xf32, #tpu.memory_space<hbm>>, %arg6: memref<50000xf32, #tpu.memory_space<hbm>>, %arg7: memref<2x40x128xi32, #tpu.memory_space<vmem>>, %arg8: memref<2x40x128xi32, #tpu.memory_space<vmem>>, %arg9: memref<1024x32xf32, #tpu.memory_space<vmem>>, %arg10: memref<5376xi32, #tpu.memory_space<vmem>>, %arg11: memref<5376xi32, #tpu.memory_space<vmem>>, %arg12: memref<8x128xi32, #tpu.memory_space<vmem>>, %arg13: memref<8x128xi32, #tpu.memory_space<vmem>>, %arg14: memref<128xf32, #tpu.memory_space<vmem>>, %arg15: memref<1008xf32, #tpu.memory_space<vmem>>, %arg16: memref<25512x32xf32, #tpu.memory_space<vmem_shared>>, %arg17: memref<25512xf32, #tpu.memory_space<vmem_shared>>, %arg18: memref<!tpu.dma_semaphore, #tpu.memory_space<semaphore_mem>>, %arg19: memref<!tpu.dma_semaphore, #tpu.memory_space<semaphore_mem>>, %arg20: memref<!tpu.dma_semaphore, #tpu.memory_space<semaphore_mem>>) attributes {dimension_semantics = [#tpu.dimension_semantics<core_parallel>, #tpu.dimension_semantics<subcore_parallel>], iteration_bounds = array<i64: 2, 16>, scalar_prefetch = 0 : i64, scratch_operands = 14 : i64, tpu.core_type = #tpu.core_type<sc_vector_subcore>, window_params = [{transform_indices = #map}, {transform_indices = #map}, {transform_indices = #map}, {transform_indices = #map}, {transform_indices = #map1}]} {
    %broadcast_in_dim3A = arith.constant 0.000000e+00 : f32
    %broadcast_in_dim3A_0 = vector.broadcast %broadcast_in_dim3A : f32 to vector<16xf32>
    %broadcast_in_dim3A_1 = arith.constant 1.000000e+00 : f32
    %broadcast_in_dim3A_2 = vector.broadcast %broadcast_in_dim3A_1 : f32 to vector<16xf32>
    %scan3A = arith.constant 0 : i32
    %scan3A_3 = arith.constant 0 : i32
    %scan3A_4 = arith.constant 1000 : i32
    %scan3A_5 = arith.addi %scan3A_3, %scan3A_4 : i32
    %scan3A_6 = arith.constant 1 : i32
    scf.for %scan3A_132 = %scan3A_3 to %scan3A_5 step %scan3A_6  : i32 {
      %swap3A = arith.index_cast %scan3A_132 : i32 to index
      %swap3A_133 = arith.constant 0 : index
      %swap3A_134 = tpu.vector_load %arg9[%swap3A, %swap3A_133] {strides = array<i32>} : memref<1024x32xf32, #tpu.memory_space<vmem>>, vector<16xf32>,
      tpu.vector_store %arg9[%swap3A, %swap3A_133], %broadcast_in_dim3A_0 {strides = array<i32>} : memref<1024x32xf32, #tpu.memory_space<vmem>>, vector<16xf32>,
      %swap3A_135 = arith.index_cast %scan3A_132 : i32 to index
      %swap3A_136 = arith.constant 16 : index
      %swap3A_137 = tpu.vector_load %arg9[%swap3A_135, %swap3A_136] {strides = array<i32>} : memref<1024x32xf32, #tpu.memory_space<vmem>>, vector<16xf32>,
      tpu.vector_store %arg9[%swap3A_135, %swap3A_136], %broadcast_in_dim3A_0 {strides = array<i32>} : memref<1024x32xf32, #tpu.memory_space<vmem>>, vector<16xf32>,
    }
    %scan3A_7 = arith.constant 1000 : i32
    %scan3A_8 = arith.constant 0 : i32
    %scan3A_9 = arith.constant 0 : i32
    %scan3A_10 = arith.constant 63 : i32
    %scan3A_11 = arith.addi %scan3A_9, %scan3A_10 : i32
    %scan3A_12 = arith.constant 1 : i32
    scf.for %scan3A_132 = %scan3A_9 to %scan3A_11 step %scan3A_12  : i32 {
      %mul3A_133 = arith.constant 16 : i32
      %mul3A_134 = arith.muli %scan3A_132, %mul3A_133 : i32
      %swap3A = arith.index_cast %mul3A_134 : i32 to index
      %swap3A_135 = tpu.vector_load %arg15[%swap3A] {strides = array<i32>} : memref<1008xf32, #tpu.memory_space<vmem>>, vector<16xf32>,
      tpu.vector_store %arg15[%swap3A], %broadcast_in_dim3A_0 {strides = array<i32>} : memref<1008xf32, #tpu.memory_space<vmem>>, vector<16xf32>,
    }
    %scan3A_13 = arith.constant 63 : i32
    %scan3A_14 = arith.constant 0 : i32
    %scan3A_15 = arith.constant 0 : i32
    %scan3A_16 = arith.constant 8 : i32
    %scan3A_17 = arith.addi %scan3A_15, %scan3A_16 : i32
    %scan3A_18 = arith.constant 1 : i32
    scf.for %scan3A_132 = %scan3A_15 to %scan3A_17 step %scan3A_18  : i32 {
      %mul3A_133 = arith.constant 16 : i32
      %mul3A_134 = arith.muli %scan3A_132, %mul3A_133 : i32
      %swap3A = arith.index_cast %mul3A_134 : i32 to index
      %swap3A_135 = tpu.vector_load %arg14[%swap3A] {strides = array<i32>} : memref<128xf32, #tpu.memory_space<vmem>>, vector<16xf32>,
      tpu.vector_store %arg14[%swap3A], %broadcast_in_dim3A_2 {strides = array<i32>} : memref<128xf32, #tpu.memory_space<vmem>>, vector<16xf32>,
    }
    %scan3A_19 = arith.constant 8 : i32
    %mul3A = arith.constant 1000 : i32
    %mul3A_20 = arith.muli %arg1, %mul3A : i32
    "tpu.region"() ({
      %run_scoped3A = tpu.sem_alloc : memref<!tpu.dma_semaphore, #tpu.memory_space<semaphore_mem>>
      %dma_start3A_132 = arith.constant 0 : i32
      %dma_start3A_133 = arith.constant 0 : i32
      %dma_start3A_134 = tpu.memref_slice %arg9[%dma_start3A_132, %dma_start3A_133] : memref<1024x32xf32, #tpu.memory_space<vmem>> -> memref<1000x32xf32, #tpu.memory_space<vmem>>
      %dma_start3A_135 = arith.constant 0 : i32
      %dma_start3A_136 = tpu.memref_slice %arg16[%mul3A_20, %dma_start3A_135] : memref<25512x32xf32, #tpu.memory_space<vmem_shared>> -> memref<1000x32xf32, #tpu.memory_space<vmem_shared>>
      %dma_start3A_137 = arith.constant 0 : i32
      %dma_start3A_138 = tpu.memref_slice %arg16[%mul3A_20, %dma_start3A_137] : memref<25512x32xf32, #tpu.memory_space<vmem_shared>> -> memref<1000x32xf32, #tpu.memory_space<vmem_shared>>
      %dma_start3A_139 = arith.constant 0 : i32
      %dma_start3A_140 = arith.constant 0 : i32
      %dma_start3A_141 = tpu.memref_slice %arg9[%dma_start3A_139, %dma_start3A_140] : memref<1024x32xf32, #tpu.memory_space<vmem>> -> memref<1000x32xf32, #tpu.memory_space<vmem>>
      tpu.enqueue_dma source(%dma_start3A_141 : memref<1000x32xf32, #tpu.memory_space<vmem>>) target(%dma_start3A_138 : memref<1000x32xf32, #tpu.memory_space<vmem_shared>>) target_semaphore(%run_scoped3A : memref<!tpu.dma_semaphore, #tpu.memory_space<semaphore_mem>>)
      %dma_wait3A_142 = arith.constant 0 : i32
      %dma_wait3A_143 = arith.constant 0 : i32
      %dma_wait3A_144 = tpu.memref_slice %arg9[%dma_wait3A_142, %dma_wait3A_143] : memref<1024x32xf32, #tpu.memory_space<vmem>> -> memref<1000x32xf32, #tpu.memory_space<vmem>>
      %dma_wait3A_145 = arith.constant 0 : i32
      %dma_wait3A_146 = tpu.memref_slice %arg16[%mul3A_20, %dma_wait3A_145] : memref<25512x32xf32, #tpu.memory_space<vmem_shared>> -> memref<1000x32xf32, #tpu.memory_space<vmem_shared>>
      %dma_wait3A_147 = arith.constant 0 : i32
      %dma_wait3A_148 = tpu.memref_slice %arg16[%mul3A_20, %dma_wait3A_147] : memref<25512x32xf32, #tpu.memory_space<vmem_shared>> -> memref<1000x32xf32, #tpu.memory_space<vmem_shared>>
      %dma_wait3A_149 = arith.constant 0 : i32
      %dma_wait3A_150 = arith.constant 0 : i32
      %dma_wait3A_151 = tpu.memref_slice %arg9[%dma_wait3A_149, %dma_wait3A_150] : memref<1024x32xf32, #tpu.memory_space<vmem>> -> memref<1000x32xf32, #tpu.memory_space<vmem>>
      tpu.wait_dma2 semaphore(%run_scoped3A : memref<!tpu.dma_semaphore, #tpu.memory_space<semaphore_mem>>) src(%dma_wait3A_151 : memref<1000x32xf32, #tpu.memory_space<vmem>>) dst(%dma_wait3A_148 : memref<1000x32xf32, #tpu.memory_space<vmem_shared>>)
      tpu.yield
    }) : () -> ()
    %mul3A_21 = arith.constant 1000 : i32
    %mul3A_22 = arith.muli %arg1, %mul3A_21 : i32
    "tpu.region"() ({
      %run_scoped3A = tpu.sem_alloc : memref<!tpu.dma_semaphore, #tpu.memory_space<semaphore_mem>>
      %dma_start3A_132 = arith.constant 0 : i32
      %dma_start3A_133 = tpu.memref_slice %arg15[%dma_start3A_132] : memref<1008xf32, #tpu.memory_space<vmem>> -> memref<1000xf32, #tpu.memory_space<vmem>>
      %dma_start3A_134 = tpu.memref_slice %arg17[%mul3A_22] : memref<25512xf32, #tpu.memory_space<vmem_shared>> -> memref<1000xf32, #tpu.memory_space<vmem_shared>>
      %dma_start3A_135 = tpu.memref_slice %arg17[%mul3A_22] : memref<25512xf32, #tpu.memory_space<vmem_shared>> -> memref<1000xf32, #tpu.memory_space<vmem_shared>>
      %dma_start3A_136 = arith.constant 0 : i32
      %dma_start3A_137 = tpu.memref_slice %arg15[%dma_start3A_136] : memref<1008xf32, #tpu.memory_space<vmem>> -> memref<1000xf32, #tpu.memory_space<vmem>>
      tpu.enqueue_dma source(%dma_start3A_137 : memref<1000xf32, #tpu.memory_space<vmem>>) target(%dma_start3A_135 : memref<1000xf32, #tpu.memory_space<vmem_shared>>) target_semaphore(%run_scoped3A : memref<!tpu.dma_semaphore, #tpu.memory_space<semaphore_mem>>)
      %dma_wait3A_138 = arith.constant 0 : i32
      %dma_wait3A_139 = tpu.memref_slice %arg15[%dma_wait3A_138] : memref<1008xf32, #tpu.memory_space<vmem>> -> memref<1000xf32, #tpu.memory_space<vmem>>
      %dma_wait3A_140 = tpu.memref_slice %arg17[%mul3A_22] : memref<25512xf32, #tpu.memory_space<vmem_shared>> -> memref<1000xf32, #tpu.memory_space<vmem_shared>>
      %dma_wait3A_141 = tpu.memref_slice %arg17[%mul3A_22] : memref<25512xf32, #tpu.memory_space<vmem_shared>> -> memref<1000xf32, #tpu.memory_space<vmem_shared>>
      %dma_wait3A_142 = arith.constant 0 : i32
      %dma_wait3A_143 = tpu.memref_slice %arg15[%dma_wait3A_142] : memref<1008xf32, #tpu.memory_space<vmem>> -> memref<1000xf32, #tpu.memory_space<vmem>>
      tpu.wait_dma2 semaphore(%run_scoped3A : memref<!tpu.dma_semaphore, #tpu.memory_space<semaphore_mem>>) src(%dma_wait3A_143 : memref<1000xf32, #tpu.memory_space<vmem>>) dst(%dma_wait3A_141 : memref<1000xf32, #tpu.memory_space<vmem_shared>>)
      tpu.yield
    }) : () -> ()
    %lt3A = arith.constant 9 : i32
    %lt3A_23 = arith.cmpi slt, %arg1, %lt3A : i32
    %convert_element_type3A = arith.extui %lt3A_23 : i1 to i32
    %cond3A = arith.constant 0 : i32
    %cond3A_24 = arith.cmpi ne, %convert_element_type3A, %cond3A : i32
    scf.if %cond3A_24 {
      %add3A_132 = arith.constant 16 : i32
      %add3A_133 = arith.addi %add3A_132, %arg1 : i32
      %mul3A_134 = arith.constant 1000 : i32
      %mul3A_135 = arith.muli %add3A_133, %mul3A_134 : i32
      "tpu.region"() ({
        %run_scoped3A = tpu.sem_alloc : memref<!tpu.dma_semaphore, #tpu.memory_space<semaphore_mem>>
        %dma_start3A_138 = arith.constant 0 : i32
        %dma_start3A_139 = arith.constant 0 : i32
        %dma_start3A_140 = tpu.memref_slice %arg9[%dma_start3A_138, %dma_start3A_139] : memref<1024x32xf32, #tpu.memory_space<vmem>> -> memref<1000x32xf32, #tpu.memory_space<vmem>>
        %dma_start3A_141 = arith.constant 0 : i32
        %dma_start3A_142 = tpu.memref_slice %arg16[%mul3A_135, %dma_start3A_141] : memref<25512x32xf32, #tpu.memory_space<vmem_shared>> -> memref<1000x32xf32, #tpu.memory_space<vmem_shared>>
        %dma_start3A_143 = arith.constant 0 : i32
        %dma_start3A_144 = tpu.memref_slice %arg16[%mul3A_135, %dma_start3A_143] : memref<25512x32xf32, #tpu.memory_space<vmem_shared>> -> memref<1000x32xf32, #tpu.memory_space<vmem_shared>>
        %dma_start3A_145 = arith.constant 0 : i32
        %dma_start3A_146 = arith.constant 0 : i32
        %dma_start3A_147 = tpu.memref_slice %arg9[%dma_start3A_145, %dma_start3A_146] : memref<1024x32xf32, #tpu.memory_space<vmem>> -> memref<1000x32xf32, #tpu.memory_space<vmem>>
        tpu.enqueue_dma source(%dma_start3A_147 : memref<1000x32xf32, #tpu.memory_space<vmem>>) target(%dma_start3A_144 : memref<1000x32xf32, #tpu.memory_space<vmem_shared>>) target_semaphore(%run_scoped3A : memref<!tpu.dma_semaphore, #tpu.memory_space<semaphore_mem>>)
        %dma_wait3A_148 = arith.constant 0 : i32
        %dma_wait3A_149 = arith.constant 0 : i32
        %dma_wait3A_150 = tpu.memref_slice %arg9[%dma_wait3A_148, %dma_wait3A_149] : memref<1024x32xf32, #tpu.memory_space<vmem>> -> memref<1000x32xf32, #tpu.memory_space<vmem>>
        %dma_wait3A_151 = arith.constant 0 : i32
        %dma_wait3A_152 = tpu.memref_slice %arg16[%mul3A_135, %dma_wait3A_151] : memref<25512x32xf32, #tpu.memory_space<vmem_shared>> -> memref<1000x32xf32, #tpu.memory_space<vmem_shared>>
        %dma_wait3A_153 = arith.constant 0 : i32
        %dma_wait3A_154 = tpu.memref_slice %arg16[%mul3A_135, %dma_wait3A_153] : memref<25512x32xf32, #tpu.memory_space<vmem_shared>> -> memref<1000x32xf32, #tpu.memory_space<vmem_shared>>
        %dma_wait3A_155 = arith.constant 0 : i32
        %dma_wait3A_156 = arith.constant 0 : i32
        %dma_wait3A_157 = tpu.memref_slice %arg9[%dma_wait3A_155, %dma_wait3A_156] : memref<1024x32xf32, #tpu.memory_space<vmem>> -> memref<1000x32xf32, #tpu.memory_space<vmem>>
        tpu.wait_dma2 semaphore(%run_scoped3A : memref<!tpu.dma_semaphore, #tpu.memory_space<semaphore_mem>>) src(%dma_wait3A_157 : memref<1000x32xf32, #tpu.memory_space<vmem>>) dst(%dma_wait3A_154 : memref<1000x32xf32, #tpu.memory_space<vmem_shared>>)
        tpu.yield
      }) : () -> ()
      %mul3A_136 = arith.constant 1000 : i32
      %mul3A_137 = arith.muli %add3A_133, %mul3A_136 : i32
      "tpu.region"() ({
        %run_scoped3A = tpu.sem_alloc : memref<!tpu.dma_semaphore, #tpu.memory_space<semaphore_mem>>
        %dma_start3A_138 = arith.constant 0 : i32
        %dma_start3A_139 = tpu.memref_slice %arg15[%dma_start3A_138] : memref<1008xf32, #tpu.memory_space<vmem>> -> memref<1000xf32, #tpu.memory_space<vmem>>
        %dma_start3A_140 = tpu.memref_slice %arg17[%mul3A_137] : memref<25512xf32, #tpu.memory_space<vmem_shared>> -> memref<1000xf32, #tpu.memory_space<vmem_shared>>
        %dma_start3A_141 = tpu.memref_slice %arg17[%mul3A_137] : memref<25512xf32, #tpu.memory_space<vmem_shared>> -> memref<1000xf32, #tpu.memory_space<vmem_shared>>
        %dma_start3A_142 = arith.constant 0 : i32
        %dma_start3A_143 = tpu.memref_slice %arg15[%dma_start3A_142] : memref<1008xf32, #tpu.memory_space<vmem>> -> memref<1000xf32, #tpu.memory_space<vmem>>
        tpu.enqueue_dma source(%dma_start3A_143 : memref<1000xf32, #tpu.memory_space<vmem>>) target(%dma_start3A_141 : memref<1000xf32, #tpu.memory_space<vmem_shared>>) target_semaphore(%run_scoped3A : memref<!tpu.dma_semaphore, #tpu.memory_space<semaphore_mem>>)
        %dma_wait3A_144 = arith.constant 0 : i32
        %dma_wait3A_145 = tpu.memref_slice %arg15[%dma_wait3A_144] : memref<1008xf32, #tpu.memory_space<vmem>> -> memref<1000xf32, #tpu.memory_space<vmem>>
        %dma_wait3A_146 = tpu.memref_slice %arg17[%mul3A_137] : memref<25512xf32, #tpu.memory_space<vmem_shared>> -> memref<1000xf32, #tpu.memory_space<vmem_shared>>
        %dma_wait3A_147 = tpu.memref_slice %arg17[%mul3A_137] : memref<25512xf32, #tpu.memory_space<vmem_shared>> -> memref<1000xf32, #tpu.memory_space<vmem_shared>>
        %dma_wait3A_148 = arith.constant 0 : i32
        %dma_wait3A_149 = tpu.memref_slice %arg15[%dma_wait3A_148] : memref<1008xf32, #tpu.memory_space<vmem>> -> memref<1000xf32, #tpu.memory_space<vmem>>
        tpu.wait_dma2 semaphore(%run_scoped3A : memref<!tpu.dma_semaphore, #tpu.memory_space<semaphore_mem>>) src(%dma_wait3A_149 : memref<1000xf32, #tpu.memory_space<vmem>>) dst(%dma_wait3A_147 : memref<1000xf32, #tpu.memory_space<vmem_shared>>)
        tpu.yield
      }) : () -> ()
    } else {
    }
    %barrier3A = arith.constant 0 : index
    tpu.barrier barrier_id(%barrier3A)
    %mul3A_25 = arith.constant 25000 : i32
    %mul3A_26 = arith.muli %arg0, %mul3A_25 : i32
    %mul3A_27 = arith.constant 800 : i32
    %mul3A_28 = arith.muli %arg1, %mul3A_27 : i32
    %add3A = arith.constant 0 : i32
    %add3A_29 = arith.addi %mul3A_28, %add3A : i32
    %dma_start3A = arith.constant 0 : i32
    %dma_start3A_30 = arith.constant 0 : i32
    %dma_start3A_31 = arith.constant 0 : i32
    %dma_start3A_32 = tpu.memref_slice %arg7[%dma_start3A, %dma_start3A_30, %dma_start3A_31] : memref<2x40x128xi32, #tpu.memory_space<vmem>> -> memref<1x40x128xi32, #tpu.memory_space<vmem>>
    %dma_start3A_33 = tpu.memref_squeeze %dma_start3A_32 : memref<1x40x128xi32, #tpu.memory_space<vmem>> -> memref<40x128xi32, #tpu.memory_space<vmem>>
    %dma_start3A_34 = arith.constant 0 : i32
    %dma_start3A_35 = tpu.memref_slice %arg3[%add3A_29, %dma_start3A_34] : memref<12800x128xi32, #tpu.memory_space<hbm>> -> memref<40x128xi32, #tpu.memory_space<hbm>>
    %dma_start3A_36 = arith.constant 0 : i32
    %dma_start3A_37 = arith.constant 0 : i32
    %dma_start3A_38 = tpu.memref_slice %arg7[%dma_start3A, %dma_start3A_36, %dma_start3A_37] : memref<2x40x128xi32, #tpu.memory_space<vmem>> -> memref<1x40x128xi32, #tpu.memory_space<vmem>>
    %dma_start3A_39 = tpu.memref_squeeze %dma_start3A_38 : memref<1x40x128xi32, #tpu.memory_space<vmem>> -> memref<40x128xi32, #tpu.memory_space<vmem>>
    %dma_start3A_40 = arith.constant 0 : i32
    %dma_start3A_41 = tpu.memref_slice %arg3[%add3A_29, %dma_start3A_40] : memref<12800x128xi32, #tpu.memory_space<hbm>> -> memref<40x128xi32, #tpu.memory_space<hbm>>
    tpu.enqueue_dma source(%dma_start3A_41 : memref<40x128xi32, #tpu.memory_space<hbm>>) target(%dma_start3A_39 : memref<40x128xi32, #tpu.memory_space<vmem>>) target_semaphore(%arg20 : memref<!tpu.dma_semaphore, #tpu.memory_space<semaphore_mem>>)
    %add3A_42 = arith.constant 0 : i32
    %add3A_43 = arith.addi %mul3A_28, %add3A_42 : i32
    %dma_start3A_44 = arith.constant 0 : i32
    %dma_start3A_45 = arith.constant 0 : i32
    %dma_start3A_46 = arith.constant 0 : i32
    %dma_start3A_47 = tpu.memref_slice %arg8[%dma_start3A_44, %dma_start3A_45, %dma_start3A_46] : memref<2x40x128xi32, #tpu.memory_space<vmem>> -> memref<1x40x128xi32, #tpu.memory_space<vmem>>
    %dma_start3A_48 = tpu.memref_squeeze %dma_start3A_47 : memref<1x40x128xi32, #tpu.memory_space<vmem>> -> memref<40x128xi32, #tpu.memory_space<vmem>>
    %dma_start3A_49 = arith.constant 0 : i32
    %dma_start3A_50 = tpu.memref_slice %arg4[%add3A_43, %dma_start3A_49] : memref<12800x128xi32, #tpu.memory_space<hbm>> -> memref<40x128xi32, #tpu.memory_space<hbm>>
    %dma_start3A_51 = arith.constant 0 : i32
    %dma_start3A_52 = arith.constant 0 : i32
    %dma_start3A_53 = tpu.memref_slice %arg8[%dma_start3A_44, %dma_start3A_51, %dma_start3A_52] : memref<2x40x128xi32, #tpu.memory_space<vmem>> -> memref<1x40x128xi32, #tpu.memory_space<vmem>>
    %dma_start3A_54 = tpu.memref_squeeze %dma_start3A_53 : memref<1x40x128xi32, #tpu.memory_space<vmem>> -> memref<40x128xi32, #tpu.memory_space<vmem>>
    %dma_start3A_55 = arith.constant 0 : i32
    %dma_start3A_56 = tpu.memref_slice %arg4[%add3A_43, %dma_start3A_55] : memref<12800x128xi32, #tpu.memory_space<hbm>> -> memref<40x128xi32, #tpu.memory_space<hbm>>
    tpu.enqueue_dma source(%dma_start3A_56 : memref<40x128xi32, #tpu.memory_space<hbm>>) target(%dma_start3A_54 : memref<40x128xi32, #tpu.memory_space<vmem>>) target_semaphore(%arg20 : memref<!tpu.dma_semaphore, #tpu.memory_space<semaphore_mem>>)
    %dma_wait3A = arith.constant 0 : i32
    %dma_wait3A_57 = arith.constant 0 : i32
    %dma_wait3A_58 = arith.constant 0 : i32
    %dma_wait3A_59 = tpu.memref_slice %arg7[%dma_wait3A, %dma_wait3A_57, %dma_wait3A_58] : memref<2x40x128xi32, #tpu.memory_space<vmem>> -> memref<1x40x128xi32, #tpu.memory_space<vmem>>
    %dma_wait3A_60 = tpu.memref_squeeze %dma_wait3A_59 : memref<1x40x128xi32, #tpu.memory_space<vmem>> -> memref<40x128xi32, #tpu.memory_space<vmem>>
    %dma_wait3A_61 = arith.constant 0 : i32
    %dma_wait3A_62 = arith.constant 0 : i32
    %dma_wait3A_63 = tpu.memref_slice %arg3[%dma_wait3A_61, %dma_wait3A_62] : memref<12800x128xi32, #tpu.memory_space<hbm>> -> memref<40x128xi32, #tpu.memory_space<hbm>>
    %dma_wait3A_64 = arith.constant 0 : i32
    %dma_wait3A_65 = arith.constant 0 : i32
    %dma_wait3A_66 = tpu.memref_slice %arg7[%dma_wait3A, %dma_wait3A_64, %dma_wait3A_65] : memref<2x40x128xi32, #tpu.memory_space<vmem>> -> memref<1x40x128xi32, #tpu.memory_space<vmem>>
    %dma_wait3A_67 = tpu.memref_squeeze %dma_wait3A_66 : memref<1x40x128xi32, #tpu.memory_space<vmem>> -> memref<40x128xi32, #tpu.memory_space<vmem>>
    %dma_wait3A_68 = arith.constant 0 : i32
    %dma_wait3A_69 = arith.constant 0 : i32
    %dma_wait3A_70 = tpu.memref_slice %arg3[%dma_wait3A_68, %dma_wait3A_69] : memref<12800x128xi32, #tpu.memory_space<hbm>> -> memref<40x128xi32, #tpu.memory_space<hbm>>
    tpu.wait_dma2 semaphore(%arg20 : memref<!tpu.dma_semaphore, #tpu.memory_space<semaphore_mem>>) src(%dma_wait3A_70 : memref<40x128xi32, #tpu.memory_space<hbm>>) dst(%dma_wait3A_67 : memref<40x128xi32, #tpu.memory_space<vmem>>)
    %dma_wait3A_71 = arith.constant 0 : i32
    %dma_wait3A_72 = arith.constant 0 : i32
    %dma_wait3A_73 = arith.constant 0 : i32
    %dma_wait3A_74 = tpu.memref_slice %arg8[%dma_wait3A_71, %dma_wait3A_72, %dma_wait3A_73] : memref<2x40x128xi32, #tpu.memory_space<vmem>> -> memref<1x40x128xi32, #tpu.memory_space<vmem>>
    %dma_wait3A_75 = tpu.memref_squeeze %dma_wait3A_74 : memref<1x40x128xi32, #tpu.memory_space<vmem>> -> memref<40x128xi32, #tpu.memory_space<vmem>>
    %dma_wait3A_76 = arith.constant 0 : i32
    %dma_wait3A_77 = arith.constant 0 : i32
    %dma_wait3A_78 = tpu.memref_slice %arg4[%dma_wait3A_76, %dma_wait3A_77] : memref<12800x128xi32, #tpu.memory_space<hbm>> -> memref<40x128xi32, #tpu.memory_space<hbm>>
    %dma_wait3A_79 = arith.constant 0 : i32
    %dma_wait3A_80 = arith.constant 0 : i32
    %dma_wait3A_81 = tpu.memref_slice %arg8[%dma_wait3A_71, %dma_wait3A_79, %dma_wait3A_80] : memref<2x40x128xi32, #tpu.memory_space<vmem>> -> memref<1x40x128xi32, #tpu.memory_space<vmem>>
    %dma_wait3A_82 = tpu.memref_squeeze %dma_wait3A_81 : memref<1x40x128xi32, #tpu.memory_space<vmem>> -> memref<40x128xi32, #tpu.memory_space<vmem>>
    %dma_wait3A_83 = arith.constant 0 : i32
    %dma_wait3A_84 = arith.constant 0 : i32
    %dma_wait3A_85 = tpu.memref_slice %arg4[%dma_wait3A_83, %dma_wait3A_84] : memref<12800x128xi32, #tpu.memory_space<hbm>> -> memref<40x128xi32, #tpu.memory_space<hbm>>
    tpu.wait_dma2 semaphore(%arg20 : memref<!tpu.dma_semaphore, #tpu.memory_space<semaphore_mem>>) src(%dma_wait3A_85 : memref<40x128xi32, #tpu.memory_space<hbm>>) dst(%dma_wait3A_82 : memref<40x128xi32, #tpu.memory_space<vmem>>)
    %scan3A_86 = arith.constant 0 : i32
    %scan3A_87 = arith.constant 0 : i32
    %scan3A_88 = arith.constant 0 : i32
    %scan3A_89 = arith.constant 0 : i32
    %scan3A_90 = arith.constant 0 : i32
    %scan3A_91 = arith.constant 20 : i32
    %scan3A_92 = arith.addi %scan3A_90, %scan3A_91 : i32
    %scan3A_93 = arith.constant 1 : i32
    %scan3A_94:4 = scf.for %scan3A_132 = %scan3A_90 to %scan3A_92 step %scan3A_93 iter_args(%scan3A_133 = %scan3A_86, %scan3A_134 = %scan3A_87, %scan3A_135 = %scan3A_88, %scan3A_136 = %scan3A_89) -> (i32, i32, i32, i32)  : i32 {
      %jit3A = arith.constant 2 : i32
      %eq3A = arith.constant 0 : i32
      %eq3A_137 = arith.cmpi eq, %jit3A, %eq3A : i32
      %jit3A_138 = arith.constant 1 : i32
      %select_n3A = arith.select %eq3A_137, %jit3A_138, %jit3A : i32
      %rem3A = arith.remsi %scan3A_132, %select_n3A : i32
      %ne3A = arith.constant 0 : i32
      %ne3A_139 = arith.cmpi ne, %rem3A, %ne3A : i32
      %lt3A_140 = arith.constant 0 : i32
      %lt3A_141 = arith.cmpi slt, %rem3A, %lt3A_140 : i32
      %lt3A_142 = arith.constant 0 : i32
      %lt3A_143 = arith.cmpi slt, %select_n3A, %lt3A_142 : i32
      %ne3A_144 = arith.xori %lt3A_141, %lt3A_143 : i1
      %and3A = arith.andi %ne3A_144, %ne3A_139 : i1
      %add3A_145 = arith.addi %rem3A, %select_n3A : i32
      %select_n3A_146 = arith.select %and3A, %add3A_145, %rem3A : i32
      %add3A_147 = arith.constant 1 : i32
      %add3A_148 = arith.addi %scan3A_132, %add3A_147 : i32
      %lt3A_149 = arith.constant 20 : i32
      %lt3A_150 = arith.cmpi slt, %add3A_148, %lt3A_149 : i32
      %convert_element_type3A_151 = arith.extui %lt3A_150 : i1 to i32
      %cond3A_152 = arith.constant 0 : i32
      %cond3A_153 = arith.cmpi ne, %convert_element_type3A_151, %cond3A_152 : i32
      scf.if %cond3A_153 {
        %add3A_210 = arith.constant 1 : i32
        %add3A_211 = arith.addi %scan3A_132, %add3A_210 : i32
        %mul3A_212 = arith.constant 40 : i32
        %mul3A_213 = arith.muli %add3A_211, %mul3A_212 : i32
        %add3A_214 = arith.addi %mul3A_28, %mul3A_213 : i32
        %jit3A_215 = arith.constant 2 : i32
        %eq3A_216 = arith.constant 0 : i32
        %eq3A_217 = arith.cmpi eq, %jit3A_215, %eq3A_216 : i32
        %jit3A_218 = arith.constant 1 : i32
        %select_n3A_219 = arith.select %eq3A_217, %jit3A_218, %jit3A_215 : i32
        %rem3A_220 = arith.remsi %add3A_211, %select_n3A_219 : i32
        %ne3A_221 = arith.constant 0 : i32
        %ne3A_222 = arith.cmpi ne, %rem3A_220, %ne3A_221 : i32
        %lt3A_223 = arith.constant 0 : i32
        %lt3A_224 = arith.cmpi slt, %rem3A_220, %lt3A_223 : i32
        %lt3A_225 = arith.constant 0 : i32
        %lt3A_226 = arith.cmpi slt, %select_n3A_219, %lt3A_225 : i32
        %ne3A_227 = arith.xori %lt3A_224, %lt3A_226 : i1
        %and3A_228 = arith.andi %ne3A_227, %ne3A_222 : i1
        %add3A_229 = arith.addi %rem3A_220, %select_n3A_219 : i32
        %select_n3A_230 = arith.select %and3A_228, %add3A_229, %rem3A_220 : i32
        %dma_start3A_231 = arith.constant 0 : i32
        %dma_start3A_232 = arith.constant 0 : i32
        %dma_start3A_233 = tpu.memref_slice %arg7[%select_n3A_230, %dma_start3A_231, %dma_start3A_232] : memref<2x40x128xi32, #tpu.memory_space<vmem>> -> memref<1x40x128xi32, #tpu.memory_space<vmem>>
        %dma_start3A_234 = tpu.memref_squeeze %dma_start3A_233 : memref<1x40x128xi32, #tpu.memory_space<vmem>> -> memref<40x128xi32, #tpu.memory_space<vmem>>
        %dma_start3A_235 = arith.constant 0 : i32
        %dma_start3A_236 = tpu.memref_slice %arg3[%add3A_214, %dma_start3A_235] : memref<12800x128xi32, #tpu.memory_space<hbm>> -> memref<40x128xi32, #tpu.memory_space<hbm>>
        %dma_start3A_237 = arith.constant 0 : i32
        %dma_start3A_238 = arith.constant 0 : i32
        %dma_start3A_239 = tpu.memref_slice %arg7[%select_n3A_230, %dma_start3A_237, %dma_start3A_238] : memref<2x40x128xi32, #tpu.memory_space<vmem>> -> memref<1x40x128xi32, #tpu.memory_space<vmem>>
        %dma_start3A_240 = tpu.memref_squeeze %dma_start3A_239 : memref<1x40x128xi32, #tpu.memory_space<vmem>> -> memref<40x128xi32, #tpu.memory_space<vmem>>
        %dma_start3A_241 = arith.constant 0 : i32
        %dma_start3A_242 = tpu.memref_slice %arg3[%add3A_214, %dma_start3A_241] : memref<12800x128xi32, #tpu.memory_space<hbm>> -> memref<40x128xi32, #tpu.memory_space<hbm>>
        tpu.enqueue_dma source(%dma_start3A_242 : memref<40x128xi32, #tpu.memory_space<hbm>>) target(%dma_start3A_240 : memref<40x128xi32, #tpu.memory_space<vmem>>) target_semaphore(%arg20 : memref<!tpu.dma_semaphore, #tpu.memory_space<semaphore_mem>>)
        %mul3A_243 = arith.constant 40 : i32
        %mul3A_244 = arith.muli %add3A_211, %mul3A_243 : i32
        %add3A_245 = arith.addi %mul3A_28, %mul3A_244 : i32
        %jit3A_246 = arith.constant 2 : i32
        %eq3A_247 = arith.constant 0 : i32
        %eq3A_248 = arith.cmpi eq, %jit3A_246, %eq3A_247 : i32
        %jit3A_249 = arith.constant 1 : i32
        %select_n3A_250 = arith.select %eq3A_248, %jit3A_249, %jit3A_246 : i32
        %rem3A_251 = arith.remsi %add3A_211, %select_n3A_250 : i32
        %ne3A_252 = arith.constant 0 : i32
        %ne3A_253 = arith.cmpi ne, %rem3A_251, %ne3A_252 : i32
        %lt3A_254 = arith.constant 0 : i32
        %lt3A_255 = arith.cmpi slt, %rem3A_251, %lt3A_254 : i32
        %lt3A_256 = arith.constant 0 : i32
        %lt3A_257 = arith.cmpi slt, %select_n3A_250, %lt3A_256 : i32
        %ne3A_258 = arith.xori %lt3A_255, %lt3A_257 : i1
        %and3A_259 = arith.andi %ne3A_258, %ne3A_253 : i1
        %add3A_260 = arith.addi %rem3A_251, %select_n3A_250 : i32
        %select_n3A_261 = arith.select %and3A_259, %add3A_260, %rem3A_251 : i32
        %dma_start3A_262 = arith.constant 0 : i32
        %dma_start3A_263 = arith.constant 0 : i32
        %dma_start3A_264 = tpu.memref_slice %arg8[%select_n3A_261, %dma_start3A_262, %dma_start3A_263] : memref<2x40x128xi32, #tpu.memory_space<vmem>> -> memref<1x40x128xi32, #tpu.memory_space<vmem>>
        %dma_start3A_265 = tpu.memref_squeeze %dma_start3A_264 : memref<1x40x128xi32, #tpu.memory_space<vmem>> -> memref<40x128xi32, #tpu.memory_space<vmem>>
        %dma_start3A_266 = arith.constant 0 : i32
        %dma_start3A_267 = tpu.memref_slice %arg4[%add3A_245, %dma_start3A_266] : memref<12800x128xi32, #tpu.memory_space<hbm>> -> memref<40x128xi32, #tpu.memory_space<hbm>>
        %dma_start3A_268 = arith.constant 0 : i32
        %dma_start3A_269 = arith.constant 0 : i32
        %dma_start3A_270 = tpu.memref_slice %arg8[%select_n3A_261, %dma_start3A_268, %dma_start3A_269] : memref<2x40x128xi32, #tpu.memory_space<vmem>> -> memref<1x40x128xi32, #tpu.memory_space<vmem>>
        %dma_start3A_271 = tpu.memref_squeeze %dma_start3A_270 : memref<1x40x128xi32, #tpu.memory_space<vmem>> -> memref<40x128xi32, #tpu.memory_space<vmem>>
        %dma_start3A_272 = arith.constant 0 : i32
        %dma_start3A_273 = tpu.memref_slice %arg4[%add3A_245, %dma_start3A_272] : memref<12800x128xi32, #tpu.memory_space<hbm>> -> memref<40x128xi32, #tpu.memory_space<hbm>>
        tpu.enqueue_dma source(%dma_start3A_273 : memref<40x128xi32, #tpu.memory_space<hbm>>) target(%dma_start3A_271 : memref<40x128xi32, #tpu.memory_space<vmem>>) target_semaphore(%arg20 : memref<!tpu.dma_semaphore, #tpu.memory_space<semaphore_mem>>)
      } else {
      }
      %gt3A_154 = arith.constant 0 : i32
      %gt3A_155 = arith.cmpi sgt, %scan3A_132, %gt3A_154 : i32
      %convert_element_type3A_156 = arith.extui %gt3A_155 : i1 to i32
      %cond3A_157 = arith.constant 0 : i32
      %cond3A_158 = arith.cmpi ne, %convert_element_type3A_156, %cond3A_157 : i32
      scf.if %cond3A_158 {
        %dma_wait3A_210 = arith.constant 0 : i32
        %dma_wait3A_211 = arith.constant 0 : i32
        %dma_wait3A_212 = arith.constant 0 : i32
        %dma_wait3A_213 = tpu.memref_slice %arg7[%dma_wait3A_210, %dma_wait3A_211, %dma_wait3A_212] : memref<2x40x128xi32, #tpu.memory_space<vmem>> -> memref<1x40x128xi32, #tpu.memory_space<vmem>>
        %dma_wait3A_214 = tpu.memref_squeeze %dma_wait3A_213 : memref<1x40x128xi32, #tpu.memory_space<vmem>> -> memref<40x128xi32, #tpu.memory_space<vmem>>
        %dma_wait3A_215 = arith.constant 0 : i32
        %dma_wait3A_216 = arith.constant 0 : i32
        %dma_wait3A_217 = tpu.memref_slice %arg3[%dma_wait3A_215, %dma_wait3A_216] : memref<12800x128xi32, #tpu.memory_space<hbm>> -> memref<40x128xi32, #tpu.memory_space<hbm>>
        %dma_wait3A_218 = arith.constant 0 : i32
        %dma_wait3A_219 = arith.constant 0 : i32
        %dma_wait3A_220 = tpu.memref_slice %arg7[%dma_wait3A_210, %dma_wait3A_218, %dma_wait3A_219] : memref<2x40x128xi32, #tpu.memory_space<vmem>> -> memref<1x40x128xi32, #tpu.memory_space<vmem>>
        %dma_wait3A_221 = tpu.memref_squeeze %dma_wait3A_220 : memref<1x40x128xi32, #tpu.memory_space<vmem>> -> memref<40x128xi32, #tpu.memory_space<vmem>>
        %dma_wait3A_222 = arith.constant 0 : i32
        %dma_wait3A_223 = arith.constant 0 : i32
        %dma_wait3A_224 = tpu.memref_slice %arg3[%dma_wait3A_222, %dma_wait3A_223] : memref<12800x128xi32, #tpu.memory_space<hbm>> -> memref<40x128xi32, #tpu.memory_space<hbm>>
        tpu.wait_dma2 semaphore(%arg20 : memref<!tpu.dma_semaphore, #tpu.memory_space<semaphore_mem>>) src(%dma_wait3A_224 : memref<40x128xi32, #tpu.memory_space<hbm>>) dst(%dma_wait3A_221 : memref<40x128xi32, #tpu.memory_space<vmem>>)
        %dma_wait3A_225 = arith.constant 0 : i32
        %dma_wait3A_226 = arith.constant 0 : i32
        %dma_wait3A_227 = arith.constant 0 : i32
        %dma_wait3A_228 = tpu.memref_slice %arg8[%dma_wait3A_225, %dma_wait3A_226, %dma_wait3A_227] : memref<2x40x128xi32, #tpu.memory_space<vmem>> -> memref<1x40x128xi32, #tpu.memory_space<vmem>>
        %dma_wait3A_229 = tpu.memref_squeeze %dma_wait3A_228 : memref<1x40x128xi32, #tpu.memory_space<vmem>> -> memref<40x128xi32, #tpu.memory_space<vmem>>
        %dma_wait3A_230 = arith.constant 0 : i32
        %dma_wait3A_231 = arith.constant 0 : i32
        %dma_wait3A_232 = tpu.memref_slice %arg4[%dma_wait3A_230, %dma_wait3A_231] : memref<12800x128xi32, #tpu.memory_space<hbm>> -> memref<40x128xi32, #tpu.memory_space<hbm>>
        %dma_wait3A_233 = arith.constant 0 : i32
        %dma_wait3A_234 = arith.constant 0 : i32
        %dma_wait3A_235 = tpu.memref_slice %arg8[%dma_wait3A_225, %dma_wait3A_233, %dma_wait3A_234] : memref<2x40x128xi32, #tpu.memory_space<vmem>> -> memref<1x40x128xi32, #tpu.memory_space<vmem>>
        %dma_wait3A_236 = tpu.memref_squeeze %dma_wait3A_235 : memref<1x40x128xi32, #tpu.memory_space<vmem>> -> memref<40x128xi32, #tpu.memory_space<vmem>>
        %dma_wait3A_237 = arith.constant 0 : i32
        %dma_wait3A_238 = arith.constant 0 : i32
        %dma_wait3A_239 = tpu.memref_slice %arg4[%dma_wait3A_237, %dma_wait3A_238] : memref<12800x128xi32, #tpu.memory_space<hbm>> -> memref<40x128xi32, #tpu.memory_space<hbm>>
        tpu.wait_dma2 semaphore(%arg20 : memref<!tpu.dma_semaphore, #tpu.memory_space<semaphore_mem>>) src(%dma_wait3A_239 : memref<40x128xi32, #tpu.memory_space<hbm>>) dst(%dma_wait3A_236 : memref<40x128xi32, #tpu.memory_space<vmem>>)
      } else {
      }
      %scan3A_159 = arith.constant 0 : i32
      %scan3A_160 = arith.constant 0 : i32
      %scan3A_161 = arith.constant 40 : i32
      %scan3A_162 = arith.addi %scan3A_160, %scan3A_161 : i32
      %scan3A_163 = arith.constant 1 : i32
      %scan3A_164:5 = scf.for %scan3A_210 = %scan3A_160 to %scan3A_162 step %scan3A_163 iter_args(%scan3A_211 = %scan3A_133, %scan3A_212 = %scan3A_159, %scan3A_213 = %scan3A_134, %scan3A_214 = %scan3A_135, %scan3A_215 = %scan3A_136) -> (i32, i32, i32, i32, i32)  : i32 {
        %get3A = arith.index_cast %select_n3A_146 : i32 to index
        %get3A_216 = arith.index_cast %scan3A_210 : i32 to index
        %get3A_217 = arith.constant 0 : index
        %get3A_218 = tpu.vector_load %arg8[%get3A, %get3A_216, %get3A_217] {strides = array<i32>} : memref<2x40x128xi32, #tpu.memory_space<vmem>>, vector<16xi32>,
        %get3A_219 = arith.index_cast %select_n3A_146 : i32 to index
        %get3A_220 = arith.index_cast %scan3A_210 : i32 to index
        %get3A_221 = arith.constant 0 : index
        %get3A_222 = tpu.vector_load %arg7[%get3A_219, %get3A_220, %get3A_221] {strides = array<i32>} : memref<2x40x128xi32, #tpu.memory_space<vmem>>, vector<16xi32>,
        %sub3A_223 = vector.broadcast %mul3A_26 : i32 to vector<16xi32>
        %sub3A_224 = arith.subi %get3A_218, %sub3A_223 : vector<16xi32>
        %bitcast3A = vector.bitcast %sub3A_224 : vector<16xi32> to vector<16xi32>
        %lt3A_225 = arith.constant 25000 : i32
        %lt3A_226 = vector.broadcast %lt3A_225 : i32 to vector<16xi32>
        %lt3A_227 = arith.cmpi ult, %bitcast3A, %lt3A_226 : vector<16xi32>
        %get3A_228 = arith.index_cast %select_n3A_146 : i32 to index
        %get3A_229 = arith.index_cast %scan3A_210 : i32 to index
        %get3A_230 = arith.constant 16 : index
        %get3A_231 = tpu.vector_load %arg8[%get3A_228, %get3A_229, %get3A_230] {strides = array<i32>} : memref<2x40x128xi32, #tpu.memory_space<vmem>>, vector<16xi32>,
        %get3A_232 = arith.index_cast %select_n3A_146 : i32 to index
        %get3A_233 = arith.index_cast %scan3A_210 : i32 to index
        %get3A_234 = arith.constant 16 : index
        %get3A_235 = tpu.vector_load %arg7[%get3A_232, %get3A_233, %get3A_234] {strides = array<i32>} : memref<2x40x128xi32, #tpu.memory_space<vmem>>, vector<16xi32>,
        %sub3A_236 = vector.broadcast %mul3A_26 : i32 to vector<16xi32>
        %sub3A_237 = arith.subi %get3A_231, %sub3A_236 : vector<16xi32>
        %bitcast3A_238 = vector.bitcast %sub3A_237 : vector<16xi32> to vector<16xi32>
        %lt3A_239 = arith.constant 25000 : i32
        %lt3A_240 = vector.broadcast %lt3A_239 : i32 to vector<16xi32>
        %lt3A_241 = arith.cmpi ult, %bitcast3A_238, %lt3A_240 : vector<16xi32>
        %get3A_242 = arith.index_cast %select_n3A_146 : i32 to index
        %get3A_243 = arith.index_cast %scan3A_210 : i32 to index
        %get3A_244 = arith.constant 32 : index
        %get3A_245 = tpu.vector_load %arg8[%get3A_242, %get3A_243, %get3A_244] {strides = array<i32>} : memref<2x40x128xi32, #tpu.memory_space<vmem>>, vector<16xi32>,
        %get3A_246 = arith.index_cast %select_n3A_146 : i32 to index
        %get3A_247 = arith.index_cast %scan3A_210 : i32 to index
        %get3A_248 = arith.constant 32 : index
        %get3A_249 = tpu.vector_load %arg7[%get3A_246, %get3A_247, %get3A_248] {strides = array<i32>} : memref<2x40x128xi32, #tpu.memory_space<vmem>>, vector<16xi32>,
        %sub3A_250 = vector.broadcast %mul3A_26 : i32 to vector<16xi32>
        %sub3A_251 = arith.subi %get3A_245, %sub3A_250 : vector<16xi32>
        %bitcast3A_252 = vector.bitcast %sub3A_251 : vector<16xi32> to vector<16xi32>
        %lt3A_253 = arith.constant 25000 : i32
        %lt3A_254 = vector.broadcast %lt3A_253 : i32 to vector<16xi32>
        %lt3A_255 = arith.cmpi ult, %bitcast3A_252, %lt3A_254 : vector<16xi32>
        %get3A_256 = arith.index_cast %select_n3A_146 : i32 to index
        %get3A_257 = arith.index_cast %scan3A_210 : i32 to index
        %get3A_258 = arith.constant 48 : index
        %get3A_259 = tpu.vector_load %arg8[%get3A_256, %get3A_257, %get3A_258] {strides = array<i32>} : memref<2x40x128xi32, #tpu.memory_space<vmem>>, vector<16xi32>,
        %get3A_260 = arith.index_cast %select_n3A_146 : i32 to index
        %get3A_261 = arith.index_cast %scan3A_210 : i32 to index
        %get3A_262 = arith.constant 48 : index
        %get3A_263 = tpu.vector_load %arg7[%get3A_260, %get3A_261, %get3A_262] {strides = array<i32>} : memref<2x40x128xi32, #tpu.memory_space<vmem>>, vector<16xi32>,
        %sub3A_264 = vector.broadcast %mul3A_26 : i32 to vector<16xi32>
        %sub3A_265 = arith.subi %get3A_259, %sub3A_264 : vector<16xi32>
        %bitcast3A_266 = vector.bitcast %sub3A_265 : vector<16xi32> to vector<16xi32>
        %lt3A_267 = arith.constant 25000 : i32
        %lt3A_268 = vector.broadcast %lt3A_267 : i32 to vector<16xi32>
        %lt3A_269 = arith.cmpi ult, %bitcast3A_266, %lt3A_268 : vector<16xi32>
        %get3A_270 = arith.index_cast %select_n3A_146 : i32 to index
        %get3A_271 = arith.index_cast %scan3A_210 : i32 to index
        %get3A_272 = arith.constant 64 : index
        %get3A_273 = tpu.vector_load %arg8[%get3A_270, %get3A_271, %get3A_272] {strides = array<i32>} : memref<2x40x128xi32, #tpu.memory_space<vmem>>, vector<16xi32>,
        %get3A_274 = arith.index_cast %select_n3A_146 : i32 to index
        %get3A_275 = arith.index_cast %scan3A_210 : i32 to index
        %get3A_276 = arith.constant 64 : index
        %get3A_277 = tpu.vector_load %arg7[%get3A_274, %get3A_275, %get3A_276] {strides = array<i32>} : memref<2x40x128xi32, #tpu.memory_space<vmem>>, vector<16xi32>,
        %sub3A_278 = vector.broadcast %mul3A_26 : i32 to vector<16xi32>
        %sub3A_279 = arith.subi %get3A_273, %sub3A_278 : vector<16xi32>
        %bitcast3A_280 = vector.bitcast %sub3A_279 : vector<16xi32> to vector<16xi32>
        %lt3A_281 = arith.constant 25000 : i32
        %lt3A_282 = vector.broadcast %lt3A_281 : i32 to vector<16xi32>
        %lt3A_283 = arith.cmpi ult, %bitcast3A_280, %lt3A_282 : vector<16xi32>
        %get3A_284 = arith.index_cast %select_n3A_146 : i32 to index
        %get3A_285 = arith.index_cast %scan3A_210 : i32 to index
        %get3A_286 = arith.constant 80 : index
        %get3A_287 = tpu.vector_load %arg8[%get3A_284, %get3A_285, %get3A_286] {strides = array<i32>} : memref<2x40x128xi32, #tpu.memory_space<vmem>>, vector<16xi32>,
        %get3A_288 = arith.index_cast %select_n3A_146 : i32 to index
        %get3A_289 = arith.index_cast %scan3A_210 : i32 to index
        %get3A_290 = arith.constant 80 : index
        %get3A_291 = tpu.vector_load %arg7[%get3A_288, %get3A_289, %get3A_290] {strides = array<i32>} : memref<2x40x128xi32, #tpu.memory_space<vmem>>, vector<16xi32>,
        %sub3A_292 = vector.broadcast %mul3A_26 : i32 to vector<16xi32>
        %sub3A_293 = arith.subi %get3A_287, %sub3A_292 : vector<16xi32>
        %bitcast3A_294 = vector.bitcast %sub3A_293 : vector<16xi32> to vector<16xi32>
        %lt3A_295 = arith.constant 25000 : i32
        %lt3A_296 = vector.broadcast %lt3A_295 : i32 to vector<16xi32>
        %lt3A_297 = arith.cmpi ult, %bitcast3A_294, %lt3A_296 : vector<16xi32>
        %get3A_298 = arith.index_cast %select_n3A_146 : i32 to index
        %get3A_299 = arith.index_cast %scan3A_210 : i32 to index
        %get3A_300 = arith.constant 96 : index
        %get3A_301 = tpu.vector_load %arg8[%get3A_298, %get3A_299, %get3A_300] {strides = array<i32>} : memref<2x40x128xi32, #tpu.memory_space<vmem>>, vector<16xi32>,
        %get3A_302 = arith.index_cast %select_n3A_146 : i32 to index
        %get3A_303 = arith.index_cast %scan3A_210 : i32 to index
        %get3A_304 = arith.constant 96 : index
        %get3A_305 = tpu.vector_load %arg7[%get3A_302, %get3A_303, %get3A_304] {strides = array<i32>} : memref<2x40x128xi32, #tpu.memory_space<vmem>>, vector<16xi32>,
        %sub3A_306 = vector.broadcast %mul3A_26 : i32 to vector<16xi32>
        %sub3A_307 = arith.subi %get3A_301, %sub3A_306 : vector<16xi32>
        %bitcast3A_308 = vector.bitcast %sub3A_307 : vector<16xi32> to vector<16xi32>
        %lt3A_309 = arith.constant 25000 : i32
        %lt3A_310 = vector.broadcast %lt3A_309 : i32 to vector<16xi32>
        %lt3A_311 = arith.cmpi ult, %bitcast3A_308, %lt3A_310 : vector<16xi32>
        %get3A_312 = arith.index_cast %select_n3A_146 : i32 to index
        %get3A_313 = arith.index_cast %scan3A_210 : i32 to index
        %get3A_314 = arith.constant 112 : index
        %get3A_315 = tpu.vector_load %arg8[%get3A_312, %get3A_313, %get3A_314] {strides = array<i32>} : memref<2x40x128xi32, #tpu.memory_space<vmem>>, vector<16xi32>,
        %get3A_316 = arith.index_cast %select_n3A_146 : i32 to index
        %get3A_317 = arith.index_cast %scan3A_210 : i32 to index
        %get3A_318 = arith.constant 112 : index
        %get3A_319 = tpu.vector_load %arg7[%get3A_316, %get3A_317, %get3A_318] {strides = array<i32>} : memref<2x40x128xi32, #tpu.memory_space<vmem>>, vector<16xi32>,
        %sub3A_320 = vector.broadcast %mul3A_26 : i32 to vector<16xi32>
        %sub3A_321 = arith.subi %get3A_315, %sub3A_320 : vector<16xi32>
        %bitcast3A_322 = vector.bitcast %sub3A_321 : vector<16xi32> to vector<16xi32>
        %lt3A_323 = arith.constant 25000 : i32
        %lt3A_324 = vector.broadcast %lt3A_323 : i32 to vector<16xi32>
        %lt3A_325 = arith.cmpi ult, %bitcast3A_322, %lt3A_324 : vector<16xi32>
        %all_reduce_population_count3A = tpu.all_reduce %lt3A_227 {dim = 0 : i64, kind = #tpu.reduction_kind<sum>} : vector<16xi1> -> vector<16xi32>
        %reduce_max3A = arith.constant true
        %reduce_max3A_326 = vector.broadcast %reduce_max3A : i1 to vector<16xi1>
        %reduce_max3A_327 = arith.constant -2147483648 : i32
        %reduce_max3A_328 = vector.broadcast %reduce_max3A_327 : i32 to vector<16xi32>
        %reduce_max3A_329 = arith.xori %all_reduce_population_count3A, %reduce_max3A_328 : vector<16xi32>
        %reduce_max3A_330 = tpu.scan <max>, %reduce_max3A_329 masked %reduce_max3A_326 : vector<16xi32>, vector<16xi1> -> vector<16xi32>
        %reduce_max3A_331 = arith.xori %reduce_max3A_330, %reduce_max3A_328 : vector<16xi32>
        %reduce_max3A_332 = vector.extract %reduce_max3A_331[15] : i32 from vector<16xi32>
        %all_reduce_population_count3A_333 = tpu.all_reduce %lt3A_241 {dim = 0 : i64, kind = #tpu.reduction_kind<sum>} : vector<16xi1> -> vector<16xi32>
        %reduce_max3A_334 = arith.constant true
        %reduce_max3A_335 = vector.broadcast %reduce_max3A_334 : i1 to vector<16xi1>
        %reduce_max3A_336 = arith.constant -2147483648 : i32
        %reduce_max3A_337 = vector.broadcast %reduce_max3A_336 : i32 to vector<16xi32>
        %reduce_max3A_338 = arith.xori %all_reduce_population_count3A_333, %reduce_max3A_337 : vector<16xi32>
        %reduce_max3A_339 = tpu.scan <max>, %reduce_max3A_338 masked %reduce_max3A_335 : vector<16xi32>, vector<16xi1> -> vector<16xi32>
        %reduce_max3A_340 = arith.xori %reduce_max3A_339, %reduce_max3A_337 : vector<16xi32>
        %reduce_max3A_341 = vector.extract %reduce_max3A_340[15] : i32 from vector<16xi32>
        %all_reduce_population_count3A_342 = tpu.all_reduce %lt3A_255 {dim = 0 : i64, kind = #tpu.reduction_kind<sum>} : vector<16xi1> -> vector<16xi32>
        %reduce_max3A_343 = arith.constant true
        %reduce_max3A_344 = vector.broadcast %reduce_max3A_343 : i1 to vector<16xi1>
        %reduce_max3A_345 = arith.constant -2147483648 : i32
        %reduce_max3A_346 = vector.broadcast %reduce_max3A_345 : i32 to vector<16xi32>
        %reduce_max3A_347 = arith.xori %all_reduce_population_count3A_342, %reduce_max3A_346 : vector<16xi32>
        %reduce_max3A_348 = tpu.scan <max>, %reduce_max3A_347 masked %reduce_max3A_344 : vector<16xi32>, vector<16xi1> -> vector<16xi32>
        %reduce_max3A_349 = arith.xori %reduce_max3A_348, %reduce_max3A_346 : vector<16xi32>
        %reduce_max3A_350 = vector.extract %reduce_max3A_349[15] : i32 from vector<16xi32>
        %all_reduce_population_count3A_351 = tpu.all_reduce %lt3A_269 {dim = 0 : i64, kind = #tpu.reduction_kind<sum>} : vector<16xi1> -> vector<16xi32>
        %reduce_max3A_352 = arith.constant true
        %reduce_max3A_353 = vector.broadcast %reduce_max3A_352 : i1 to vector<16xi1>
        %reduce_max3A_354 = arith.constant -2147483648 : i32
        %reduce_max3A_355 = vector.broadcast %reduce_max3A_354 : i32 to vector<16xi32>
        %reduce_max3A_356 = arith.xori %all_reduce_population_count3A_351, %reduce_max3A_355 : vector<16xi32>
        %reduce_max3A_357 = tpu.scan <max>, %reduce_max3A_356 masked %reduce_max3A_353 : vector<16xi32>, vector<16xi1> -> vector<16xi32>
        %reduce_max3A_358 = arith.xori %reduce_max3A_357, %reduce_max3A_355 : vector<16xi32>
        %reduce_max3A_359 = vector.extract %reduce_max3A_358[15] : i32 from vector<16xi32>
        %all_reduce_population_count3A_360 = tpu.all_reduce %lt3A_283 {dim = 0 : i64, kind = #tpu.reduction_kind<sum>} : vector<16xi1> -> vector<16xi32>
        %reduce_max3A_361 = arith.constant true
        %reduce_max3A_362 = vector.broadcast %reduce_max3A_361 : i1 to vector<16xi1>
        %reduce_max3A_363 = arith.constant -2147483648 : i32
        %reduce_max3A_364 = vector.broadcast %reduce_max3A_363 : i32 to vector<16xi32>
        %reduce_max3A_365 = arith.xori %all_reduce_population_count3A_360, %reduce_max3A_364 : vector<16xi32>
        %reduce_max3A_366 = tpu.scan <max>, %reduce_max3A_365 masked %reduce_max3A_362 : vector<16xi32>, vector<16xi1> -> vector<16xi32>
        %reduce_max3A_367 = arith.xori %reduce_max3A_366, %reduce_max3A_364 : vector<16xi32>
        %reduce_max3A_368 = vector.extract %reduce_max3A_367[15] : i32 from vector<16xi32>
        %all_reduce_population_count3A_369 = tpu.all_reduce %lt3A_297 {dim = 0 : i64, kind = #tpu.reduction_kind<sum>} : vector<16xi1> -> vector<16xi32>
        %reduce_max3A_370 = arith.constant true
        %reduce_max3A_371 = vector.broadcast %reduce_max3A_370 : i1 to vector<16xi1>
        %reduce_max3A_372 = arith.constant -2147483648 : i32
        %reduce_max3A_373 = vector.broadcast %reduce_max3A_372 : i32 to vector<16xi32>
        %reduce_max3A_374 = arith.xori %all_reduce_population_count3A_369, %reduce_max3A_373 : vector<16xi32>
        %reduce_max3A_375 = tpu.scan <max>, %reduce_max3A_374 masked %reduce_max3A_371 : vector<16xi32>, vector<16xi1> -> vector<16xi32>
        %reduce_max3A_376 = arith.xori %reduce_max3A_375, %reduce_max3A_373 : vector<16xi32>
        %reduce_max3A_377 = vector.extract %reduce_max3A_376[15] : i32 from vector<16xi32>
        %all_reduce_population_count3A_378 = tpu.all_reduce %lt3A_311 {dim = 0 : i64, kind = #tpu.reduction_kind<sum>} : vector<16xi1> -> vector<16xi32>
        %reduce_max3A_379 = arith.constant true
        %reduce_max3A_380 = vector.broadcast %reduce_max3A_379 : i1 to vector<16xi1>
        %reduce_max3A_381 = arith.constant -2147483648 : i32
        %reduce_max3A_382 = vector.broadcast %reduce_max3A_381 : i32 to vector<16xi32>
        %reduce_max3A_383 = arith.xori %all_reduce_population_count3A_378, %reduce_max3A_382 : vector<16xi32>
        %reduce_max3A_384 = tpu.scan <max>, %reduce_max3A_383 masked %reduce_max3A_380 : vector<16xi32>, vector<16xi1> -> vector<16xi32>
        %reduce_max3A_385 = arith.xori %reduce_max3A_384, %reduce_max3A_382 : vector<16xi32>
        %reduce_max3A_386 = vector.extract %reduce_max3A_385[15] : i32 from vector<16xi32>
        %all_reduce_population_count3A_387 = tpu.all_reduce %lt3A_325 {dim = 0 : i64, kind = #tpu.reduction_kind<sum>} : vector<16xi1> -> vector<16xi32>
        %reduce_max3A_388 = arith.constant true
        %reduce_max3A_389 = vector.broadcast %reduce_max3A_388 : i1 to vector<16xi1>
        %reduce_max3A_390 = arith.constant -2147483648 : i32
        %reduce_max3A_391 = vector.broadcast %reduce_max3A_390 : i32 to vector<16xi32>
        %reduce_max3A_392 = arith.xori %all_reduce_population_count3A_387, %reduce_max3A_391 : vector<16xi32>
        %reduce_max3A_393 = tpu.scan <max>, %reduce_max3A_392 masked %reduce_max3A_389 : vector<16xi32>, vector<16xi1> -> vector<16xi32>
        %reduce_max3A_394 = arith.xori %reduce_max3A_393, %reduce_max3A_391 : vector<16xi32>
        %reduce_max3A_395 = vector.extract %reduce_max3A_394[15] : i32 from vector<16xi32>
        %add3A_396 = arith.addi %scan3A_211, %reduce_max3A_332 : i32
        %add3A_397 = arith.addi %add3A_396, %reduce_max3A_341 : i32
        %add3A_398 = arith.addi %add3A_397, %reduce_max3A_350 : i32
        %add3A_399 = arith.addi %add3A_398, %reduce_max3A_359 : i32
        %add3A_400 = arith.addi %add3A_399, %reduce_max3A_368 : i32
        %add3A_401 = arith.addi %add3A_400, %reduce_max3A_377 : i32
        %add3A_402 = arith.addi %add3A_401, %reduce_max3A_386 : i32
        %add3A_403 = arith.addi %add3A_402, %reduce_max3A_395 : i32
        %swap3A = arith.index_cast %scan3A_211 : i32 to index
        %swap3A_404 = tpu.vector_load %arg11[%swap3A] masked %lt3A_227 {strides = array<i32>} : memref<5376xi32, #tpu.memory_space<vmem>>, vector<16xi32>, vector<16xi1>
        tpu.vector_store %arg11[%swap3A], %sub3A_224 masked %lt3A_227 {strides = array<i32>} : memref<5376xi32, #tpu.memory_space<vmem>>, vector<16xi32>, vector<16xi1>
        %swap3A_405 = arith.index_cast %scan3A_211 : i32 to index
        %swap3A_406 = tpu.vector_load %arg10[%swap3A_405] masked %lt3A_227 {strides = array<i32>} : memref<5376xi32, #tpu.memory_space<vmem>>, vector<16xi32>, vector<16xi1>
        tpu.vector_store %arg10[%swap3A_405], %get3A_222 masked %lt3A_227 {strides = array<i32>} : memref<5376xi32, #tpu.memory_space<vmem>>, vector<16xi32>, vector<16xi1>
        %swap3A_407 = arith.index_cast %add3A_396 : i32 to index
        %swap3A_408 = tpu.vector_load %arg11[%swap3A_407] masked %lt3A_241 {strides = array<i32>} : memref<5376xi32, #tpu.memory_space<vmem>>, vector<16xi32>, vector<16xi1>
        tpu.vector_store %arg11[%swap3A_407], %sub3A_237 masked %lt3A_241 {strides = array<i32>} : memref<5376xi32, #tpu.memory_space<vmem>>, vector<16xi32>, vector<16xi1>
        %swap3A_409 = arith.index_cast %add3A_396 : i32 to index
        %swap3A_410 = tpu.vector_load %arg10[%swap3A_409] masked %lt3A_241 {strides = array<i32>} : memref<5376xi32, #tpu.memory_space<vmem>>, vector<16xi32>, vector<16xi1>
        tpu.vector_store %arg10[%swap3A_409], %get3A_235 masked %lt3A_241 {strides = array<i32>} : memref<5376xi32, #tpu.memory_space<vmem>>, vector<16xi32>, vector<16xi1>
        %swap3A_411 = arith.index_cast %add3A_397 : i32 to index
        %swap3A_412 = tpu.vector_load %arg11[%swap3A_411] masked %lt3A_255 {strides = array<i32>} : memref<5376xi32, #tpu.memory_space<vmem>>, vector<16xi32>, vector<16xi1>
        tpu.vector_store %arg11[%swap3A_411], %sub3A_251 masked %lt3A_255 {strides = array<i32>} : memref<5376xi32, #tpu.memory_space<vmem>>, vector<16xi32>, vector<16xi1>
        %swap3A_413 = arith.index_cast %add3A_397 : i32 to index
        %swap3A_414 = tpu.vector_load %arg10[%swap3A_413] masked %lt3A_255 {strides = array<i32>} : memref<5376xi32, #tpu.memory_space<vmem>>, vector<16xi32>, vector<16xi1>
        tpu.vector_store %arg10[%swap3A_413], %get3A_249 masked %lt3A_255 {strides = array<i32>} : memref<5376xi32, #tpu.memory_space<vmem>>, vector<16xi32>, vector<16xi1>
        %swap3A_415 = arith.index_cast %add3A_398 : i32 to index
        %swap3A_416 = tpu.vector_load %arg11[%swap3A_415] masked %lt3A_269 {strides = array<i32>} : memref<5376xi32, #tpu.memory_space<vmem>>, vector<16xi32>, vector<16xi1>
        tpu.vector_store %arg11[%swap3A_415], %sub3A_265 masked %lt3A_269 {strides = array<i32>} : memref<5376xi32, #tpu.memory_space<vmem>>, vector<16xi32>, vector<16xi1>
        %swap3A_417 = arith.index_cast %add3A_398 : i32 to index
        %swap3A_418 = tpu.vector_load %arg10[%swap3A_417] masked %lt3A_269 {strides = array<i32>} : memref<5376xi32, #tpu.memory_space<vmem>>, vector<16xi32>, vector<16xi1>
        tpu.vector_store %arg10[%swap3A_417], %get3A_263 masked %lt3A_269 {strides = array<i32>} : memref<5376xi32, #tpu.memory_space<vmem>>, vector<16xi32>, vector<16xi1>
        %swap3A_419 = arith.index_cast %add3A_399 : i32 to index
        %swap3A_420 = tpu.vector_load %arg11[%swap3A_419] masked %lt3A_283 {strides = array<i32>} : memref<5376xi32, #tpu.memory_space<vmem>>, vector<16xi32>, vector<16xi1>
        tpu.vector_store %arg11[%swap3A_419], %sub3A_279 masked %lt3A_283 {strides = array<i32>} : memref<5376xi32, #tpu.memory_space<vmem>>, vector<16xi32>, vector<16xi1>
        %swap3A_421 = arith.index_cast %add3A_399 : i32 to index
        %swap3A_422 = tpu.vector_load %arg10[%swap3A_421] masked %lt3A_283 {strides = array<i32>} : memref<5376xi32, #tpu.memory_space<vmem>>, vector<16xi32>, vector<16xi1>
        tpu.vector_store %arg10[%swap3A_421], %get3A_277 masked %lt3A_283 {strides = array<i32>} : memref<5376xi32, #tpu.memory_space<vmem>>, vector<16xi32>, vector<16xi1>
        %swap3A_423 = arith.index_cast %add3A_400 : i32 to index
        %swap3A_424 = tpu.vector_load %arg11[%swap3A_423] masked %lt3A_297 {strides = array<i32>} : memref<5376xi32, #tpu.memory_space<vmem>>, vector<16xi32>, vector<16xi1>
        tpu.vector_store %arg11[%swap3A_423], %sub3A_293 masked %lt3A_297 {strides = array<i32>} : memref<5376xi32, #tpu.memory_space<vmem>>, vector<16xi32>, vector<16xi1>
        %swap3A_425 = arith.index_cast %add3A_400 : i32 to index
        %swap3A_426 = tpu.vector_load %arg10[%swap3A_425] masked %lt3A_297 {strides = array<i32>} : memref<5376xi32, #tpu.memory_space<vmem>>, vector<16xi32>, vector<16xi1>
        tpu.vector_store %arg10[%swap3A_425], %get3A_291 masked %lt3A_297 {strides = array<i32>} : memref<5376xi32, #tpu.memory_space<vmem>>, vector<16xi32>, vector<16xi1>
        %swap3A_427 = arith.index_cast %add3A_401 : i32 to index
        %swap3A_428 = tpu.vector_load %arg11[%swap3A_427] masked %lt3A_311 {strides = array<i32>} : memref<5376xi32, #tpu.memory_space<vmem>>, vector<16xi32>, vector<16xi1>
        tpu.vector_store %arg11[%swap3A_427], %sub3A_307 masked %lt3A_311 {strides = array<i32>} : memref<5376xi32, #tpu.memory_space<vmem>>, vector<16xi32>, vector<16xi1>
        %swap3A_429 = arith.index_cast %add3A_401 : i32 to index
        %swap3A_430 = tpu.vector_load %arg10[%swap3A_429] masked %lt3A_311 {strides = array<i32>} : memref<5376xi32, #tpu.memory_space<vmem>>, vector<16xi32>, vector<16xi1>
        tpu.vector_store %arg10[%swap3A_429], %get3A_305 masked %lt3A_311 {strides = array<i32>} : memref<5376xi32, #tpu.memory_space<vmem>>, vector<16xi32>, vector<16xi1>
        %swap3A_431 = arith.index_cast %add3A_402 : i32 to index
        %swap3A_432 = tpu.vector_load %arg11[%swap3A_431] masked %lt3A_325 {strides = array<i32>} : memref<5376xi32, #tpu.memory_space<vmem>>, vector<16xi32>, vector<16xi1>
        tpu.vector_store %arg11[%swap3A_431], %sub3A_321 masked %lt3A_325 {strides = array<i32>} : memref<5376xi32, #tpu.memory_space<vmem>>, vector<16xi32>, vector<16xi1>
        %swap3A_433 = arith.index_cast %add3A_402 : i32 to index
        %swap3A_434 = tpu.vector_load %arg10[%swap3A_433] masked %lt3A_325 {strides = array<i32>} : memref<5376xi32, #tpu.memory_space<vmem>>, vector<16xi32>, vector<16xi1>
        tpu.vector_store %arg10[%swap3A_433], %get3A_319 masked %lt3A_325 {strides = array<i32>} : memref<5376xi32, #tpu.memory_space<vmem>>, vector<16xi32>, vector<16xi1>
        %jit3A_435 = arith.constant 128 : i32
        %div3A_436 = arith.divsi %add3A_403, %jit3A_435 : i32
        %sign3A_437 = arith.constant 0 : i32
        %sign3A_438 = arith.cmpi sgt, %add3A_403, %sign3A_437 : i32
        %sign3A_439 = arith.extui %sign3A_438 : i1 to i32
        %sign3A_440 = arith.constant 0 : i32
        %sign3A_441 = arith.cmpi slt, %add3A_403, %sign3A_440 : i32
        %sign3A_442 = arith.extui %sign3A_441 : i1 to i32
        %sign3A_443 = arith.subi %sign3A_439, %sign3A_442 : i32
        %sign3A_444 = arith.constant 0 : i32
        %sign3A_445 = arith.cmpi sgt, %jit3A_435, %sign3A_444 : i32
        %sign3A_446 = arith.extui %sign3A_445 : i1 to i32
        %sign3A_447 = arith.constant 0 : i32
        %sign3A_448 = arith.cmpi slt, %jit3A_435, %sign3A_447 : i32
        %sign3A_449 = arith.extui %sign3A_448 : i1 to i32
        %sign3A_450 = arith.subi %sign3A_446, %sign3A_449 : i32
        %ne3A_451 = arith.cmpi ne, %sign3A_443, %sign3A_450 : i32
        %rem3A_452 = arith.remsi %add3A_403, %jit3A_435 : i32
        %ne3A_453 = arith.constant 0 : i32
        %ne3A_454 = arith.cmpi ne, %rem3A_452, %ne3A_453 : i32
        %and3A_455 = arith.andi %ne3A_451, %ne3A_454 : i1
        %sub3A_456 = arith.constant 1 : i32
        %sub3A_457 = arith.subi %div3A_436, %sub3A_456 : i32
        %select_n3A_458 = arith.select %and3A_455, %sub3A_457, %div3A_436 : i32
        %gt3A_459 = arith.cmpi sgt, %select_n3A_458, %scan3A_212 : i32
        %convert_element_type3A_460 = arith.extui %gt3A_459 : i1 to i32
        %eq3A_461 = arith.constant 1 : i32
        %eq3A_462 = arith.cmpi eq, %convert_element_type3A_460, %eq3A_461 : i32
        %ge3A = arith.constant 2 : i32
        %ge3A_463 = arith.cmpi sge, %scan3A_212, %ge3A : i32
        %and3A_464 = arith.andi %eq3A_462, %ge3A_463 : i1
        %convert_element_type3A_465 = arith.extui %and3A_464 : i1 to i32
        %eq3A_466 = arith.constant 1 : i32
        %eq3A_467 = arith.cmpi eq, %convert_element_type3A_460, %eq3A_466 : i32
        %sub3A_468 = arith.subi %scan3A_214, %scan3A_215 : i32
        %ge3A_469 = arith.constant 5 : i32
        %ge3A_470 = arith.cmpi sge, %sub3A_468, %ge3A_469 : i32
        %and3A_471 = arith.andi %eq3A_467, %ge3A_470 : i1
        %convert_element_type3A_472 = arith.extui %and3A_471 : i1 to i32
        %eq3A_473 = arith.constant 1 : i32
        %eq3A_474 = arith.cmpi eq, %convert_element_type3A_460, %eq3A_473 : i32
        %convert_element_type3A_475 = arith.extui %eq3A_474 : i1 to i32
        %cond3A_476 = arith.constant 0 : i32
        %cond3A_477 = arith.cmpi ne, %convert_element_type3A_475, %cond3A_476 : i32
        scf.if %cond3A_477 {
          %sub3A_482 = arith.subi %scan3A_214, %scan3A_215 : i32
          %ge3A_483 = arith.constant 5 : i32
          %ge3A_484 = arith.cmpi sge, %sub3A_482, %ge3A_483 : i32
          %convert_element_type3A_485 = arith.extui %ge3A_484 : i1 to i32
          %cond3A_486 = arith.constant 0 : i32
          %cond3A_487 = arith.cmpi ne, %convert_element_type3A_485, %cond3A_486 : i32
          scf.if %cond3A_487 {
            %dma_wait3A_633 = arith.constant 0 : i32
            %dma_wait3A_634 = arith.constant 0 : i32
            %dma_wait3A_635 = tpu.memref_slice %arg9[%dma_wait3A_633, %dma_wait3A_634] : memref<1024x32xf32, #tpu.memory_space<vmem>> -> memref<128x32xf32, #tpu.memory_space<vmem>>
            %dma_wait3A_636 = arith.constant 0 : i32
            %dma_wait3A_637 = arith.constant 0 : i32
            %dma_wait3A_638 = tpu.memref_slice %arg16[%dma_wait3A_636, %dma_wait3A_637] : memref<25512x32xf32, #tpu.memory_space<vmem_shared>> -> memref<128x32xf32, #tpu.memory_space<vmem_shared>>
            %dma_wait3A_639 = arith.constant 0 : i32
            %dma_wait3A_640 = arith.constant 0 : i32
            %dma_wait3A_641 = tpu.memref_slice %arg16[%dma_wait3A_639, %dma_wait3A_640] : memref<25512x32xf32, #tpu.memory_space<vmem_shared>> -> memref<128x32xf32, #tpu.memory_space<vmem_shared>>
            %dma_wait3A_642 = arith.constant 0 : i32
            %dma_wait3A_643 = arith.constant 0 : i32
            %dma_wait3A_644 = tpu.memref_slice %arg9[%dma_wait3A_642, %dma_wait3A_643] : memref<1024x32xf32, #tpu.memory_space<vmem>> -> memref<128x32xf32, #tpu.memory_space<vmem>>
            tpu.wait_dma2 semaphore(%arg19 : memref<!tpu.dma_semaphore, #tpu.memory_space<semaphore_mem>>) src(%dma_wait3A_644 : memref<128x32xf32, #tpu.memory_space<vmem>>) dst(%dma_wait3A_641 : memref<128x32xf32, #tpu.memory_space<vmem_shared>>)
            %dma_wait3A_645 = arith.constant 0 : i32
            %dma_wait3A_646 = tpu.memref_slice %arg17[%dma_wait3A_645] : memref<25512xf32, #tpu.memory_space<vmem_shared>> -> memref<128xf32, #tpu.memory_space<vmem_shared>>
            %dma_wait3A_647 = arith.constant 0 : i32
            %dma_wait3A_648 = tpu.memref_slice %arg17[%dma_wait3A_647] : memref<25512xf32, #tpu.memory_space<vmem_shared>> -> memref<128xf32, #tpu.memory_space<vmem_shared>>
            tpu.wait_dma2 semaphore(%arg19 : memref<!tpu.dma_semaphore, #tpu.memory_space<semaphore_mem>>) src(%arg14 : memref<128xf32, #tpu.memory_space<vmem>>) dst(%dma_wait3A_648 : memref<128xf32, #tpu.memory_space<vmem_shared>>)
          } else {
          }
          %jit3A_488 = arith.constant 8 : i32
          %eq3A_489 = arith.constant 0 : i32
          %eq3A_490 = arith.cmpi eq, %jit3A_488, %eq3A_489 : i32
          %jit3A_491 = arith.constant 1 : i32
          %select_n3A_492 = arith.select %eq3A_490, %jit3A_491, %jit3A_488 : i32
          %rem3A_493 = arith.remsi %scan3A_213, %select_n3A_492 : i32
          %ne3A_494 = arith.constant 0 : i32
          %ne3A_495 = arith.cmpi ne, %rem3A_493, %ne3A_494 : i32
          %lt3A_496 = arith.constant 0 : i32
          %lt3A_497 = arith.cmpi slt, %rem3A_493, %lt3A_496 : i32
          %lt3A_498 = arith.constant 0 : i32
          %lt3A_499 = arith.cmpi slt, %select_n3A_492, %lt3A_498 : i32
          %ne3A_500 = arith.xori %lt3A_497, %lt3A_499 : i1
          %and3A_501 = arith.andi %ne3A_500, %ne3A_495 : i1
          %add3A_502 = arith.addi %rem3A_493, %select_n3A_492 : i32
          %select_n3A_503 = arith.select %and3A_501, %add3A_502, %rem3A_493 : i32
          %mul3A_504 = arith.constant 128 : i32
          %mul3A_505 = arith.muli %scan3A_212, %mul3A_504 : i32
          %add3A_506 = arith.constant 0 : i32
          %add3A_507 = arith.addi %mul3A_505, %add3A_506 : i32
          %get3A_508 = arith.index_cast %add3A_507 : i32 to index
          %get3A_509 = tpu.vector_load %arg10[%get3A_508] {strides = array<i32>} : memref<5376xi32, #tpu.memory_space<vmem>>, vector<16xi32>,
          %swap3A_510 = arith.index_cast %select_n3A_503 : i32 to index
          %swap3A_511 = arith.constant 0 : index
          %swap3A_512 = tpu.vector_load %arg12[%swap3A_510, %swap3A_511] {strides = array<i32>} : memref<8x128xi32, #tpu.memory_space<vmem>>, vector<16xi32>,
          tpu.vector_store %arg12[%swap3A_510, %swap3A_511], %get3A_509 {strides = array<i32>} : memref<8x128xi32, #tpu.memory_space<vmem>>, vector<16xi32>,
          %add3A_513 = arith.constant 0 : i32
          %add3A_514 = arith.addi %mul3A_505, %add3A_513 : i32
          %get3A_515 = arith.index_cast %add3A_514 : i32 to index
          %get3A_516 = tpu.vector_load %arg11[%get3A_515] {strides = array<i32>} : memref<5376xi32, #tpu.memory_space<vmem>>, vector<16xi32>,
          %swap3A_517 = arith.index_cast %select_n3A_503 : i32 to index
          %swap3A_518 = arith.constant 0 : index
          %swap3A_519 = tpu.vector_load %arg13[%swap3A_517, %swap3A_518] {strides = array<i32>} : memref<8x128xi32, #tpu.memory_space<vmem>>, vector<16xi32>,
          tpu.vector_store %arg13[%swap3A_517, %swap3A_518], %get3A_516 {strides = array<i32>} : memref<8x128xi32, #tpu.memory_space<vmem>>, vector<16xi32>,
          %add3A_520 = arith.constant 16 : i32
          %add3A_521 = arith.addi %mul3A_505, %add3A_520 : i32
          %get3A_522 = arith.index_cast %add3A_521 : i32 to index
          %get3A_523 = tpu.vector_load %arg10[%get3A_522] {strides = array<i32>} : memref<5376xi32, #tpu.memory_space<vmem>>, vector<16xi32>,
          %swap3A_524 = arith.index_cast %select_n3A_503 : i32 to index
          %swap3A_525 = arith.constant 16 : index
          %swap3A_526 = tpu.vector_load %arg12[%swap3A_524, %swap3A_525] {strides = array<i32>} : memref<8x128xi32, #tpu.memory_space<vmem>>, vector<16xi32>,
          tpu.vector_store %arg12[%swap3A_524, %swap3A_525], %get3A_523 {strides = array<i32>} : memref<8x128xi32, #tpu.memory_space<vmem>>, vector<16xi32>,
          %add3A_527 = arith.constant 16 : i32
          %add3A_528 = arith.addi %mul3A_505, %add3A_527 : i32
          %get3A_529 = arith.index_cast %add3A_528 : i32 to index
          %get3A_530 = tpu.vector_load %arg11[%get3A_529] {strides = array<i32>} : memref<5376xi32, #tpu.memory_space<vmem>>, vector<16xi32>,
          %swap3A_531 = arith.index_cast %select_n3A_503 : i32 to index
          %swap3A_532 = arith.constant 16 : index
          %swap3A_533 = tpu.vector_load %arg13[%swap3A_531, %swap3A_532] {strides = array<i32>} : memref<8x128xi32, #tpu.memory_space<vmem>>, vector<16xi32>,
          tpu.vector_store %arg13[%swap3A_531, %swap3A_532], %get3A_530 {strides = array<i32>} : memref<8x128xi32, #tpu.memory_space<vmem>>, vector<16xi32>,
          %add3A_534 = arith.constant 32 : i32
          %add3A_535 = arith.addi %mul3A_505, %add3A_534 : i32
          %get3A_536 = arith.index_cast %add3A_535 : i32 to index
          %get3A_537 = tpu.vector_load %arg10[%get3A_536] {strides = array<i32>} : memref<5376xi32, #tpu.memory_space<vmem>>, vector<16xi32>,
          %swap3A_538 = arith.index_cast %select_n3A_503 : i32 to index
          %swap3A_539 = arith.constant 32 : index
          %swap3A_540 = tpu.vector_load %arg12[%swap3A_538, %swap3A_539] {strides = array<i32>} : memref<8x128xi32, #tpu.memory_space<vmem>>, vector<16xi32>,
          tpu.vector_store %arg12[%swap3A_538, %swap3A_539], %get3A_537 {strides = array<i32>} : memref<8x128xi32, #tpu.memory_space<vmem>>, vector<16xi32>,
          %add3A_541 = arith.constant 32 : i32
          %add3A_542 = arith.addi %mul3A_505, %add3A_541 : i32
          %get3A_543 = arith.index_cast %add3A_542 : i32 to index
          %get3A_544 = tpu.vector_load %arg11[%get3A_543] {strides = array<i32>} : memref<5376xi32, #tpu.memory_space<vmem>>, vector<16xi32>,
          %swap3A_545 = arith.index_cast %select_n3A_503 : i32 to index
          %swap3A_546 = arith.constant 32 : index
          %swap3A_547 = tpu.vector_load %arg13[%swap3A_545, %swap3A_546] {strides = array<i32>} : memref<8x128xi32, #tpu.memory_space<vmem>>, vector<16xi32>,
          tpu.vector_store %arg13[%swap3A_545, %swap3A_546], %get3A_544 {strides = array<i32>} : memref<8x128xi32, #tpu.memory_space<vmem>>, vector<16xi32>,
          %add3A_548 = arith.constant 48 : i32
          %add3A_549 = arith.addi %mul3A_505, %add3A_548 : i32
          %get3A_550 = arith.index_cast %add3A_549 : i32 to index
          %get3A_551 = tpu.vector_load %arg10[%get3A_550] {strides = array<i32>} : memref<5376xi32, #tpu.memory_space<vmem>>, vector<16xi32>,
          %swap3A_552 = arith.index_cast %select_n3A_503 : i32 to index
          %swap3A_553 = arith.constant 48 : index
          %swap3A_554 = tpu.vector_load %arg12[%swap3A_552, %swap3A_553] {strides = array<i32>} : memref<8x128xi32, #tpu.memory_space<vmem>>, vector<16xi32>,
          tpu.vector_store %arg12[%swap3A_552, %swap3A_553], %get3A_551 {strides = array<i32>} : memref<8x128xi32, #tpu.memory_space<vmem>>, vector<16xi32>,
          %add3A_555 = arith.constant 48 : i32
          %add3A_556 = arith.addi %mul3A_505, %add3A_555 : i32
          %get3A_557 = arith.index_cast %add3A_556 : i32 to index
          %get3A_558 = tpu.vector_load %arg11[%get3A_557] {strides = array<i32>} : memref<5376xi32, #tpu.memory_space<vmem>>, vector<16xi32>,
          %swap3A_559 = arith.index_cast %select_n3A_503 : i32 to index
          %swap3A_560 = arith.constant 48 : index
          %swap3A_561 = tpu.vector_load %arg13[%swap3A_559, %swap3A_560] {strides = array<i32>} : memref<8x128xi32, #tpu.memory_space<vmem>>, vector<16xi32>,
          tpu.vector_store %arg13[%swap3A_559, %swap3A_560], %get3A_558 {strides = array<i32>} : memref<8x128xi32, #tpu.memory_space<vmem>>, vector<16xi32>,
          %add3A_562 = arith.constant 64 : i32
          %add3A_563 = arith.addi %mul3A_505, %add3A_562 : i32
          %get3A_564 = arith.index_cast %add3A_563 : i32 to index
          %get3A_565 = tpu.vector_load %arg10[%get3A_564] {strides = array<i32>} : memref<5376xi32, #tpu.memory_space<vmem>>, vector<16xi32>,
          %swap3A_566 = arith.index_cast %select_n3A_503 : i32 to index
          %swap3A_567 = arith.constant 64 : index
          %swap3A_568 = tpu.vector_load %arg12[%swap3A_566, %swap3A_567] {strides = array<i32>} : memref<8x128xi32, #tpu.memory_space<vmem>>, vector<16xi32>,
          tpu.vector_store %arg12[%swap3A_566, %swap3A_567], %get3A_565 {strides = array<i32>} : memref<8x128xi32, #tpu.memory_space<vmem>>, vector<16xi32>,
          %add3A_569 = arith.constant 64 : i32
          %add3A_570 = arith.addi %mul3A_505, %add3A_569 : i32
          %get3A_571 = arith.index_cast %add3A_570 : i32 to index
          %get3A_572 = tpu.vector_load %arg11[%get3A_571] {strides = array<i32>} : memref<5376xi32, #tpu.memory_space<vmem>>, vector<16xi32>,
          %swap3A_573 = arith.index_cast %select_n3A_503 : i32 to index
          %swap3A_574 = arith.constant 64 : index
          %swap3A_575 = tpu.vector_load %arg13[%swap3A_573, %swap3A_574] {strides = array<i32>} : memref<8x128xi32, #tpu.memory_space<vmem>>, vector<16xi32>,
          tpu.vector_store %arg13[%swap3A_573, %swap3A_574], %get3A_572 {strides = array<i32>} : memref<8x128xi32, #tpu.memory_space<vmem>>, vector<16xi32>,
          %add3A_576 = arith.constant 80 : i32
          %add3A_577 = arith.addi %mul3A_505, %add3A_576 : i32
          %get3A_578 = arith.index_cast %add3A_577 : i32 to index
          %get3A_579 = tpu.vector_load %arg10[%get3A_578] {strides = array<i32>} : memref<5376xi32, #tpu.memory_space<vmem>>, vector<16xi32>,
          %swap3A_580 = arith.index_cast %select_n3A_503 : i32 to index
          %swap3A_581 = arith.constant 80 : index
          %swap3A_582 = tpu.vector_load %arg12[%swap3A_580, %swap3A_581] {strides = array<i32>} : memref<8x128xi32, #tpu.memory_space<vmem>>, vector<16xi32>,
          tpu.vector_store %arg12[%swap3A_580, %swap3A_581], %get3A_579 {strides = array<i32>} : memref<8x128xi32, #tpu.memory_space<vmem>>, vector<16xi32>,
          %add3A_583 = arith.constant 80 : i32
          %add3A_584 = arith.addi %mul3A_505, %add3A_583 : i32
          %get3A_585 = arith.index_cast %add3A_584 : i32 to index
          %get3A_586 = tpu.vector_load %arg11[%get3A_585] {strides = array<i32>} : memref<5376xi32, #tpu.memory_space<vmem>>, vector<16xi32>,
          %swap3A_587 = arith.index_cast %select_n3A_503 : i32 to index
          %swap3A_588 = arith.constant 80 : index
          %swap3A_589 = tpu.vector_load %arg13[%swap3A_587, %swap3A_588] {strides = array<i32>} : memref<8x128xi32, #tpu.memory_space<vmem>>, vector<16xi32>,
          tpu.vector_store %arg13[%swap3A_587, %swap3A_588], %get3A_586 {strides = array<i32>} : memref<8x128xi32, #tpu.memory_space<vmem>>, vector<16xi32>,
          %add3A_590 = arith.constant 96 : i32
          %add3A_591 = arith.addi %mul3A_505, %add3A_590 : i32
          %get3A_592 = arith.index_cast %add3A_591 : i32 to index
          %get3A_593 = tpu.vector_load %arg10[%get3A_592] {strides = array<i32>} : memref<5376xi32, #tpu.memory_space<vmem>>, vector<16xi32>,
          %swap3A_594 = arith.index_cast %select_n3A_503 : i32 to index
          %swap3A_595 = arith.constant 96 : index
          %swap3A_596 = tpu.vector_load %arg12[%swap3A_594, %swap3A_595] {strides = array<i32>} : memref<8x128xi32, #tpu.memory_space<vmem>>, vector<16xi32>,
          tpu.vector_store %arg12[%swap3A_594, %swap3A_595], %get3A_593 {strides = array<i32>} : memref<8x128xi32, #tpu.memory_space<vmem>>, vector<16xi32>,
          %add3A_597 = arith.constant 96 : i32
          %add3A_598 = arith.addi %mul3A_505, %add3A_597 : i32
          %get3A_599 = arith.index_cast %add3A_598 : i32 to index
          %get3A_600 = tpu.vector_load %arg11[%get3A_599] {strides = array<i32>} : memref<5376xi32, #tpu.memory_space<vmem>>, vector<16xi32>,
          %swap3A_601 = arith.index_cast %select_n3A_503 : i32 to index
          %swap3A_602 = arith.constant 96 : index
          %swap3A_603 = tpu.vector_load %arg13[%swap3A_601, %swap3A_602] {strides = array<i32>} : memref<8x128xi32, #tpu.memory_space<vmem>>, vector<16xi32>,
          tpu.vector_store %arg13[%swap3A_601, %swap3A_602], %get3A_600 {strides = array<i32>} : memref<8x128xi32, #tpu.memory_space<vmem>>, vector<16xi32>,
          %add3A_604 = arith.constant 112 : i32
          %add3A_605 = arith.addi %mul3A_505, %add3A_604 : i32
          %get3A_606 = arith.index_cast %add3A_605 : i32 to index
          %get3A_607 = tpu.vector_load %arg10[%get3A_606] {strides = array<i32>} : memref<5376xi32, #tpu.memory_space<vmem>>, vector<16xi32>,
          %swap3A_608 = arith.index_cast %select_n3A_503 : i32 to index
          %swap3A_609 = arith.constant 112 : index
          %swap3A_610 = tpu.vector_load %arg12[%swap3A_608, %swap3A_609] {strides = array<i32>} : memref<8x128xi32, #tpu.memory_space<vmem>>, vector<16xi32>,
          tpu.vector_store %arg12[%swap3A_608, %swap3A_609], %get3A_607 {strides = array<i32>} : memref<8x128xi32, #tpu.memory_space<vmem>>, vector<16xi32>,
          %add3A_611 = arith.constant 112 : i32
          %add3A_612 = arith.addi %mul3A_505, %add3A_611 : i32
          %get3A_613 = arith.index_cast %add3A_612 : i32 to index
          %get3A_614 = tpu.vector_load %arg11[%get3A_613] {strides = array<i32>} : memref<5376xi32, #tpu.memory_space<vmem>>, vector<16xi32>,
          %swap3A_615 = arith.index_cast %select_n3A_503 : i32 to index
          %swap3A_616 = arith.constant 112 : index
          %swap3A_617 = tpu.vector_load %arg13[%swap3A_615, %swap3A_616] {strides = array<i32>} : memref<8x128xi32, #tpu.memory_space<vmem>>, vector<16xi32>,
          tpu.vector_store %arg13[%swap3A_615, %swap3A_616], %get3A_614 {strides = array<i32>} : memref<8x128xi32, #tpu.memory_space<vmem>>, vector<16xi32>,
          %mul3A_618 = arith.constant 128 : i32
          %mul3A_619 = arith.muli %select_n3A_503, %mul3A_618 : i32
          %dma_start3A_620 = arith.constant 0 : i32
          %dma_start3A_621 = tpu.memref_slice %arg9[%mul3A_619, %dma_start3A_620] : memref<1024x32xf32, #tpu.memory_space<vmem>> -> memref<128x32xf32, #tpu.memory_space<vmem>>
          %dma_start3A_622 = arith.constant 0 : i32
          %dma_start3A_623 = tpu.memref_slice %arg12[%select_n3A_503, %dma_start3A_622] : memref<8x128xi32, #tpu.memory_space<vmem>> -> memref<1x128xi32, #tpu.memory_space<vmem>>
          %dma_start3A_624 = tpu.memref_squeeze %dma_start3A_623 : memref<1x128xi32, #tpu.memory_space<vmem>> -> memref<128xi32, #tpu.memory_space<vmem>>
          %dma_start3A_625 = arith.constant 0 : i32
          %dma_start3A_626 = arith.constant 0 : i32
          %dma_start3A_627 = tpu.memref_slice %arg2[%dma_start3A_625, %dma_start3A_626] : memref<50000x32xf32, #tpu.memory_space<hbm>> -> memref<50000x32xf32, #tpu.memory_space<hbm>>
          tpu.enqueue_indirect_dma source(%dma_start3A_627 : memref<50000x32xf32, #tpu.memory_space<hbm>>) target(%dma_start3A_621 : memref<128x32xf32, #tpu.memory_space<vmem>>) offsets(%dma_start3A_624 : memref<128xi32, #tpu.memory_space<vmem>>) semaphore(%arg18 : memref<!tpu.dma_semaphore, #tpu.memory_space<semaphore_mem>>)
          %ge3A_628 = arith.constant 2 : i32
          %ge3A_629 = arith.cmpi sge, %scan3A_212, %ge3A_628 : i32
          %convert_element_type3A_630 = arith.extui %ge3A_629 : i1 to i32
          %cond3A_631 = arith.constant 0 : i32
          %cond3A_632 = arith.cmpi ne, %convert_element_type3A_630, %cond3A_631 : i32
          scf.if %cond3A_632 {
            %dma_wait3A_633 = arith.constant 0 : i32
            %dma_wait3A_634 = arith.constant 0 : i32
            %dma_wait3A_635 = tpu.memref_slice %arg9[%dma_wait3A_633, %dma_wait3A_634] : memref<1024x32xf32, #tpu.memory_space<vmem>> -> memref<128x32xf32, #tpu.memory_space<vmem>>
            %dma_wait3A_636 = arith.constant 0 : i32
            %dma_wait3A_637 = arith.constant 0 : i32
            %dma_wait3A_638 = tpu.memref_slice %arg2[%dma_wait3A_636, %dma_wait3A_637] : memref<50000x32xf32, #tpu.memory_space<hbm>> -> memref<128x32xf32, #tpu.memory_space<hbm>>
            %dma_wait3A_639 = arith.constant 0 : i32
            %dma_wait3A_640 = arith.constant 0 : i32
            %dma_wait3A_641 = tpu.memref_slice %arg9[%dma_wait3A_639, %dma_wait3A_640] : memref<1024x32xf32, #tpu.memory_space<vmem>> -> memref<128x32xf32, #tpu.memory_space<vmem>>
            %dma_wait3A_642 = arith.constant 0 : i32
            %dma_wait3A_643 = arith.constant 0 : i32
            %dma_wait3A_644 = tpu.memref_slice %arg2[%dma_wait3A_642, %dma_wait3A_643] : memref<50000x32xf32, #tpu.memory_space<hbm>> -> memref<128x32xf32, #tpu.memory_space<hbm>>
            tpu.wait_dma2 semaphore(%arg18 : memref<!tpu.dma_semaphore, #tpu.memory_space<semaphore_mem>>) src(%dma_wait3A_644 : memref<128x32xf32, #tpu.memory_space<hbm>>) dst(%dma_wait3A_641 : memref<128x32xf32, #tpu.memory_space<vmem>>)
            %sub3A_645 = arith.constant 2 : i32
            %sub3A_646 = arith.subi %scan3A_213, %sub3A_645 : i32
            %jit3A_647 = arith.constant 8 : i32
            %eq3A_648 = arith.constant 0 : i32
            %eq3A_649 = arith.cmpi eq, %jit3A_647, %eq3A_648 : i32
            %jit3A_650 = arith.constant 1 : i32
            %select_n3A_651 = arith.select %eq3A_649, %jit3A_650, %jit3A_647 : i32
            %rem3A_652 = arith.remsi %sub3A_646, %select_n3A_651 : i32
            %ne3A_653 = arith.constant 0 : i32
            %ne3A_654 = arith.cmpi ne, %rem3A_652, %ne3A_653 : i32
            %lt3A_655 = arith.constant 0 : i32
            %lt3A_656 = arith.cmpi slt, %rem3A_652, %lt3A_655 : i32
            %lt3A_657 = arith.constant 0 : i32
            %lt3A_658 = arith.cmpi slt, %select_n3A_651, %lt3A_657 : i32
            %ne3A_659 = arith.xori %lt3A_656, %lt3A_658 : i1
            %and3A_660 = arith.andi %ne3A_659, %ne3A_654 : i1
            %add3A_661 = arith.addi %rem3A_652, %select_n3A_651 : i32
            %select_n3A_662 = arith.select %and3A_660, %add3A_661, %rem3A_652 : i32
            %mul3A_663 = arith.constant 128 : i32
            %mul3A_664 = arith.muli %select_n3A_662, %mul3A_663 : i32
            %dma_start3A_665 = arith.constant 0 : i32
            %dma_start3A_666 = tpu.memref_slice %arg9[%mul3A_664, %dma_start3A_665] : memref<1024x32xf32, #tpu.memory_space<vmem>> -> memref<128x32xf32, #tpu.memory_space<vmem>>
            %dma_start3A_667 = arith.constant 0 : i32
            %dma_start3A_668 = tpu.memref_slice %arg13[%select_n3A_662, %dma_start3A_667] : memref<8x128xi32, #tpu.memory_space<vmem>> -> memref<1x128xi32, #tpu.memory_space<vmem>>
            %dma_start3A_669 = tpu.memref_squeeze %dma_start3A_668 : memref<1x128xi32, #tpu.memory_space<vmem>> -> memref<128xi32, #tpu.memory_space<vmem>>
            %dma_start3A_670 = arith.constant 0 : i32
            %dma_start3A_671 = arith.constant 0 : i32
            %dma_start3A_672 = tpu.memref_slice %arg16[%dma_start3A_670, %dma_start3A_671] : memref<25512x32xf32, #tpu.memory_space<vmem_shared>> -> memref<25512x32xf32, #tpu.memory_space<vmem_shared>>
            tpu.enqueue_indirect_dma source(%dma_start3A_666 : memref<128x32xf32, #tpu.memory_space<vmem>>) target(%dma_start3A_672 : memref<25512x32xf32, #tpu.memory_space<vmem_shared>>) offsets(%dma_start3A_669 : memref<128xi32, #tpu.memory_space<vmem>>) semaphore(%arg19 : memref<!tpu.dma_semaphore, #tpu.memory_space<semaphore_mem>>) {add = true}
            %dma_start3A_673 = arith.constant 0 : i32
            %dma_start3A_674 = tpu.memref_slice %arg13[%select_n3A_662, %dma_start3A_673] : memref<8x128xi32, #tpu.memory_space<vmem>> -> memref<1x128xi32, #tpu.memory_space<vmem>>
            %dma_start3A_675 = tpu.memref_squeeze %dma_start3A_674 : memref<1x128xi32, #tpu.memory_space<vmem>> -> memref<128xi32, #tpu.memory_space<vmem>>
            %dma_start3A_676 = arith.constant 0 : i32
            %dma_start3A_677 = tpu.memref_slice %arg17[%dma_start3A_676] : memref<25512xf32, #tpu.memory_space<vmem_shared>> -> memref<25512xf32, #tpu.memory_space<vmem_shared>>
            tpu.enqueue_indirect_dma source(%arg14 : memref<128xf32, #tpu.memory_space<vmem>>) target(%dma_start3A_677 : memref<25512xf32, #tpu.memory_space<vmem_shared>>) offsets(%dma_start3A_675 : memref<128xi32, #tpu.memory_space<vmem>>) semaphore(%arg19 : memref<!tpu.dma_semaphore, #tpu.memory_space<semaphore_mem>>) {add = true}
          } else {
          }
        } else {
        }
        %add3A_478 = arith.addi %scan3A_212, %convert_element_type3A_460 : i32
        %add3A_479 = arith.addi %scan3A_213, %convert_element_type3A_460 : i32
        %add3A_480 = arith.addi %scan3A_214, %convert_element_type3A_465 : i32
        %add3A_481 = arith.addi %scan3A_215, %convert_element_type3A_472 : i32
        scf.yield %add3A_403, %add3A_478, %add3A_479, %add3A_480, %add3A_481 : i32, i32, i32, i32, i32
      }
      %scan3A_165 = arith.constant 40 : i32
      %jit3A_166 = arith.constant 128 : i32
      %div3A = arith.divsi %scan3A_164#0, %jit3A_166 : i32
      %sign3A = arith.constant 0 : i32
      %sign3A_167 = arith.cmpi sgt, %scan3A_164#0, %sign3A : i32
      %sign3A_168 = arith.extui %sign3A_167 : i1 to i32
      %sign3A_169 = arith.constant 0 : i32
      %sign3A_170 = arith.cmpi slt, %scan3A_164#0, %sign3A_169 : i32
      %sign3A_171 = arith.extui %sign3A_170 : i1 to i32
      %sign3A_172 = arith.subi %sign3A_168, %sign3A_171 : i32
      %sign3A_173 = arith.constant 0 : i32
      %sign3A_174 = arith.cmpi sgt, %jit3A_166, %sign3A_173 : i32
      %sign3A_175 = arith.extui %sign3A_174 : i1 to i32
      %sign3A_176 = arith.constant 0 : i32
      %sign3A_177 = arith.cmpi slt, %jit3A_166, %sign3A_176 : i32
      %sign3A_178 = arith.extui %sign3A_177 : i1 to i32
      %sign3A_179 = arith.subi %sign3A_175, %sign3A_178 : i32
      %ne3A_180 = arith.cmpi ne, %sign3A_172, %sign3A_179 : i32
      %rem3A_181 = arith.remsi %scan3A_164#0, %jit3A_166 : i32
      %ne3A_182 = arith.constant 0 : i32
      %ne3A_183 = arith.cmpi ne, %rem3A_181, %ne3A_182 : i32
      %and3A_184 = arith.andi %ne3A_180, %ne3A_183 : i1
      %sub3A = arith.constant 1 : i32
      %sub3A_185 = arith.subi %div3A, %sub3A : i32
      %select_n3A_186 = arith.select %and3A_184, %sub3A_185, %div3A : i32
      %sub3A_187 = arith.constant 2 : i32
      %sub3A_188 = arith.subi %select_n3A_186, %sub3A_187 : i32
      %max3A = arith.constant 0 : i32
      %max3A_189 = arith.maxsi %sub3A_188, %max3A : i32
      %while3A_190 = arith.subi %select_n3A_186, %max3A_189 : i32
      %while3A_191 = arith.addi %max3A_189, %while3A_190 : i32
      %while3A_192 = arith.constant 1 : i32
      %while3A_193 = arith.divsi %while3A_190, %while3A_192 : i32
      %while3A_194 = arith.muli %while3A_193, %while3A_192 : i32
      %while3A_195 = arith.addi %max3A_189, %while3A_194 : i32
      %while3A_196 = arith.constant 1 : i32
      %while3A_197:2 = scf.for %while3A_210 = %max3A_189 to %while3A_195 step %while3A_196 iter_args(%while3A_211 = %scan3A_164#3, %while3A_212 = %scan3A_164#4) -> (i32, i32)  : i32 {
        %sub3A_213 = arith.subi %while3A_211, %while3A_212 : i32
        %ge3A = arith.constant 5 : i32
        %ge3A_214 = arith.cmpi sge, %sub3A_213, %ge3A : i32
        %convert_element_type3A_215 = arith.extui %ge3A_214 : i1 to i32
        %sub3A_216 = arith.subi %while3A_211, %while3A_212 : i32
        %ge3A_217 = arith.constant 5 : i32
        %ge3A_218 = arith.cmpi sge, %sub3A_216, %ge3A_217 : i32
        %convert_element_type3A_219 = arith.extui %ge3A_218 : i1 to i32
        %cond3A_220 = arith.constant 0 : i32
        %cond3A_221 = arith.cmpi ne, %convert_element_type3A_219, %cond3A_220 : i32
        scf.if %cond3A_221 {
          %dma_wait3A_270 = arith.constant 0 : i32
          %dma_wait3A_271 = arith.constant 0 : i32
          %dma_wait3A_272 = tpu.memref_slice %arg9[%dma_wait3A_270, %dma_wait3A_271] : memref<1024x32xf32, #tpu.memory_space<vmem>> -> memref<128x32xf32, #tpu.memory_space<vmem>>
          %dma_wait3A_273 = arith.constant 0 : i32
          %dma_wait3A_274 = arith.constant 0 : i32
          %dma_wait3A_275 = tpu.memref_slice %arg16[%dma_wait3A_273, %dma_wait3A_274] : memref<25512x32xf32, #tpu.memory_space<vmem_shared>> -> memref<128x32xf32, #tpu.memory_space<vmem_shared>>
          %dma_wait3A_276 = arith.constant 0 : i32
          %dma_wait3A_277 = arith.constant 0 : i32
          %dma_wait3A_278 = tpu.memref_slice %arg16[%dma_wait3A_276, %dma_wait3A_277] : memref<25512x32xf32, #tpu.memory_space<vmem_shared>> -> memref<128x32xf32, #tpu.memory_space<vmem_shared>>
          %dma_wait3A_279 = arith.constant 0 : i32
          %dma_wait3A_280 = arith.constant 0 : i32
          %dma_wait3A_281 = tpu.memref_slice %arg9[%dma_wait3A_279, %dma_wait3A_280] : memref<1024x32xf32, #tpu.memory_space<vmem>> -> memref<128x32xf32, #tpu.memory_space<vmem>>
          tpu.wait_dma2 semaphore(%arg19 : memref<!tpu.dma_semaphore, #tpu.memory_space<semaphore_mem>>) src(%dma_wait3A_281 : memref<128x32xf32, #tpu.memory_space<vmem>>) dst(%dma_wait3A_278 : memref<128x32xf32, #tpu.memory_space<vmem_shared>>)
          %dma_wait3A_282 = arith.constant 0 : i32
          %dma_wait3A_283 = tpu.memref_slice %arg17[%dma_wait3A_282] : memref<25512xf32, #tpu.memory_space<vmem_shared>> -> memref<128xf32, #tpu.memory_space<vmem_shared>>
          %dma_wait3A_284 = arith.constant 0 : i32
          %dma_wait3A_285 = tpu.memref_slice %arg17[%dma_wait3A_284] : memref<25512xf32, #tpu.memory_space<vmem_shared>> -> memref<128xf32, #tpu.memory_space<vmem_shared>>
          tpu.wait_dma2 semaphore(%arg19 : memref<!tpu.dma_semaphore, #tpu.memory_space<semaphore_mem>>) src(%arg14 : memref<128xf32, #tpu.memory_space<vmem>>) dst(%dma_wait3A_285 : memref<128xf32, #tpu.memory_space<vmem_shared>>)
        } else {
        }
        %dma_wait3A_222 = arith.constant 0 : i32
        %dma_wait3A_223 = arith.constant 0 : i32
        %dma_wait3A_224 = tpu.memref_slice %arg9[%dma_wait3A_222, %dma_wait3A_223] : memref<1024x32xf32, #tpu.memory_space<vmem>> -> memref<128x32xf32, #tpu.memory_space<vmem>>
        %dma_wait3A_225 = arith.constant 0 : i32
        %dma_wait3A_226 = arith.constant 0 : i32
        %dma_wait3A_227 = tpu.memref_slice %arg2[%dma_wait3A_225, %dma_wait3A_226] : memref<50000x32xf32, #tpu.memory_space<hbm>> -> memref<128x32xf32, #tpu.memory_space<hbm>>
        %dma_wait3A_228 = arith.constant 0 : i32
        %dma_wait3A_229 = arith.constant 0 : i32
        %dma_wait3A_230 = tpu.memref_slice %arg9[%dma_wait3A_228, %dma_wait3A_229] : memref<1024x32xf32, #tpu.memory_space<vmem>> -> memref<128x32xf32, #tpu.memory_space<vmem>>
        %dma_wait3A_231 = arith.constant 0 : i32
        %dma_wait3A_232 = arith.constant 0 : i32
        %dma_wait3A_233 = tpu.memref_slice %arg2[%dma_wait3A_231, %dma_wait3A_232] : memref<50000x32xf32, #tpu.memory_space<hbm>> -> memref<128x32xf32, #tpu.memory_space<hbm>>
        tpu.wait_dma2 semaphore(%arg18 : memref<!tpu.dma_semaphore, #tpu.memory_space<semaphore_mem>>) src(%dma_wait3A_233 : memref<128x32xf32, #tpu.memory_space<hbm>>) dst(%dma_wait3A_230 : memref<128x32xf32, #tpu.memory_space<vmem>>)
        %sub3A_234 = arith.subi %scan3A_164#2, %select_n3A_186 : i32
        %add3A_235 = arith.addi %sub3A_234, %while3A_210 : i32
        %jit3A_236 = arith.constant 8 : i32
        %eq3A_237 = arith.constant 0 : i32
        %eq3A_238 = arith.cmpi eq, %jit3A_236, %eq3A_237 : i32
        %jit3A_239 = arith.constant 1 : i32
        %select_n3A_240 = arith.select %eq3A_238, %jit3A_239, %jit3A_236 : i32
        %rem3A_241 = arith.remsi %add3A_235, %select_n3A_240 : i32
        %ne3A_242 = arith.constant 0 : i32
        %ne3A_243 = arith.cmpi ne, %rem3A_241, %ne3A_242 : i32
        %lt3A_244 = arith.constant 0 : i32
        %lt3A_245 = arith.cmpi slt, %rem3A_241, %lt3A_244 : i32
        %lt3A_246 = arith.constant 0 : i32
        %lt3A_247 = arith.cmpi slt, %select_n3A_240, %lt3A_246 : i32
        %ne3A_248 = arith.xori %lt3A_245, %lt3A_247 : i1
        %and3A_249 = arith.andi %ne3A_248, %ne3A_243 : i1
        %add3A_250 = arith.addi %rem3A_241, %select_n3A_240 : i32
        %select_n3A_251 = arith.select %and3A_249, %add3A_250, %rem3A_241 : i32
        %mul3A_252 = arith.constant 128 : i32
        %mul3A_253 = arith.muli %select_n3A_251, %mul3A_252 : i32
        %dma_start3A_254 = arith.constant 0 : i32
        %dma_start3A_255 = tpu.memref_slice %arg9[%mul3A_253, %dma_start3A_254] : memref<1024x32xf32, #tpu.memory_space<vmem>> -> memref<128x32xf32, #tpu.memory_space<vmem>>
        %dma_start3A_256 = arith.constant 0 : i32
        %dma_start3A_257 = tpu.memref_slice %arg13[%select_n3A_251, %dma_start3A_256] : memref<8x128xi32, #tpu.memory_space<vmem>> -> memref<1x128xi32, #tpu.memory_space<vmem>>
        %dma_start3A_258 = tpu.memref_squeeze %dma_start3A_257 : memref<1x128xi32, #tpu.memory_space<vmem>> -> memref<128xi32, #tpu.memory_space<vmem>>
        %dma_start3A_259 = arith.constant 0 : i32
        %dma_start3A_260 = arith.constant 0 : i32
        %dma_start3A_261 = tpu.memref_slice %arg16[%dma_start3A_259, %dma_start3A_260] : memref<25512x32xf32, #tpu.memory_space<vmem_shared>> -> memref<25512x32xf32, #tpu.memory_space<vmem_shared>>
        tpu.enqueue_indirect_dma source(%dma_start3A_255 : memref<128x32xf32, #tpu.memory_space<vmem>>) target(%dma_start3A_261 : memref<25512x32xf32, #tpu.memory_space<vmem_shared>>) offsets(%dma_start3A_258 : memref<128xi32, #tpu.memory_space<vmem>>) semaphore(%arg19 : memref<!tpu.dma_semaphore, #tpu.memory_space<semaphore_mem>>) {add = true}
        %dma_start3A_262 = arith.constant 0 : i32
        %dma_start3A_263 = tpu.memref_slice %arg13[%select_n3A_251, %dma_start3A_262] : memref<8x128xi32, #tpu.memory_space<vmem>> -> memref<1x128xi32, #tpu.memory_space<vmem>>
        %dma_start3A_264 = tpu.memref_squeeze %dma_start3A_263 : memref<1x128xi32, #tpu.memory_space<vmem>> -> memref<128xi32, #tpu.memory_space<vmem>>
        %dma_start3A_265 = arith.constant 0 : i32
        %dma_start3A_266 = tpu.memref_slice %arg17[%dma_start3A_265] : memref<25512xf32, #tpu.memory_space<vmem_shared>> -> memref<25512xf32, #tpu.memory_space<vmem_shared>>
        tpu.enqueue_indirect_dma source(%arg14 : memref<128xf32, #tpu.memory_space<vmem>>) target(%dma_start3A_266 : memref<25512xf32, #tpu.memory_space<vmem_shared>>) offsets(%dma_start3A_264 : memref<128xi32, #tpu.memory_space<vmem>>) semaphore(%arg19 : memref<!tpu.dma_semaphore, #tpu.memory_space<semaphore_mem>>) {add = true}
        %add3A_267 = arith.constant 1 : i32
        %add3A_268 = arith.addi %while3A_211, %add3A_267 : i32
        %add3A_269 = arith.addi %while3A_212, %convert_element_type3A_215 : i32
        scf.yield %add3A_268, %add3A_269 : i32, i32
      }
      %while3A_198 = arith.constant 1 : i32
      %while3A_199:2 = scf.for %while3A_210 = %while3A_195 to %while3A_191 step %while3A_198 iter_args(%while3A_211 = %while3A_197#0, %while3A_212 = %while3A_197#1) -> (i32, i32)  : i32 {
        %sub3A_213 = arith.subi %while3A_211, %while3A_212 : i32
        %ge3A = arith.constant 5 : i32
        %ge3A_214 = arith.cmpi sge, %sub3A_213, %ge3A : i32
        %convert_element_type3A_215 = arith.extui %ge3A_214 : i1 to i32
        %sub3A_216 = arith.subi %while3A_211, %while3A_212 : i32
        %ge3A_217 = arith.constant 5 : i32
        %ge3A_218 = arith.cmpi sge, %sub3A_216, %ge3A_217 : i32
        %convert_element_type3A_219 = arith.extui %ge3A_218 : i1 to i32
        %cond3A_220 = arith.constant 0 : i32
        %cond3A_221 = arith.cmpi ne, %convert_element_type3A_219, %cond3A_220 : i32
        scf.if %cond3A_221 {
          %dma_wait3A_270 = arith.constant 0 : i32
          %dma_wait3A_271 = arith.constant 0 : i32
          %dma_wait3A_272 = tpu.memref_slice %arg9[%dma_wait3A_270, %dma_wait3A_271] : memref<1024x32xf32, #tpu.memory_space<vmem>> -> memref<128x32xf32, #tpu.memory_space<vmem>>
          %dma_wait3A_273 = arith.constant 0 : i32
          %dma_wait3A_274 = arith.constant 0 : i32
          %dma_wait3A_275 = tpu.memref_slice %arg16[%dma_wait3A_273, %dma_wait3A_274] : memref<25512x32xf32, #tpu.memory_space<vmem_shared>> -> memref<128x32xf32, #tpu.memory_space<vmem_shared>>
          %dma_wait3A_276 = arith.constant 0 : i32
          %dma_wait3A_277 = arith.constant 0 : i32
          %dma_wait3A_278 = tpu.memref_slice %arg16[%dma_wait3A_276, %dma_wait3A_277] : memref<25512x32xf32, #tpu.memory_space<vmem_shared>> -> memref<128x32xf32, #tpu.memory_space<vmem_shared>>
          %dma_wait3A_279 = arith.constant 0 : i32
          %dma_wait3A_280 = arith.constant 0 : i32
          %dma_wait3A_281 = tpu.memref_slice %arg9[%dma_wait3A_279, %dma_wait3A_280] : memref<1024x32xf32, #tpu.memory_space<vmem>> -> memref<128x32xf32, #tpu.memory_space<vmem>>
          tpu.wait_dma2 semaphore(%arg19 : memref<!tpu.dma_semaphore, #tpu.memory_space<semaphore_mem>>) src(%dma_wait3A_281 : memref<128x32xf32, #tpu.memory_space<vmem>>) dst(%dma_wait3A_278 : memref<128x32xf32, #tpu.memory_space<vmem_shared>>)
          %dma_wait3A_282 = arith.constant 0 : i32
          %dma_wait3A_283 = tpu.memref_slice %arg17[%dma_wait3A_282] : memref<25512xf32, #tpu.memory_space<vmem_shared>> -> memref<128xf32, #tpu.memory_space<vmem_shared>>
          %dma_wait3A_284 = arith.constant 0 : i32
          %dma_wait3A_285 = tpu.memref_slice %arg17[%dma_wait3A_284] : memref<25512xf32, #tpu.memory_space<vmem_shared>> -> memref<128xf32, #tpu.memory_space<vmem_shared>>
          tpu.wait_dma2 semaphore(%arg19 : memref<!tpu.dma_semaphore, #tpu.memory_space<semaphore_mem>>) src(%arg14 : memref<128xf32, #tpu.memory_space<vmem>>) dst(%dma_wait3A_285 : memref<128xf32, #tpu.memory_space<vmem_shared>>)
        } else {
        }
        %dma_wait3A_222 = arith.constant 0 : i32
        %dma_wait3A_223 = arith.constant 0 : i32
        %dma_wait3A_224 = tpu.memref_slice %arg9[%dma_wait3A_222, %dma_wait3A_223] : memref<1024x32xf32, #tpu.memory_space<vmem>> -> memref<128x32xf32, #tpu.memory_space<vmem>>
        %dma_wait3A_225 = arith.constant 0 : i32
        %dma_wait3A_226 = arith.constant 0 : i32
        %dma_wait3A_227 = tpu.memref_slice %arg2[%dma_wait3A_225, %dma_wait3A_226] : memref<50000x32xf32, #tpu.memory_space<hbm>> -> memref<128x32xf32, #tpu.memory_space<hbm>>
        %dma_wait3A_228 = arith.constant 0 : i32
        %dma_wait3A_229 = arith.constant 0 : i32
        %dma_wait3A_230 = tpu.memref_slice %arg9[%dma_wait3A_228, %dma_wait3A_229] : memref<1024x32xf32, #tpu.memory_space<vmem>> -> memref<128x32xf32, #tpu.memory_space<vmem>>
        %dma_wait3A_231 = arith.constant 0 : i32
        %dma_wait3A_232 = arith.constant 0 : i32
        %dma_wait3A_233 = tpu.memref_slice %arg2[%dma_wait3A_231, %dma_wait3A_232] : memref<50000x32xf32, #tpu.memory_space<hbm>> -> memref<128x32xf32, #tpu.memory_space<hbm>>
        tpu.wait_dma2 semaphore(%arg18 : memref<!tpu.dma_semaphore, #tpu.memory_space<semaphore_mem>>) src(%dma_wait3A_233 : memref<128x32xf32, #tpu.memory_space<hbm>>) dst(%dma_wait3A_230 : memref<128x32xf32, #tpu.memory_space<vmem>>)
        %sub3A_234 = arith.subi %scan3A_164#2, %select_n3A_186 : i32
        %add3A_235 = arith.addi %sub3A_234, %while3A_210 : i32
        %jit3A_236 = arith.constant 8 : i32
        %eq3A_237 = arith.constant 0 : i32
        %eq3A_238 = arith.cmpi eq, %jit3A_236, %eq3A_237 : i32
        %jit3A_239 = arith.constant 1 : i32
        %select_n3A_240 = arith.select %eq3A_238, %jit3A_239, %jit3A_236 : i32
        %rem3A_241 = arith.remsi %add3A_235, %select_n3A_240 : i32
        %ne3A_242 = arith.constant 0 : i32
        %ne3A_243 = arith.cmpi ne, %rem3A_241, %ne3A_242 : i32
        %lt3A_244 = arith.constant 0 : i32
        %lt3A_245 = arith.cmpi slt, %rem3A_241, %lt3A_244 : i32
        %lt3A_246 = arith.constant 0 : i32
        %lt3A_247 = arith.cmpi slt, %select_n3A_240, %lt3A_246 : i32
        %ne3A_248 = arith.xori %lt3A_245, %lt3A_247 : i1
        %and3A_249 = arith.andi %ne3A_248, %ne3A_243 : i1
        %add3A_250 = arith.addi %rem3A_241, %select_n3A_240 : i32
        %select_n3A_251 = arith.select %and3A_249, %add3A_250, %rem3A_241 : i32
        %mul3A_252 = arith.constant 128 : i32
        %mul3A_253 = arith.muli %select_n3A_251, %mul3A_252 : i32
        %dma_start3A_254 = arith.constant 0 : i32
        %dma_start3A_255 = tpu.memref_slice %arg9[%mul3A_253, %dma_start3A_254] : memref<1024x32xf32, #tpu.memory_space<vmem>> -> memref<128x32xf32, #tpu.memory_space<vmem>>
        %dma_start3A_256 = arith.constant 0 : i32
        %dma_start3A_257 = tpu.memref_slice %arg13[%select_n3A_251, %dma_start3A_256] : memref<8x128xi32, #tpu.memory_space<vmem>> -> memref<1x128xi32, #tpu.memory_space<vmem>>
        %dma_start3A_258 = tpu.memref_squeeze %dma_start3A_257 : memref<1x128xi32, #tpu.memory_space<vmem>> -> memref<128xi32, #tpu.memory_space<vmem>>
        %dma_start3A_259 = arith.constant 0 : i32
        %dma_start3A_260 = arith.constant 0 : i32
        %dma_start3A_261 = tpu.memref_slice %arg16[%dma_start3A_259, %dma_start3A_260] : memref<25512x32xf32, #tpu.memory_space<vmem_shared>> -> memref<25512x32xf32, #tpu.memory_space<vmem_shared>>
        tpu.enqueue_indirect_dma source(%dma_start3A_255 : memref<128x32xf32, #tpu.memory_space<vmem>>) target(%dma_start3A_261 : memref<25512x32xf32, #tpu.memory_space<vmem_shared>>) offsets(%dma_start3A_258 : memref<128xi32, #tpu.memory_space<vmem>>) semaphore(%arg19 : memref<!tpu.dma_semaphore, #tpu.memory_space<semaphore_mem>>) {add = true}
        %dma_start3A_262 = arith.constant 0 : i32
        %dma_start3A_263 = tpu.memref_slice %arg13[%select_n3A_251, %dma_start3A_262] : memref<8x128xi32, #tpu.memory_space<vmem>> -> memref<1x128xi32, #tpu.memory_space<vmem>>
        %dma_start3A_264 = tpu.memref_squeeze %dma_start3A_263 : memref<1x128xi32, #tpu.memory_space<vmem>> -> memref<128xi32, #tpu.memory_space<vmem>>
        %dma_start3A_265 = arith.constant 0 : i32
        %dma_start3A_266 = tpu.memref_slice %arg17[%dma_start3A_265] : memref<25512xf32, #tpu.memory_space<vmem_shared>> -> memref<25512xf32, #tpu.memory_space<vmem_shared>>
        tpu.enqueue_indirect_dma source(%arg14 : memref<128xf32, #tpu.memory_space<vmem>>) target(%dma_start3A_266 : memref<25512xf32, #tpu.memory_space<vmem_shared>>) offsets(%dma_start3A_264 : memref<128xi32, #tpu.memory_space<vmem>>) semaphore(%arg19 : memref<!tpu.dma_semaphore, #tpu.memory_space<semaphore_mem>>) {add = true}
        %add3A_267 = arith.constant 1 : i32
        %add3A_268 = arith.addi %while3A_211, %add3A_267 : i32
        %add3A_269 = arith.addi %while3A_212, %convert_element_type3A_215 : i32
        scf.yield %add3A_268, %add3A_269 : i32, i32
      }
      %mul3A_200 = arith.constant 128 : i32
      %mul3A_201 = arith.muli %select_n3A_186, %mul3A_200 : i32
      %sub3A_202 = arith.subi %scan3A_164#0, %mul3A_201 : i32
      %mul3A_203 = arith.constant 128 : i32
      %mul3A_204 = arith.muli %select_n3A_186, %mul3A_203 : i32
      %gt3A_205 = arith.constant 0 : i32
      %gt3A_206 = arith.cmpi sgt, %sub3A_202, %gt3A_205 : i32
      %convert_element_type3A_207 = arith.extui %gt3A_206 : i1 to i32
      %cond3A_208 = arith.constant 0 : i32
      %cond3A_209 = arith.cmpi ne, %convert_element_type3A_207, %cond3A_208 : i32
      scf.if %cond3A_209 {
        %add3A_210 = arith.constant 0 : i32
        %add3A_211 = arith.addi %mul3A_204, %add3A_210 : i32
        %get3A = arith.index_cast %add3A_211 : i32 to index
        %get3A_212 = tpu.vector_load %arg10[%get3A] {strides = array<i32>} : memref<5376xi32, #tpu.memory_space<vmem>>, vector<16xi32>,
        %swap3A = arith.constant 0 : index
        %swap3A_213 = tpu.vector_load %arg10[%swap3A] {strides = array<i32>} : memref<5376xi32, #tpu.memory_space<vmem>>, vector<16xi32>,
        tpu.vector_store %arg10[%swap3A], %get3A_212 {strides = array<i32>} : memref<5376xi32, #tpu.memory_space<vmem>>, vector<16xi32>,
        %add3A_214 = arith.constant 0 : i32
        %add3A_215 = arith.addi %mul3A_204, %add3A_214 : i32
        %get3A_216 = arith.index_cast %add3A_215 : i32 to index
        %get3A_217 = tpu.vector_load %arg11[%get3A_216] {strides = array<i32>} : memref<5376xi32, #tpu.memory_space<vmem>>, vector<16xi32>,
        %swap3A_218 = arith.constant 0 : index
        %swap3A_219 = tpu.vector_load %arg11[%swap3A_218] {strides = array<i32>} : memref<5376xi32, #tpu.memory_space<vmem>>, vector<16xi32>,
        tpu.vector_store %arg11[%swap3A_218], %get3A_217 {strides = array<i32>} : memref<5376xi32, #tpu.memory_space<vmem>>, vector<16xi32>,
        %add3A_220 = arith.constant 16 : i32
        %add3A_221 = arith.addi %mul3A_204, %add3A_220 : i32
        %get3A_222 = arith.index_cast %add3A_221 : i32 to index
        %get3A_223 = tpu.vector_load %arg10[%get3A_222] {strides = array<i32>} : memref<5376xi32, #tpu.memory_space<vmem>>, vector<16xi32>,
        %swap3A_224 = arith.constant 16 : index
        %swap3A_225 = tpu.vector_load %arg10[%swap3A_224] {strides = array<i32>} : memref<5376xi32, #tpu.memory_space<vmem>>, vector<16xi32>,
        tpu.vector_store %arg10[%swap3A_224], %get3A_223 {strides = array<i32>} : memref<5376xi32, #tpu.memory_space<vmem>>, vector<16xi32>,
        %add3A_226 = arith.constant 16 : i32
        %add3A_227 = arith.addi %mul3A_204, %add3A_226 : i32
        %get3A_228 = arith.index_cast %add3A_227 : i32 to index
        %get3A_229 = tpu.vector_load %arg11[%get3A_228] {strides = array<i32>} : memref<5376xi32, #tpu.memory_space<vmem>>, vector<16xi32>,
        %swap3A_230 = arith.constant 16 : index
        %swap3A_231 = tpu.vector_load %arg11[%swap3A_230] {strides = array<i32>} : memref<5376xi32, #tpu.memory_space<vmem>>, vector<16xi32>,
        tpu.vector_store %arg11[%swap3A_230], %get3A_229 {strides = array<i32>} : memref<5376xi32, #tpu.memory_space<vmem>>, vector<16xi32>,
        %add3A_232 = arith.constant 32 : i32
        %add3A_233 = arith.addi %mul3A_204, %add3A_232 : i32
        %get3A_234 = arith.index_cast %add3A_233 : i32 to index
        %get3A_235 = tpu.vector_load %arg10[%get3A_234] {strides = array<i32>} : memref<5376xi32, #tpu.memory_space<vmem>>, vector<16xi32>,
        %swap3A_236 = arith.constant 32 : index
        %swap3A_237 = tpu.vector_load %arg10[%swap3A_236] {strides = array<i32>} : memref<5376xi32, #tpu.memory_space<vmem>>, vector<16xi32>,
        tpu.vector_store %arg10[%swap3A_236], %get3A_235 {strides = array<i32>} : memref<5376xi32, #tpu.memory_space<vmem>>, vector<16xi32>,
        %add3A_238 = arith.constant 32 : i32
        %add3A_239 = arith.addi %mul3A_204, %add3A_238 : i32
        %get3A_240 = arith.index_cast %add3A_239 : i32 to index
        %get3A_241 = tpu.vector_load %arg11[%get3A_240] {strides = array<i32>} : memref<5376xi32, #tpu.memory_space<vmem>>, vector<16xi32>,
        %swap3A_242 = arith.constant 32 : index
        %swap3A_243 = tpu.vector_load %arg11[%swap3A_242] {strides = array<i32>} : memref<5376xi32, #tpu.memory_space<vmem>>, vector<16xi32>,
        tpu.vector_store %arg11[%swap3A_242], %get3A_241 {strides = array<i32>} : memref<5376xi32, #tpu.memory_space<vmem>>, vector<16xi32>,
        %add3A_244 = arith.constant 48 : i32
        %add3A_245 = arith.addi %mul3A_204, %add3A_244 : i32
        %get3A_246 = arith.index_cast %add3A_245 : i32 to index
        %get3A_247 = tpu.vector_load %arg10[%get3A_246] {strides = array<i32>} : memref<5376xi32, #tpu.memory_space<vmem>>, vector<16xi32>,
        %swap3A_248 = arith.constant 48 : index
        %swap3A_249 = tpu.vector_load %arg10[%swap3A_248] {strides = array<i32>} : memref<5376xi32, #tpu.memory_space<vmem>>, vector<16xi32>,
        tpu.vector_store %arg10[%swap3A_248], %get3A_247 {strides = array<i32>} : memref<5376xi32, #tpu.memory_space<vmem>>, vector<16xi32>,
        %add3A_250 = arith.constant 48 : i32
        %add3A_251 = arith.addi %mul3A_204, %add3A_250 : i32
        %get3A_252 = arith.index_cast %add3A_251 : i32 to index
        %get3A_253 = tpu.vector_load %arg11[%get3A_252] {strides = array<i32>} : memref<5376xi32, #tpu.memory_space<vmem>>, vector<16xi32>,
        %swap3A_254 = arith.constant 48 : index
        %swap3A_255 = tpu.vector_load %arg11[%swap3A_254] {strides = array<i32>} : memref<5376xi32, #tpu.memory_space<vmem>>, vector<16xi32>,
        tpu.vector_store %arg11[%swap3A_254], %get3A_253 {strides = array<i32>} : memref<5376xi32, #tpu.memory_space<vmem>>, vector<16xi32>,
        %add3A_256 = arith.constant 64 : i32
        %add3A_257 = arith.addi %mul3A_204, %add3A_256 : i32
        %get3A_258 = arith.index_cast %add3A_257 : i32 to index
        %get3A_259 = tpu.vector_load %arg10[%get3A_258] {strides = array<i32>} : memref<5376xi32, #tpu.memory_space<vmem>>, vector<16xi32>,
        %swap3A_260 = arith.constant 64 : index
        %swap3A_261 = tpu.vector_load %arg10[%swap3A_260] {strides = array<i32>} : memref<5376xi32, #tpu.memory_space<vmem>>, vector<16xi32>,
        tpu.vector_store %arg10[%swap3A_260], %get3A_259 {strides = array<i32>} : memref<5376xi32, #tpu.memory_space<vmem>>, vector<16xi32>,
        %add3A_262 = arith.constant 64 : i32
        %add3A_263 = arith.addi %mul3A_204, %add3A_262 : i32
        %get3A_264 = arith.index_cast %add3A_263 : i32 to index
        %get3A_265 = tpu.vector_load %arg11[%get3A_264] {strides = array<i32>} : memref<5376xi32, #tpu.memory_space<vmem>>, vector<16xi32>,
        %swap3A_266 = arith.constant 64 : index
        %swap3A_267 = tpu.vector_load %arg11[%swap3A_266] {strides = array<i32>} : memref<5376xi32, #tpu.memory_space<vmem>>, vector<16xi32>,
        tpu.vector_store %arg11[%swap3A_266], %get3A_265 {strides = array<i32>} : memref<5376xi32, #tpu.memory_space<vmem>>, vector<16xi32>,
        %add3A_268 = arith.constant 80 : i32
        %add3A_269 = arith.addi %mul3A_204, %add3A_268 : i32
        %get3A_270 = arith.index_cast %add3A_269 : i32 to index
        %get3A_271 = tpu.vector_load %arg10[%get3A_270] {strides = array<i32>} : memref<5376xi32, #tpu.memory_space<vmem>>, vector<16xi32>,
        %swap3A_272 = arith.constant 80 : index
        %swap3A_273 = tpu.vector_load %arg10[%swap3A_272] {strides = array<i32>} : memref<5376xi32, #tpu.memory_space<vmem>>, vector<16xi32>,
        tpu.vector_store %arg10[%swap3A_272], %get3A_271 {strides = array<i32>} : memref<5376xi32, #tpu.memory_space<vmem>>, vector<16xi32>,
        %add3A_274 = arith.constant 80 : i32
        %add3A_275 = arith.addi %mul3A_204, %add3A_274 : i32
        %get3A_276 = arith.index_cast %add3A_275 : i32 to index
        %get3A_277 = tpu.vector_load %arg11[%get3A_276] {strides = array<i32>} : memref<5376xi32, #tpu.memory_space<vmem>>, vector<16xi32>,
        %swap3A_278 = arith.constant 80 : index
        %swap3A_279 = tpu.vector_load %arg11[%swap3A_278] {strides = array<i32>} : memref<5376xi32, #tpu.memory_space<vmem>>, vector<16xi32>,
        tpu.vector_store %arg11[%swap3A_278], %get3A_277 {strides = array<i32>} : memref<5376xi32, #tpu.memory_space<vmem>>, vector<16xi32>,
        %add3A_280 = arith.constant 96 : i32
        %add3A_281 = arith.addi %mul3A_204, %add3A_280 : i32
        %get3A_282 = arith.index_cast %add3A_281 : i32 to index
        %get3A_283 = tpu.vector_load %arg10[%get3A_282] {strides = array<i32>} : memref<5376xi32, #tpu.memory_space<vmem>>, vector<16xi32>,
        %swap3A_284 = arith.constant 96 : index
        %swap3A_285 = tpu.vector_load %arg10[%swap3A_284] {strides = array<i32>} : memref<5376xi32, #tpu.memory_space<vmem>>, vector<16xi32>,
        tpu.vector_store %arg10[%swap3A_284], %get3A_283 {strides = array<i32>} : memref<5376xi32, #tpu.memory_space<vmem>>, vector<16xi32>,
        %add3A_286 = arith.constant 96 : i32
        %add3A_287 = arith.addi %mul3A_204, %add3A_286 : i32
        %get3A_288 = arith.index_cast %add3A_287 : i32 to index
        %get3A_289 = tpu.vector_load %arg11[%get3A_288] {strides = array<i32>} : memref<5376xi32, #tpu.memory_space<vmem>>, vector<16xi32>,
        %swap3A_290 = arith.constant 96 : index
        %swap3A_291 = tpu.vector_load %arg11[%swap3A_290] {strides = array<i32>} : memref<5376xi32, #tpu.memory_space<vmem>>, vector<16xi32>,
        tpu.vector_store %arg11[%swap3A_290], %get3A_289 {strides = array<i32>} : memref<5376xi32, #tpu.memory_space<vmem>>, vector<16xi32>,
        %add3A_292 = arith.constant 112 : i32
        %add3A_293 = arith.addi %mul3A_204, %add3A_292 : i32
        %get3A_294 = arith.index_cast %add3A_293 : i32 to index
        %get3A_295 = tpu.vector_load %arg10[%get3A_294] {strides = array<i32>} : memref<5376xi32, #tpu.memory_space<vmem>>, vector<16xi32>,
        %swap3A_296 = arith.constant 112 : index
        %swap3A_297 = tpu.vector_load %arg10[%swap3A_296] {strides = array<i32>} : memref<5376xi32, #tpu.memory_space<vmem>>, vector<16xi32>,
        tpu.vector_store %arg10[%swap3A_296], %get3A_295 {strides = array<i32>} : memref<5376xi32, #tpu.memory_space<vmem>>, vector<16xi32>,
        %add3A_298 = arith.constant 112 : i32
        %add3A_299 = arith.addi %mul3A_204, %add3A_298 : i32
        %get3A_300 = arith.index_cast %add3A_299 : i32 to index
        %get3A_301 = tpu.vector_load %arg11[%get3A_300] {strides = array<i32>} : memref<5376xi32, #tpu.memory_space<vmem>>, vector<16xi32>,
        %swap3A_302 = arith.constant 112 : index
        %swap3A_303 = tpu.vector_load %arg11[%swap3A_302] {strides = array<i32>} : memref<5376xi32, #tpu.memory_space<vmem>>, vector<16xi32>,
        tpu.vector_store %arg11[%swap3A_302], %get3A_301 {strides = array<i32>} : memref<5376xi32, #tpu.memory_space<vmem>>, vector<16xi32>,
      } else {
      }
      scf.yield %sub3A_202, %scan3A_164#2, %while3A_199#0, %while3A_199#1 : i32, i32, i32, i32
    }
    %scan3A_95 = arith.constant 20 : i32
    %iota3A = tpu.iota {dimensions = array<i32: 0>} : vector<16xi32>
    %gt3A = arith.constant 0 : i32
    %gt3A_96 = arith.cmpi sgt, %scan3A_94#0, %gt3A : i32
    %convert_element_type3A_97 = arith.extui %gt3A_96 : i1 to i32
    %cond3A_98 = arith.constant 0 : i32
    %cond3A_99 = arith.cmpi ne, %convert_element_type3A_97, %cond3A_98 : i32
    scf.if %cond3A_99 {
      %add3A_132 = arith.constant 0 : i32
      %add3A_133 = vector.broadcast %add3A_132 : i32 to vector<16xi32>
      %add3A_134 = arith.addi %iota3A, %add3A_133 : vector<16xi32>
      %add3A_135 = arith.constant 25000 : i32
      %add3A_136 = vector.broadcast %add3A_135 : i32 to vector<16xi32>
      %add3A_137 = arith.addi %add3A_134, %add3A_136 : vector<16xi32>
      %add3A_138 = arith.constant 0 : i32
      %add3A_139 = arith.addi %scan3A_94#0, %add3A_138 : i32
      %swap3A = arith.index_cast %add3A_139 : i32 to index
      %swap3A_140 = tpu.vector_load %arg10[%swap3A] {strides = array<i32>} : memref<5376xi32, #tpu.memory_space<vmem>>, vector<16xi32>,
      tpu.vector_store %arg10[%swap3A], %add3A_134 {strides = array<i32>} : memref<5376xi32, #tpu.memory_space<vmem>>, vector<16xi32>,
      %add3A_141 = arith.constant 0 : i32
      %add3A_142 = arith.addi %scan3A_94#0, %add3A_141 : i32
      %swap3A_143 = arith.index_cast %add3A_142 : i32 to index
      %swap3A_144 = tpu.vector_load %arg11[%swap3A_143] {strides = array<i32>} : memref<5376xi32, #tpu.memory_space<vmem>>, vector<16xi32>,
      tpu.vector_store %arg11[%swap3A_143], %add3A_137 {strides = array<i32>} : memref<5376xi32, #tpu.memory_space<vmem>>, vector<16xi32>,
      %add3A_145 = arith.constant 16 : i32
      %add3A_146 = vector.broadcast %add3A_145 : i32 to vector<16xi32>
      %add3A_147 = arith.addi %iota3A, %add3A_146 : vector<16xi32>
      %add3A_148 = arith.constant 25000 : i32
      %add3A_149 = vector.broadcast %add3A_148 : i32 to vector<16xi32>
      %add3A_150 = arith.addi %add3A_147, %add3A_149 : vector<16xi32>
      %add3A_151 = arith.constant 16 : i32
      %add3A_152 = arith.addi %scan3A_94#0, %add3A_151 : i32
      %swap3A_153 = arith.index_cast %add3A_152 : i32 to index
      %swap3A_154 = tpu.vector_load %arg10[%swap3A_153] {strides = array<i32>} : memref<5376xi32, #tpu.memory_space<vmem>>, vector<16xi32>,
      tpu.vector_store %arg10[%swap3A_153], %add3A_147 {strides = array<i32>} : memref<5376xi32, #tpu.memory_space<vmem>>, vector<16xi32>,
      %add3A_155 = arith.constant 16 : i32
      %add3A_156 = arith.addi %scan3A_94#0, %add3A_155 : i32
      %swap3A_157 = arith.index_cast %add3A_156 : i32 to index
      %swap3A_158 = tpu.vector_load %arg11[%swap3A_157] {strides = array<i32>} : memref<5376xi32, #tpu.memory_space<vmem>>, vector<16xi32>,
      tpu.vector_store %arg11[%swap3A_157], %add3A_150 {strides = array<i32>} : memref<5376xi32, #tpu.memory_space<vmem>>, vector<16xi32>,
      %add3A_159 = arith.constant 32 : i32
      %add3A_160 = vector.broadcast %add3A_159 : i32 to vector<16xi32>
      %add3A_161 = arith.addi %iota3A, %add3A_160 : vector<16xi32>
      %add3A_162 = arith.constant 25000 : i32
      %add3A_163 = vector.broadcast %add3A_162 : i32 to vector<16xi32>
      %add3A_164 = arith.addi %add3A_161, %add3A_163 : vector<16xi32>
      %add3A_165 = arith.constant 32 : i32
      %add3A_166 = arith.addi %scan3A_94#0, %add3A_165 : i32
      %swap3A_167 = arith.index_cast %add3A_166 : i32 to index
      %swap3A_168 = tpu.vector_load %arg10[%swap3A_167] {strides = array<i32>} : memref<5376xi32, #tpu.memory_space<vmem>>, vector<16xi32>,
      tpu.vector_store %arg10[%swap3A_167], %add3A_161 {strides = array<i32>} : memref<5376xi32, #tpu.memory_space<vmem>>, vector<16xi32>,
      %add3A_169 = arith.constant 32 : i32
      %add3A_170 = arith.addi %scan3A_94#0, %add3A_169 : i32
      %swap3A_171 = arith.index_cast %add3A_170 : i32 to index
      %swap3A_172 = tpu.vector_load %arg11[%swap3A_171] {strides = array<i32>} : memref<5376xi32, #tpu.memory_space<vmem>>, vector<16xi32>,
      tpu.vector_store %arg11[%swap3A_171], %add3A_164 {strides = array<i32>} : memref<5376xi32, #tpu.memory_space<vmem>>, vector<16xi32>,
      %add3A_173 = arith.constant 48 : i32
      %add3A_174 = vector.broadcast %add3A_173 : i32 to vector<16xi32>
      %add3A_175 = arith.addi %iota3A, %add3A_174 : vector<16xi32>
      %add3A_176 = arith.constant 25000 : i32
      %add3A_177 = vector.broadcast %add3A_176 : i32 to vector<16xi32>
      %add3A_178 = arith.addi %add3A_175, %add3A_177 : vector<16xi32>
      %add3A_179 = arith.constant 48 : i32
      %add3A_180 = arith.addi %scan3A_94#0, %add3A_179 : i32
      %swap3A_181 = arith.index_cast %add3A_180 : i32 to index
      %swap3A_182 = tpu.vector_load %arg10[%swap3A_181] {strides = array<i32>} : memref<5376xi32, #tpu.memory_space<vmem>>, vector<16xi32>,
      tpu.vector_store %arg10[%swap3A_181], %add3A_175 {strides = array<i32>} : memref<5376xi32, #tpu.memory_space<vmem>>, vector<16xi32>,
      %add3A_183 = arith.constant 48 : i32
      %add3A_184 = arith.addi %scan3A_94#0, %add3A_183 : i32
      %swap3A_185 = arith.index_cast %add3A_184 : i32 to index
      %swap3A_186 = tpu.vector_load %arg11[%swap3A_185] {strides = array<i32>} : memref<5376xi32, #tpu.memory_space<vmem>>, vector<16xi32>,
      tpu.vector_store %arg11[%swap3A_185], %add3A_178 {strides = array<i32>} : memref<5376xi32, #tpu.memory_space<vmem>>, vector<16xi32>,
      %add3A_187 = arith.constant 64 : i32
      %add3A_188 = vector.broadcast %add3A_187 : i32 to vector<16xi32>
      %add3A_189 = arith.addi %iota3A, %add3A_188 : vector<16xi32>
      %add3A_190 = arith.constant 25000 : i32
      %add3A_191 = vector.broadcast %add3A_190 : i32 to vector<16xi32>
      %add3A_192 = arith.addi %add3A_189, %add3A_191 : vector<16xi32>
      %add3A_193 = arith.constant 64 : i32
      %add3A_194 = arith.addi %scan3A_94#0, %add3A_193 : i32
      %swap3A_195 = arith.index_cast %add3A_194 : i32 to index
      %swap3A_196 = tpu.vector_load %arg10[%swap3A_195] {strides = array<i32>} : memref<5376xi32, #tpu.memory_space<vmem>>, vector<16xi32>,
      tpu.vector_store %arg10[%swap3A_195], %add3A_189 {strides = array<i32>} : memref<5376xi32, #tpu.memory_space<vmem>>, vector<16xi32>,
      %add3A_197 = arith.constant 64 : i32
      %add3A_198 = arith.addi %scan3A_94#0, %add3A_197 : i32
      %swap3A_199 = arith.index_cast %add3A_198 : i32 to index
      %swap3A_200 = tpu.vector_load %arg11[%swap3A_199] {strides = array<i32>} : memref<5376xi32, #tpu.memory_space<vmem>>, vector<16xi32>,
      tpu.vector_store %arg11[%swap3A_199], %add3A_192 {strides = array<i32>} : memref<5376xi32, #tpu.memory_space<vmem>>, vector<16xi32>,
      %add3A_201 = arith.constant 80 : i32
      %add3A_202 = vector.broadcast %add3A_201 : i32 to vector<16xi32>
      %add3A_203 = arith.addi %iota3A, %add3A_202 : vector<16xi32>
      %add3A_204 = arith.constant 25000 : i32
      %add3A_205 = vector.broadcast %add3A_204 : i32 to vector<16xi32>
      %add3A_206 = arith.addi %add3A_203, %add3A_205 : vector<16xi32>
      %add3A_207 = arith.constant 80 : i32
      %add3A_208 = arith.addi %scan3A_94#0, %add3A_207 : i32
      %swap3A_209 = arith.index_cast %add3A_208 : i32 to index
      %swap3A_210 = tpu.vector_load %arg10[%swap3A_209] {strides = array<i32>} : memref<5376xi32, #tpu.memory_space<vmem>>, vector<16xi32>,
      tpu.vector_store %arg10[%swap3A_209], %add3A_203 {strides = array<i32>} : memref<5376xi32, #tpu.memory_space<vmem>>, vector<16xi32>,
      %add3A_211 = arith.constant 80 : i32
      %add3A_212 = arith.addi %scan3A_94#0, %add3A_211 : i32
      %swap3A_213 = arith.index_cast %add3A_212 : i32 to index
      %swap3A_214 = tpu.vector_load %arg11[%swap3A_213] {strides = array<i32>} : memref<5376xi32, #tpu.memory_space<vmem>>, vector<16xi32>,
      tpu.vector_store %arg11[%swap3A_213], %add3A_206 {strides = array<i32>} : memref<5376xi32, #tpu.memory_space<vmem>>, vector<16xi32>,
      %add3A_215 = arith.constant 96 : i32
      %add3A_216 = vector.broadcast %add3A_215 : i32 to vector<16xi32>
      %add3A_217 = arith.addi %iota3A, %add3A_216 : vector<16xi32>
      %add3A_218 = arith.constant 25000 : i32
      %add3A_219 = vector.broadcast %add3A_218 : i32 to vector<16xi32>
      %add3A_220 = arith.addi %add3A_217, %add3A_219 : vector<16xi32>
      %add3A_221 = arith.constant 96 : i32
      %add3A_222 = arith.addi %scan3A_94#0, %add3A_221 : i32
      %swap3A_223 = arith.index_cast %add3A_222 : i32 to index
      %swap3A_224 = tpu.vector_load %arg10[%swap3A_223] {strides = array<i32>} : memref<5376xi32, #tpu.memory_space<vmem>>, vector<16xi32>,
      tpu.vector_store %arg10[%swap3A_223], %add3A_217 {strides = array<i32>} : memref<5376xi32, #tpu.memory_space<vmem>>, vector<16xi32>,
      %add3A_225 = arith.constant 96 : i32
      %add3A_226 = arith.addi %scan3A_94#0, %add3A_225 : i32
      %swap3A_227 = arith.index_cast %add3A_226 : i32 to index
      %swap3A_228 = tpu.vector_load %arg11[%swap3A_227] {strides = array<i32>} : memref<5376xi32, #tpu.memory_space<vmem>>, vector<16xi32>,
      tpu.vector_store %arg11[%swap3A_227], %add3A_220 {strides = array<i32>} : memref<5376xi32, #tpu.memory_space<vmem>>, vector<16xi32>,
      %add3A_229 = arith.constant 112 : i32
      %add3A_230 = vector.broadcast %add3A_229 : i32 to vector<16xi32>
      %add3A_231 = arith.addi %iota3A, %add3A_230 : vector<16xi32>
      %add3A_232 = arith.constant 25000 : i32
      %add3A_233 = vector.broadcast %add3A_232 : i32 to vector<16xi32>
      %add3A_234 = arith.addi %add3A_231, %add3A_233 : vector<16xi32>
      %add3A_235 = arith.constant 112 : i32
      %add3A_236 = arith.addi %scan3A_94#0, %add3A_235 : i32
      %swap3A_237 = arith.index_cast %add3A_236 : i32 to index
      %swap3A_238 = tpu.vector_load %arg10[%swap3A_237] {strides = array<i32>} : memref<5376xi32, #tpu.memory_space<vmem>>, vector<16xi32>,
      tpu.vector_store %arg10[%swap3A_237], %add3A_231 {strides = array<i32>} : memref<5376xi32, #tpu.memory_space<vmem>>, vector<16xi32>,
      %add3A_239 = arith.constant 112 : i32
      %add3A_240 = arith.addi %scan3A_94#0, %add3A_239 : i32
      %swap3A_241 = arith.index_cast %add3A_240 : i32 to index
      %swap3A_242 = tpu.vector_load %arg11[%swap3A_241] {strides = array<i32>} : memref<5376xi32, #tpu.memory_space<vmem>>, vector<16xi32>,
      tpu.vector_store %arg11[%swap3A_241], %add3A_234 {strides = array<i32>} : memref<5376xi32, #tpu.memory_space<vmem>>, vector<16xi32>,
      %jit3A = arith.constant 8 : i32
      %eq3A = arith.constant 0 : i32
      %eq3A_243 = arith.cmpi eq, %jit3A, %eq3A : i32
      %jit3A_244 = arith.constant 1 : i32
      %select_n3A = arith.select %eq3A_243, %jit3A_244, %jit3A : i32
      %rem3A = arith.remsi %scan3A_94#1, %select_n3A : i32
      %ne3A = arith.constant 0 : i32
      %ne3A_245 = arith.cmpi ne, %rem3A, %ne3A : i32
      %lt3A_246 = arith.constant 0 : i32
      %lt3A_247 = arith.cmpi slt, %rem3A, %lt3A_246 : i32
      %lt3A_248 = arith.constant 0 : i32
      %lt3A_249 = arith.cmpi slt, %select_n3A, %lt3A_248 : i32
      %ne3A_250 = arith.xori %lt3A_247, %lt3A_249 : i1
      %and3A = arith.andi %ne3A_250, %ne3A_245 : i1
      %add3A_251 = arith.addi %rem3A, %select_n3A : i32
      %select_n3A_252 = arith.select %and3A, %add3A_251, %rem3A : i32
      %get3A = arith.constant 0 : index
      %get3A_253 = tpu.vector_load %arg10[%get3A] {strides = array<i32>} : memref<5376xi32, #tpu.memory_space<vmem>>, vector<16xi32>,
      %swap3A_254 = arith.index_cast %select_n3A_252 : i32 to index
      %swap3A_255 = arith.constant 0 : index
      %swap3A_256 = tpu.vector_load %arg12[%swap3A_254, %swap3A_255] {strides = array<i32>} : memref<8x128xi32, #tpu.memory_space<vmem>>, vector<16xi32>,
      tpu.vector_store %arg12[%swap3A_254, %swap3A_255], %get3A_253 {strides = array<i32>} : memref<8x128xi32, #tpu.memory_space<vmem>>, vector<16xi32>,
      %get3A_257 = arith.constant 0 : index
      %get3A_258 = tpu.vector_load %arg11[%get3A_257] {strides = array<i32>} : memref<5376xi32, #tpu.memory_space<vmem>>, vector<16xi32>,
      %swap3A_259 = arith.index_cast %select_n3A_252 : i32 to index
      %swap3A_260 = arith.constant 0 : index
      %swap3A_261 = tpu.vector_load %arg13[%swap3A_259, %swap3A_260] {strides = array<i32>} : memref<8x128xi32, #tpu.memory_space<vmem>>, vector<16xi32>,
      tpu.vector_store %arg13[%swap3A_259, %swap3A_260], %get3A_258 {strides = array<i32>} : memref<8x128xi32, #tpu.memory_space<vmem>>, vector<16xi32>,
      %get3A_262 = arith.constant 16 : index
      %get3A_263 = tpu.vector_load %arg10[%get3A_262] {strides = array<i32>} : memref<5376xi32, #tpu.memory_space<vmem>>, vector<16xi32>,
      %swap3A_264 = arith.index_cast %select_n3A_252 : i32 to index
      %swap3A_265 = arith.constant 16 : index
      %swap3A_266 = tpu.vector_load %arg12[%swap3A_264, %swap3A_265] {strides = array<i32>} : memref<8x128xi32, #tpu.memory_space<vmem>>, vector<16xi32>,
      tpu.vector_store %arg12[%swap3A_264, %swap3A_265], %get3A_263 {strides = array<i32>} : memref<8x128xi32, #tpu.memory_space<vmem>>, vector<16xi32>,
      %get3A_267 = arith.constant 16 : index
      %get3A_268 = tpu.vector_load %arg11[%get3A_267] {strides = array<i32>} : memref<5376xi32, #tpu.memory_space<vmem>>, vector<16xi32>,
      %swap3A_269 = arith.index_cast %select_n3A_252 : i32 to index
      %swap3A_270 = arith.constant 16 : index
      %swap3A_271 = tpu.vector_load %arg13[%swap3A_269, %swap3A_270] {strides = array<i32>} : memref<8x128xi32, #tpu.memory_space<vmem>>, vector<16xi32>,
      tpu.vector_store %arg13[%swap3A_269, %swap3A_270], %get3A_268 {strides = array<i32>} : memref<8x128xi32, #tpu.memory_space<vmem>>, vector<16xi32>,
      %get3A_272 = arith.constant 32 : index
      %get3A_273 = tpu.vector_load %arg10[%get3A_272] {strides = array<i32>} : memref<5376xi32, #tpu.memory_space<vmem>>, vector<16xi32>,
      %swap3A_274 = arith.index_cast %select_n3A_252 : i32 to index
      %swap3A_275 = arith.constant 32 : index
      %swap3A_276 = tpu.vector_load %arg12[%swap3A_274, %swap3A_275] {strides = array<i32>} : memref<8x128xi32, #tpu.memory_space<vmem>>, vector<16xi32>,
      tpu.vector_store %arg12[%swap3A_274, %swap3A_275], %get3A_273 {strides = array<i32>} : memref<8x128xi32, #tpu.memory_space<vmem>>, vector<16xi32>,
      %get3A_277 = arith.constant 32 : index
      %get3A_278 = tpu.vector_load %arg11[%get3A_277] {strides = array<i32>} : memref<5376xi32, #tpu.memory_space<vmem>>, vector<16xi32>,
      %swap3A_279 = arith.index_cast %select_n3A_252 : i32 to index
      %swap3A_280 = arith.constant 32 : index
      %swap3A_281 = tpu.vector_load %arg13[%swap3A_279, %swap3A_280] {strides = array<i32>} : memref<8x128xi32, #tpu.memory_space<vmem>>, vector<16xi32>,
      tpu.vector_store %arg13[%swap3A_279, %swap3A_280], %get3A_278 {strides = array<i32>} : memref<8x128xi32, #tpu.memory_space<vmem>>, vector<16xi32>,
      %get3A_282 = arith.constant 48 : index
      %get3A_283 = tpu.vector_load %arg10[%get3A_282] {strides = array<i32>} : memref<5376xi32, #tpu.memory_space<vmem>>, vector<16xi32>,
      %swap3A_284 = arith.index_cast %select_n3A_252 : i32 to index
      %swap3A_285 = arith.constant 48 : index
      %swap3A_286 = tpu.vector_load %arg12[%swap3A_284, %swap3A_285] {strides = array<i32>} : memref<8x128xi32, #tpu.memory_space<vmem>>, vector<16xi32>,
      tpu.vector_store %arg12[%swap3A_284, %swap3A_285], %get3A_283 {strides = array<i32>} : memref<8x128xi32, #tpu.memory_space<vmem>>, vector<16xi32>,
      %get3A_287 = arith.constant 48 : index
      %get3A_288 = tpu.vector_load %arg11[%get3A_287] {strides = array<i32>} : memref<5376xi32, #tpu.memory_space<vmem>>, vector<16xi32>,
      %swap3A_289 = arith.index_cast %select_n3A_252 : i32 to index
      %swap3A_290 = arith.constant 48 : index
      %swap3A_291 = tpu.vector_load %arg13[%swap3A_289, %swap3A_290] {strides = array<i32>} : memref<8x128xi32, #tpu.memory_space<vmem>>, vector<16xi32>,
      tpu.vector_store %arg13[%swap3A_289, %swap3A_290], %get3A_288 {strides = array<i32>} : memref<8x128xi32, #tpu.memory_space<vmem>>, vector<16xi32>,
      %get3A_292 = arith.constant 64 : index
      %get3A_293 = tpu.vector_load %arg10[%get3A_292] {strides = array<i32>} : memref<5376xi32, #tpu.memory_space<vmem>>, vector<16xi32>,
      %swap3A_294 = arith.index_cast %select_n3A_252 : i32 to index
      %swap3A_295 = arith.constant 64 : index
      %swap3A_296 = tpu.vector_load %arg12[%swap3A_294, %swap3A_295] {strides = array<i32>} : memref<8x128xi32, #tpu.memory_space<vmem>>, vector<16xi32>,
      tpu.vector_store %arg12[%swap3A_294, %swap3A_295], %get3A_293 {strides = array<i32>} : memref<8x128xi32, #tpu.memory_space<vmem>>, vector<16xi32>,
      %get3A_297 = arith.constant 64 : index
      %get3A_298 = tpu.vector_load %arg11[%get3A_297] {strides = array<i32>} : memref<5376xi32, #tpu.memory_space<vmem>>, vector<16xi32>,
      %swap3A_299 = arith.index_cast %select_n3A_252 : i32 to index
      %swap3A_300 = arith.constant 64 : index
      %swap3A_301 = tpu.vector_load %arg13[%swap3A_299, %swap3A_300] {strides = array<i32>} : memref<8x128xi32, #tpu.memory_space<vmem>>, vector<16xi32>,
      tpu.vector_store %arg13[%swap3A_299, %swap3A_300], %get3A_298 {strides = array<i32>} : memref<8x128xi32, #tpu.memory_space<vmem>>, vector<16xi32>,
      %get3A_302 = arith.constant 80 : index
      %get3A_303 = tpu.vector_load %arg10[%get3A_302] {strides = array<i32>} : memref<5376xi32, #tpu.memory_space<vmem>>, vector<16xi32>,
      %swap3A_304 = arith.index_cast %select_n3A_252 : i32 to index
      %swap3A_305 = arith.constant 80 : index
      %swap3A_306 = tpu.vector_load %arg12[%swap3A_304, %swap3A_305] {strides = array<i32>} : memref<8x128xi32, #tpu.memory_space<vmem>>, vector<16xi32>,
      tpu.vector_store %arg12[%swap3A_304, %swap3A_305], %get3A_303 {strides = array<i32>} : memref<8x128xi32, #tpu.memory_space<vmem>>, vector<16xi32>,
      %get3A_307 = arith.constant 80 : index
      %get3A_308 = tpu.vector_load %arg11[%get3A_307] {strides = array<i32>} : memref<5376xi32, #tpu.memory_space<vmem>>, vector<16xi32>,
      %swap3A_309 = arith.index_cast %select_n3A_252 : i32 to index
      %swap3A_310 = arith.constant 80 : index
      %swap3A_311 = tpu.vector_load %arg13[%swap3A_309, %swap3A_310] {strides = array<i32>} : memref<8x128xi32, #tpu.memory_space<vmem>>, vector<16xi32>,
      tpu.vector_store %arg13[%swap3A_309, %swap3A_310], %get3A_308 {strides = array<i32>} : memref<8x128xi32, #tpu.memory_space<vmem>>, vector<16xi32>,
      %get3A_312 = arith.constant 96 : index
      %get3A_313 = tpu.vector_load %arg10[%get3A_312] {strides = array<i32>} : memref<5376xi32, #tpu.memory_space<vmem>>, vector<16xi32>,
      %swap3A_314 = arith.index_cast %select_n3A_252 : i32 to index
      %swap3A_315 = arith.constant 96 : index
      %swap3A_316 = tpu.vector_load %arg12[%swap3A_314, %swap3A_315] {strides = array<i32>} : memref<8x128xi32, #tpu.memory_space<vmem>>, vector<16xi32>,
      tpu.vector_store %arg12[%swap3A_314, %swap3A_315], %get3A_313 {strides = array<i32>} : memref<8x128xi32, #tpu.memory_space<vmem>>, vector<16xi32>,
      %get3A_317 = arith.constant 96 : index
      %get3A_318 = tpu.vector_load %arg11[%get3A_317] {strides = array<i32>} : memref<5376xi32, #tpu.memory_space<vmem>>, vector<16xi32>,
      %swap3A_319 = arith.index_cast %select_n3A_252 : i32 to index
      %swap3A_320 = arith.constant 96 : index
      %swap3A_321 = tpu.vector_load %arg13[%swap3A_319, %swap3A_320] {strides = array<i32>} : memref<8x128xi32, #tpu.memory_space<vmem>>, vector<16xi32>,
      tpu.vector_store %arg13[%swap3A_319, %swap3A_320], %get3A_318 {strides = array<i32>} : memref<8x128xi32, #tpu.memory_space<vmem>>, vector<16xi32>,
      %get3A_322 = arith.constant 112 : index
      %get3A_323 = tpu.vector_load %arg10[%get3A_322] {strides = array<i32>} : memref<5376xi32, #tpu.memory_space<vmem>>, vector<16xi32>,
      %swap3A_324 = arith.index_cast %select_n3A_252 : i32 to index
      %swap3A_325 = arith.constant 112 : index
      %swap3A_326 = tpu.vector_load %arg12[%swap3A_324, %swap3A_325] {strides = array<i32>} : memref<8x128xi32, #tpu.memory_space<vmem>>, vector<16xi32>,
      tpu.vector_store %arg12[%swap3A_324, %swap3A_325], %get3A_323 {strides = array<i32>} : memref<8x128xi32, #tpu.memory_space<vmem>>, vector<16xi32>,
      %get3A_327 = arith.constant 112 : index
      %get3A_328 = tpu.vector_load %arg11[%get3A_327] {strides = array<i32>} : memref<5376xi32, #tpu.memory_space<vmem>>, vector<16xi32>,
      %swap3A_329 = arith.index_cast %select_n3A_252 : i32 to index
      %swap3A_330 = arith.constant 112 : index
      %swap3A_331 = tpu.vector_load %arg13[%swap3A_329, %swap3A_330] {strides = array<i32>} : memref<8x128xi32, #tpu.memory_space<vmem>>, vector<16xi32>,
      tpu.vector_store %arg13[%swap3A_329, %swap3A_330], %get3A_328 {strides = array<i32>} : memref<8x128xi32, #tpu.memory_space<vmem>>, vector<16xi32>,
      %mul3A_332 = arith.constant 128 : i32
      %mul3A_333 = arith.muli %select_n3A_252, %mul3A_332 : i32
      %dma_start3A_334 = arith.constant 0 : i32
      %dma_start3A_335 = tpu.memref_slice %arg9[%mul3A_333, %dma_start3A_334] : memref<1024x32xf32, #tpu.memory_space<vmem>> -> memref<128x32xf32, #tpu.memory_space<vmem>>
      %dma_start3A_336 = arith.constant 0 : i32
      %dma_start3A_337 = tpu.memref_slice %arg12[%select_n3A_252, %dma_start3A_336] : memref<8x128xi32, #tpu.memory_space<vmem>> -> memref<1x128xi32, #tpu.memory_space<vmem>>
      %dma_start3A_338 = tpu.memref_squeeze %dma_start3A_337 : memref<1x128xi32, #tpu.memory_space<vmem>> -> memref<128xi32, #tpu.memory_space<vmem>>
      %dma_start3A_339 = arith.constant 0 : i32
      %dma_start3A_340 = arith.constant 0 : i32
      %dma_start3A_341 = tpu.memref_slice %arg2[%dma_start3A_339, %dma_start3A_340] : memref<50000x32xf32, #tpu.memory_space<hbm>> -> memref<50000x32xf32, #tpu.memory_space<hbm>>
      tpu.enqueue_indirect_dma source(%dma_start3A_341 : memref<50000x32xf32, #tpu.memory_space<hbm>>) target(%dma_start3A_335 : memref<128x32xf32, #tpu.memory_space<vmem>>) offsets(%dma_start3A_338 : memref<128xi32, #tpu.memory_space<vmem>>) semaphore(%arg18 : memref<!tpu.dma_semaphore, #tpu.memory_space<semaphore_mem>>)
      %dma_wait3A_342 = arith.constant 0 : i32
      %dma_wait3A_343 = arith.constant 0 : i32
      %dma_wait3A_344 = tpu.memref_slice %arg9[%dma_wait3A_342, %dma_wait3A_343] : memref<1024x32xf32, #tpu.memory_space<vmem>> -> memref<128x32xf32, #tpu.memory_space<vmem>>
      %dma_wait3A_345 = arith.constant 0 : i32
      %dma_wait3A_346 = arith.constant 0 : i32
      %dma_wait3A_347 = tpu.memref_slice %arg2[%dma_wait3A_345, %dma_wait3A_346] : memref<50000x32xf32, #tpu.memory_space<hbm>> -> memref<128x32xf32, #tpu.memory_space<hbm>>
      %dma_wait3A_348 = arith.constant 0 : i32
      %dma_wait3A_349 = arith.constant 0 : i32
      %dma_wait3A_350 = tpu.memref_slice %arg9[%dma_wait3A_348, %dma_wait3A_349] : memref<1024x32xf32, #tpu.memory_space<vmem>> -> memref<128x32xf32, #tpu.memory_space<vmem>>
      %dma_wait3A_351 = arith.constant 0 : i32
      %dma_wait3A_352 = arith.constant 0 : i32
      %dma_wait3A_353 = tpu.memref_slice %arg2[%dma_wait3A_351, %dma_wait3A_352] : memref<50000x32xf32, #tpu.memory_space<hbm>> -> memref<128x32xf32, #tpu.memory_space<hbm>>
      tpu.wait_dma2 semaphore(%arg18 : memref<!tpu.dma_semaphore, #tpu.memory_space<semaphore_mem>>) src(%dma_wait3A_353 : memref<128x32xf32, #tpu.memory_space<hbm>>) dst(%dma_wait3A_350 : memref<128x32xf32, #tpu.memory_space<vmem>>)
      %jit3A_354 = arith.constant 8 : i32
      %eq3A_355 = arith.constant 0 : i32
      %eq3A_356 = arith.cmpi eq, %jit3A_354, %eq3A_355 : i32
      %jit3A_357 = arith.constant 1 : i32
      %select_n3A_358 = arith.select %eq3A_356, %jit3A_357, %jit3A_354 : i32
      %rem3A_359 = arith.remsi %scan3A_94#1, %select_n3A_358 : i32
      %ne3A_360 = arith.constant 0 : i32
      %ne3A_361 = arith.cmpi ne, %rem3A_359, %ne3A_360 : i32
      %lt3A_362 = arith.constant 0 : i32
      %lt3A_363 = arith.cmpi slt, %rem3A_359, %lt3A_362 : i32
      %lt3A_364 = arith.constant 0 : i32
      %lt3A_365 = arith.cmpi slt, %select_n3A_358, %lt3A_364 : i32
      %ne3A_366 = arith.xori %lt3A_363, %lt3A_365 : i1
      %and3A_367 = arith.andi %ne3A_366, %ne3A_361 : i1
      %add3A_368 = arith.addi %rem3A_359, %select_n3A_358 : i32
      %select_n3A_369 = arith.select %and3A_367, %add3A_368, %rem3A_359 : i32
      %mul3A_370 = arith.constant 128 : i32
      %mul3A_371 = arith.muli %select_n3A_369, %mul3A_370 : i32
      %dma_start3A_372 = arith.constant 0 : i32
      %dma_start3A_373 = tpu.memref_slice %arg9[%mul3A_371, %dma_start3A_372] : memref<1024x32xf32, #tpu.memory_space<vmem>> -> memref<128x32xf32, #tpu.memory_space<vmem>>
      %dma_start3A_374 = arith.constant 0 : i32
      %dma_start3A_375 = tpu.memref_slice %arg13[%select_n3A_369, %dma_start3A_374] : memref<8x128xi32, #tpu.memory_space<vmem>> -> memref<1x128xi32, #tpu.memory_space<vmem>>
      %dma_start3A_376 = tpu.memref_squeeze %dma_start3A_375 : memref<1x128xi32, #tpu.memory_space<vmem>> -> memref<128xi32, #tpu.memory_space<vmem>>
      %dma_start3A_377 = arith.constant 0 : i32
      %dma_start3A_378 = arith.constant 0 : i32
      %dma_start3A_379 = tpu.memref_slice %arg16[%dma_start3A_377, %dma_start3A_378] : memref<25512x32xf32, #tpu.memory_space<vmem_shared>> -> memref<25512x32xf32, #tpu.memory_space<vmem_shared>>
      tpu.enqueue_indirect_dma source(%dma_start3A_373 : memref<128x32xf32, #tpu.memory_space<vmem>>) target(%dma_start3A_379 : memref<25512x32xf32, #tpu.memory_space<vmem_shared>>) offsets(%dma_start3A_376 : memref<128xi32, #tpu.memory_space<vmem>>) semaphore(%arg19 : memref<!tpu.dma_semaphore, #tpu.memory_space<semaphore_mem>>) {add = true}
      %dma_start3A_380 = arith.constant 0 : i32
      %dma_start3A_381 = tpu.memref_slice %arg13[%select_n3A_369, %dma_start3A_380] : memref<8x128xi32, #tpu.memory_space<vmem>> -> memref<1x128xi32, #tpu.memory_space<vmem>>
      %dma_start3A_382 = tpu.memref_squeeze %dma_start3A_381 : memref<1x128xi32, #tpu.memory_space<vmem>> -> memref<128xi32, #tpu.memory_space<vmem>>
      %dma_start3A_383 = arith.constant 0 : i32
      %dma_start3A_384 = tpu.memref_slice %arg17[%dma_start3A_383] : memref<25512xf32, #tpu.memory_space<vmem_shared>> -> memref<25512xf32, #tpu.memory_space<vmem_shared>>
      tpu.enqueue_indirect_dma source(%arg14 : memref<128xf32, #tpu.memory_space<vmem>>) target(%dma_start3A_384 : memref<25512xf32, #tpu.memory_space<vmem_shared>>) offsets(%dma_start3A_382 : memref<128xi32, #tpu.memory_space<vmem>>) semaphore(%arg19 : memref<!tpu.dma_semaphore, #tpu.memory_space<semaphore_mem>>) {add = true}
    } else {
    }
    %gt3A_100 = arith.constant 0 : i32
    %gt3A_101 = arith.cmpi sgt, %scan3A_94#0, %gt3A_100 : i32
    %convert_element_type3A_102 = arith.extui %gt3A_101 : i1 to i32
    %add3A_103 = arith.addi %scan3A_94#2, %convert_element_type3A_102 : i32
    %while3A = arith.constant 0 : i32
    %while3A_104 = arith.subi %add3A_103, %scan3A_94#3 : i32
    %while3A_105 = arith.addi %scan3A_94#3, %while3A_104 : i32
    %while3A_106 = arith.constant 1 : i32
    %while3A_107 = arith.divsi %while3A_104, %while3A_106 : i32
    %while3A_108 = arith.muli %while3A_107, %while3A_106 : i32
    %while3A_109 = arith.addi %scan3A_94#3, %while3A_108 : i32
    %while3A_110 = arith.constant 1 : i32
    scf.for %while3A_132 = %scan3A_94#3 to %while3A_109 step %while3A_110  : i32 {
      %dma_wait3A_133 = arith.constant 0 : i32
      %dma_wait3A_134 = arith.constant 0 : i32
      %dma_wait3A_135 = tpu.memref_slice %arg9[%dma_wait3A_133, %dma_wait3A_134] : memref<1024x32xf32, #tpu.memory_space<vmem>> -> memref<128x32xf32, #tpu.memory_space<vmem>>
      %dma_wait3A_136 = arith.constant 0 : i32
      %dma_wait3A_137 = arith.constant 0 : i32
      %dma_wait3A_138 = tpu.memref_slice %arg16[%dma_wait3A_136, %dma_wait3A_137] : memref<25512x32xf32, #tpu.memory_space<vmem_shared>> -> memref<128x32xf32, #tpu.memory_space<vmem_shared>>
      %dma_wait3A_139 = arith.constant 0 : i32
      %dma_wait3A_140 = arith.constant 0 : i32
      %dma_wait3A_141 = tpu.memref_slice %arg16[%dma_wait3A_139, %dma_wait3A_140] : memref<25512x32xf32, #tpu.memory_space<vmem_shared>> -> memref<128x32xf32, #tpu.memory_space<vmem_shared>>
      %dma_wait3A_142 = arith.constant 0 : i32
      %dma_wait3A_143 = arith.constant 0 : i32
      %dma_wait3A_144 = tpu.memref_slice %arg9[%dma_wait3A_142, %dma_wait3A_143] : memref<1024x32xf32, #tpu.memory_space<vmem>> -> memref<128x32xf32, #tpu.memory_space<vmem>>
      tpu.wait_dma2 semaphore(%arg19 : memref<!tpu.dma_semaphore, #tpu.memory_space<semaphore_mem>>) src(%dma_wait3A_144 : memref<128x32xf32, #tpu.memory_space<vmem>>) dst(%dma_wait3A_141 : memref<128x32xf32, #tpu.memory_space<vmem_shared>>)
      %dma_wait3A_145 = arith.constant 0 : i32
      %dma_wait3A_146 = tpu.memref_slice %arg17[%dma_wait3A_145] : memref<25512xf32, #tpu.memory_space<vmem_shared>> -> memref<128xf32, #tpu.memory_space<vmem_shared>>
      %dma_wait3A_147 = arith.constant 0 : i32
      %dma_wait3A_148 = tpu.memref_slice %arg17[%dma_wait3A_147] : memref<25512xf32, #tpu.memory_space<vmem_shared>> -> memref<128xf32, #tpu.memory_space<vmem_shared>>
      tpu.wait_dma2 semaphore(%arg19 : memref<!tpu.dma_semaphore, #tpu.memory_space<semaphore_mem>>) src(%arg14 : memref<128xf32, #tpu.memory_space<vmem>>) dst(%dma_wait3A_148 : memref<128xf32, #tpu.memory_space<vmem_shared>>)
    }
    %while3A_111 = arith.constant 1 : i32
    scf.for %while3A_132 = %while3A_109 to %while3A_105 step %while3A_111  : i32 {
      %dma_wait3A_133 = arith.constant 0 : i32
      %dma_wait3A_134 = arith.constant 0 : i32
      %dma_wait3A_135 = tpu.memref_slice %arg9[%dma_wait3A_133, %dma_wait3A_134] : memref<1024x32xf32, #tpu.memory_space<vmem>> -> memref<128x32xf32, #tpu.memory_space<vmem>>
      %dma_wait3A_136 = arith.constant 0 : i32
      %dma_wait3A_137 = arith.constant 0 : i32
      %dma_wait3A_138 = tpu.memref_slice %arg16[%dma_wait3A_136, %dma_wait3A_137] : memref<25512x32xf32, #tpu.memory_space<vmem_shared>> -> memref<128x32xf32, #tpu.memory_space<vmem_shared>>
      %dma_wait3A_139 = arith.constant 0 : i32
      %dma_wait3A_140 = arith.constant 0 : i32
      %dma_wait3A_141 = tpu.memref_slice %arg16[%dma_wait3A_139, %dma_wait3A_140] : memref<25512x32xf32, #tpu.memory_space<vmem_shared>> -> memref<128x32xf32, #tpu.memory_space<vmem_shared>>
      %dma_wait3A_142 = arith.constant 0 : i32
      %dma_wait3A_143 = arith.constant 0 : i32
      %dma_wait3A_144 = tpu.memref_slice %arg9[%dma_wait3A_142, %dma_wait3A_143] : memref<1024x32xf32, #tpu.memory_space<vmem>> -> memref<128x32xf32, #tpu.memory_space<vmem>>
      tpu.wait_dma2 semaphore(%arg19 : memref<!tpu.dma_semaphore, #tpu.memory_space<semaphore_mem>>) src(%dma_wait3A_144 : memref<128x32xf32, #tpu.memory_space<vmem>>) dst(%dma_wait3A_141 : memref<128x32xf32, #tpu.memory_space<vmem_shared>>)
      %dma_wait3A_145 = arith.constant 0 : i32
      %dma_wait3A_146 = tpu.memref_slice %arg17[%dma_wait3A_145] : memref<25512xf32, #tpu.memory_space<vmem_shared>> -> memref<128xf32, #tpu.memory_space<vmem_shared>>
      %dma_wait3A_147 = arith.constant 0 : i32
      %dma_wait3A_148 = tpu.memref_slice %arg17[%dma_wait3A_147] : memref<25512xf32, #tpu.memory_space<vmem_shared>> -> memref<128xf32, #tpu.memory_space<vmem_shared>>
      tpu.wait_dma2 semaphore(%arg19 : memref<!tpu.dma_semaphore, #tpu.memory_space<semaphore_mem>>) src(%arg14 : memref<128xf32, #tpu.memory_space<vmem>>) dst(%dma_wait3A_148 : memref<128xf32, #tpu.memory_space<vmem_shared>>)
    }
    %barrier3A_112 = arith.constant 0 : index
    tpu.barrier barrier_id(%barrier3A_112)
    %mul3A_113 = arith.constant 1000 : i32
    %mul3A_114 = arith.muli %arg1, %mul3A_113 : i32
    "tpu.region"() ({
      %run_scoped3A = tpu.sem_alloc : memref<!tpu.dma_semaphore, #tpu.memory_space<semaphore_mem>>
      %dma_start3A_132 = arith.constant 0 : i32
      %dma_start3A_133 = arith.constant 0 : i32
      %dma_start3A_134 = tpu.memref_slice %arg9[%dma_start3A_132, %dma_start3A_133] : memref<1024x32xf32, #tpu.memory_space<vmem>> -> memref<1000x32xf32, #tpu.memory_space<vmem>>
      %dma_start3A_135 = arith.constant 0 : i32
      %dma_start3A_136 = tpu.memref_slice %arg16[%mul3A_114, %dma_start3A_135] : memref<25512x32xf32, #tpu.memory_space<vmem_shared>> -> memref<1000x32xf32, #tpu.memory_space<vmem_shared>>
      %dma_start3A_137 = arith.constant 0 : i32
      %dma_start3A_138 = arith.constant 0 : i32
      %dma_start3A_139 = tpu.memref_slice %arg9[%dma_start3A_137, %dma_start3A_138] : memref<1024x32xf32, #tpu.memory_space<vmem>> -> memref<1000x32xf32, #tpu.memory_space<vmem>>
      %dma_start3A_140 = arith.constant 0 : i32
      %dma_start3A_141 = tpu.memref_slice %arg16[%mul3A_114, %dma_start3A_140] : memref<25512x32xf32, #tpu.memory_space<vmem_shared>> -> memref<1000x32xf32, #tpu.memory_space<vmem_shared>>
      tpu.enqueue_dma source(%dma_start3A_141 : memref<1000x32xf32, #tpu.memory_space<vmem_shared>>) target(%dma_start3A_139 : memref<1000x32xf32, #tpu.memory_space<vmem>>) target_semaphore(%run_scoped3A : memref<!tpu.dma_semaphore, #tpu.memory_space<semaphore_mem>>)
      %dma_wait3A_142 = arith.constant 0 : i32
      %dma_wait3A_143 = arith.constant 0 : i32
      %dma_wait3A_144 = tpu.memref_slice %arg9[%dma_wait3A_142, %dma_wait3A_143] : memref<1024x32xf32, #tpu.memory_space<vmem>> -> memref<1000x32xf32, #tpu.memory_space<vmem>>
      %dma_wait3A_145 = arith.constant 0 : i32
      %dma_wait3A_146 = tpu.memref_slice %arg16[%mul3A_114, %dma_wait3A_145] : memref<25512x32xf32, #tpu.memory_space<vmem_shared>> -> memref<1000x32xf32, #tpu.memory_space<vmem_shared>>
      %dma_wait3A_147 = arith.constant 0 : i32
      %dma_wait3A_148 = arith.constant 0 : i32
      %dma_wait3A_149 = tpu.memref_slice %arg9[%dma_wait3A_147, %dma_wait3A_148] : memref<1024x32xf32, #tpu.memory_space<vmem>> -> memref<1000x32xf32, #tpu.memory_space<vmem>>
      %dma_wait3A_150 = arith.constant 0 : i32
      %dma_wait3A_151 = tpu.memref_slice %arg16[%mul3A_114, %dma_wait3A_150] : memref<25512x32xf32, #tpu.memory_space<vmem_shared>> -> memref<1000x32xf32, #tpu.memory_space<vmem_shared>>
      tpu.wait_dma2 semaphore(%run_scoped3A : memref<!tpu.dma_semaphore, #tpu.memory_space<semaphore_mem>>) src(%dma_wait3A_151 : memref<1000x32xf32, #tpu.memory_space<vmem_shared>>) dst(%dma_wait3A_149 : memref<1000x32xf32, #tpu.memory_space<vmem>>)
      tpu.yield
    }) : () -> ()
    %mul3A_115 = arith.constant 25000 : i32
    %mul3A_116 = arith.muli %arg0, %mul3A_115 : i32
    %mul3A_117 = arith.constant 1000 : i32
    %mul3A_118 = arith.muli %arg1, %mul3A_117 : i32
    %add3A_119 = arith.addi %mul3A_116, %mul3A_118 : i32
    "tpu.region"() ({
      %run_scoped3A = tpu.sem_alloc : memref<!tpu.dma_semaphore, #tpu.memory_space<semaphore_mem>>
      %dma_start3A_132 = arith.constant 0 : i32
      %dma_start3A_133 = arith.constant 0 : i32
      %dma_start3A_134 = tpu.memref_slice %arg9[%dma_start3A_132, %dma_start3A_133] : memref<1024x32xf32, #tpu.memory_space<vmem>> -> memref<1000x32xf32, #tpu.memory_space<vmem>>
      %dma_start3A_135 = arith.constant 0 : i32
      %dma_start3A_136 = tpu.memref_slice %arg5[%add3A_119, %dma_start3A_135] : memref<50000x32xf32, #tpu.memory_space<hbm>> -> memref<1000x32xf32, #tpu.memory_space<hbm>>
      %dma_start3A_137 = arith.constant 0 : i32
      %dma_start3A_138 = tpu.memref_slice %arg5[%add3A_119, %dma_start3A_137] : memref<50000x32xf32, #tpu.memory_space<hbm>> -> memref<1000x32xf32, #tpu.memory_space<hbm>>
      %dma_start3A_139 = arith.constant 0 : i32
      %dma_start3A_140 = arith.constant 0 : i32
      %dma_start3A_141 = tpu.memref_slice %arg9[%dma_start3A_139, %dma_start3A_140] : memref<1024x32xf32, #tpu.memory_space<vmem>> -> memref<1000x32xf32, #tpu.memory_space<vmem>>
      tpu.enqueue_dma source(%dma_start3A_141 : memref<1000x32xf32, #tpu.memory_space<vmem>>) target(%dma_start3A_138 : memref<1000x32xf32, #tpu.memory_space<hbm>>) target_semaphore(%run_scoped3A : memref<!tpu.dma_semaphore, #tpu.memory_space<semaphore_mem>>)
      %dma_wait3A_142 = arith.constant 0 : i32
      %dma_wait3A_143 = arith.constant 0 : i32
      %dma_wait3A_144 = tpu.memref_slice %arg9[%dma_wait3A_142, %dma_wait3A_143] : memref<1024x32xf32, #tpu.memory_space<vmem>> -> memref<1000x32xf32, #tpu.memory_space<vmem>>
      %dma_wait3A_145 = arith.constant 0 : i32
      %dma_wait3A_146 = tpu.memref_slice %arg5[%add3A_119, %dma_wait3A_145] : memref<50000x32xf32, #tpu.memory_space<hbm>> -> memref<1000x32xf32, #tpu.memory_space<hbm>>
      %dma_wait3A_147 = arith.constant 0 : i32
      %dma_wait3A_148 = tpu.memref_slice %arg5[%add3A_119, %dma_wait3A_147] : memref<50000x32xf32, #tpu.memory_space<hbm>> -> memref<1000x32xf32, #tpu.memory_space<hbm>>
      %dma_wait3A_149 = arith.constant 0 : i32
      %dma_wait3A_150 = arith.constant 0 : i32
      %dma_wait3A_151 = tpu.memref_slice %arg9[%dma_wait3A_149, %dma_wait3A_150] : memref<1024x32xf32, #tpu.memory_space<vmem>> -> memref<1000x32xf32, #tpu.memory_space<vmem>>
      tpu.wait_dma2 semaphore(%run_scoped3A : memref<!tpu.dma_semaphore, #tpu.memory_space<semaphore_mem>>) src(%dma_wait3A_151 : memref<1000x32xf32, #tpu.memory_space<vmem>>) dst(%dma_wait3A_148 : memref<1000x32xf32, #tpu.memory_space<hbm>>)
      tpu.yield
    }) : () -> ()
    %mul3A_120 = arith.constant 1000 : i32
    %mul3A_121 = arith.muli %arg1, %mul3A_120 : i32
    "tpu.region"() ({
      %run_scoped3A = tpu.sem_alloc : memref<!tpu.dma_semaphore, #tpu.memory_space<semaphore_mem>>
      %dma_start3A_132 = arith.constant 0 : i32
      %dma_start3A_133 = tpu.memref_slice %arg15[%dma_start3A_132] : memref<1008xf32, #tpu.memory_space<vmem>> -> memref<1000xf32, #tpu.memory_space<vmem>>
      %dma_start3A_134 = tpu.memref_slice %arg17[%mul3A_121] : memref<25512xf32, #tpu.memory_space<vmem_shared>> -> memref<1000xf32, #tpu.memory_space<vmem_shared>>
      %dma_start3A_135 = arith.constant 0 : i32
      %dma_start3A_136 = tpu.memref_slice %arg15[%dma_start3A_135] : memref<1008xf32, #tpu.memory_space<vmem>> -> memref<1000xf32, #tpu.memory_space<vmem>>
      %dma_start3A_137 = tpu.memref_slice %arg17[%mul3A_121] : memref<25512xf32, #tpu.memory_space<vmem_shared>> -> memref<1000xf32, #tpu.memory_space<vmem_shared>>
      tpu.enqueue_dma source(%dma_start3A_137 : memref<1000xf32, #tpu.memory_space<vmem_shared>>) target(%dma_start3A_136 : memref<1000xf32, #tpu.memory_space<vmem>>) target_semaphore(%run_scoped3A : memref<!tpu.dma_semaphore, #tpu.memory_space<semaphore_mem>>)
      %dma_wait3A_138 = arith.constant 0 : i32
      %dma_wait3A_139 = tpu.memref_slice %arg15[%dma_wait3A_138] : memref<1008xf32, #tpu.memory_space<vmem>> -> memref<1000xf32, #tpu.memory_space<vmem>>
      %dma_wait3A_140 = tpu.memref_slice %arg17[%mul3A_121] : memref<25512xf32, #tpu.memory_space<vmem_shared>> -> memref<1000xf32, #tpu.memory_space<vmem_shared>>
      %dma_wait3A_141 = arith.constant 0 : i32
      %dma_wait3A_142 = tpu.memref_slice %arg15[%dma_wait3A_141] : memref<1008xf32, #tpu.memory_space<vmem>> -> memref<1000xf32, #tpu.memory_space<vmem>>
      %dma_wait3A_143 = tpu.memref_slice %arg17[%mul3A_121] : memref<25512xf32, #tpu.memory_space<vmem_shared>> -> memref<1000xf32, #tpu.memory_space<vmem_shared>>
      tpu.wait_dma2 semaphore(%run_scoped3A : memref<!tpu.dma_semaphore, #tpu.memory_space<semaphore_mem>>) src(%dma_wait3A_143 : memref<1000xf32, #tpu.memory_space<vmem_shared>>) dst(%dma_wait3A_142 : memref<1000xf32, #tpu.memory_space<vmem>>)
      tpu.yield
    }) : () -> ()
    %mul3A_122 = arith.constant 25000 : i32
    %mul3A_123 = arith.muli %arg0, %mul3A_122 : i32
    %mul3A_124 = arith.constant 1000 : i32
    %mul3A_125 = arith.muli %arg1, %mul3A_124 : i32
    %add3A_126 = arith.addi %mul3A_123, %mul3A_125 : i32
    "tpu.region"() ({
      %run_scoped3A = tpu.sem_alloc : memref<!tpu.dma_semaphore, #tpu.memory_space<semaphore_mem>>
      %dma_start3A_132 = arith.constant 0 : i32
      %dma_start3A_133 = tpu.memref_slice %arg15[%dma_start3A_132] : memref<1008xf32, #tpu.memory_space<vmem>> -> memref<1000xf32, #tpu.memory_space<vmem>>
      %dma_start3A_134 = tpu.memref_slice %arg6[%add3A_126] : memref<50000xf32, #tpu.memory_space<hbm>> -> memref<1000xf32, #tpu.memory_space<hbm>>
      %dma_start3A_135 = tpu.memref_slice %arg6[%add3A_126] : memref<50000xf32, #tpu.memory_space<hbm>> -> memref<1000xf32, #tpu.memory_space<hbm>>
      %dma_start3A_136 = arith.constant 0 : i32
      %dma_start3A_137 = tpu.memref_slice %arg15[%dma_start3A_136] : memref<1008xf32, #tpu.memory_space<vmem>> -> memref<1000xf32, #tpu.memory_space<vmem>>
      tpu.enqueue_dma source(%dma_start3A_137 : memref<1000xf32, #tpu.memory_space<vmem>>) target(%dma_start3A_135 : memref<1000xf32, #tpu.memory_space<hbm>>) target_semaphore(%run_scoped3A : memref<!tpu.dma_semaphore, #tpu.memory_space<semaphore_mem>>)
      %dma_wait3A_138 = arith.constant 0 : i32
      %dma_wait3A_139 = tpu.memref_slice %arg15[%dma_wait3A_138] : memref<1008xf32, #tpu.memory_space<vmem>> -> memref<1000xf32, #tpu.memory_space<vmem>>
      %dma_wait3A_140 = tpu.memref_slice %arg6[%add3A_126] : memref<50000xf32, #tpu.memory_space<hbm>> -> memref<1000xf32, #tpu.memory_space<hbm>>
      %dma_wait3A_141 = tpu.memref_slice %arg6[%add3A_126] : memref<50000xf32, #tpu.memory_space<hbm>> -> memref<1000xf32, #tpu.memory_space<hbm>>
      %dma_wait3A_142 = arith.constant 0 : i32
      %dma_wait3A_143 = tpu.memref_slice %arg15[%dma_wait3A_142] : memref<1008xf32, #tpu.memory_space<vmem>> -> memref<1000xf32, #tpu.memory_space<vmem>>
      tpu.wait_dma2 semaphore(%run_scoped3A : memref<!tpu.dma_semaphore, #tpu.memory_space<semaphore_mem>>) src(%dma_wait3A_143 : memref<1000xf32, #tpu.memory_space<vmem>>) dst(%dma_wait3A_141 : memref<1000xf32, #tpu.memory_space<hbm>>)
      tpu.yield
    }) : () -> ()
    %lt3A_127 = arith.constant 9 : i32
    %lt3A_128 = arith.cmpi slt, %arg1, %lt3A_127 : i32
    %convert_element_type3A_129 = arith.extui %lt3A_128 : i1 to i32
    %cond3A_130 = arith.constant 0 : i32
    %cond3A_131 = arith.cmpi ne, %convert_element_type3A_129, %cond3A_130 : i32
    scf.if %cond3A_131 {
      %add3A_132 = arith.constant 16 : i32
      %add3A_133 = arith.addi %add3A_132, %arg1 : i32
      %mul3A_134 = arith.constant 1000 : i32
      %mul3A_135 = arith.muli %add3A_133, %mul3A_134 : i32
      "tpu.region"() ({
        %run_scoped3A = tpu.sem_alloc : memref<!tpu.dma_semaphore, #tpu.memory_space<semaphore_mem>>
        %dma_start3A_148 = arith.constant 0 : i32
        %dma_start3A_149 = arith.constant 0 : i32
        %dma_start3A_150 = tpu.memref_slice %arg9[%dma_start3A_148, %dma_start3A_149] : memref<1024x32xf32, #tpu.memory_space<vmem>> -> memref<1000x32xf32, #tpu.memory_space<vmem>>
        %dma_start3A_151 = arith.constant 0 : i32
        %dma_start3A_152 = tpu.memref_slice %arg16[%mul3A_135, %dma_start3A_151] : memref<25512x32xf32, #tpu.memory_space<vmem_shared>> -> memref<1000x32xf32, #tpu.memory_space<vmem_shared>>
        %dma_start3A_153 = arith.constant 0 : i32
        %dma_start3A_154 = arith.constant 0 : i32
        %dma_start3A_155 = tpu.memref_slice %arg9[%dma_start3A_153, %dma_start3A_154] : memref<1024x32xf32, #tpu.memory_space<vmem>> -> memref<1000x32xf32, #tpu.memory_space<vmem>>
        %dma_start3A_156 = arith.constant 0 : i32
        %dma_start3A_157 = tpu.memref_slice %arg16[%mul3A_135, %dma_start3A_156] : memref<25512x32xf32, #tpu.memory_space<vmem_shared>> -> memref<1000x32xf32, #tpu.memory_space<vmem_shared>>
        tpu.enqueue_dma source(%dma_start3A_157 : memref<1000x32xf32, #tpu.memory_space<vmem_shared>>) target(%dma_start3A_155 : memref<1000x32xf32, #tpu.memory_space<vmem>>) target_semaphore(%run_scoped3A : memref<!tpu.dma_semaphore, #tpu.memory_space<semaphore_mem>>)
        %dma_wait3A_158 = arith.constant 0 : i32
        %dma_wait3A_159 = arith.constant 0 : i32
        %dma_wait3A_160 = tpu.memref_slice %arg9[%dma_wait3A_158, %dma_wait3A_159] : memref<1024x32xf32, #tpu.memory_space<vmem>> -> memref<1000x32xf32, #tpu.memory_space<vmem>>
        %dma_wait3A_161 = arith.constant 0 : i32
        %dma_wait3A_162 = tpu.memref_slice %arg16[%mul3A_135, %dma_wait3A_161] : memref<25512x32xf32, #tpu.memory_space<vmem_shared>> -> memref<1000x32xf32, #tpu.memory_space<vmem_shared>>
        %dma_wait3A_163 = arith.constant 0 : i32
        %dma_wait3A_164 = arith.constant 0 : i32
        %dma_wait3A_165 = tpu.memref_slice %arg9[%dma_wait3A_163, %dma_wait3A_164] : memref<1024x32xf32, #tpu.memory_space<vmem>> -> memref<1000x32xf32, #tpu.memory_space<vmem>>
        %dma_wait3A_166 = arith.constant 0 : i32
        %dma_wait3A_167 = tpu.memref_slice %arg16[%mul3A_135, %dma_wait3A_166] : memref<25512x32xf32, #tpu.memory_space<vmem_shared>> -> memref<1000x32xf32, #tpu.memory_space<vmem_shared>>
        tpu.wait_dma2 semaphore(%run_scoped3A : memref<!tpu.dma_semaphore, #tpu.memory_space<semaphore_mem>>) src(%dma_wait3A_167 : memref<1000x32xf32, #tpu.memory_space<vmem_shared>>) dst(%dma_wait3A_165 : memref<1000x32xf32, #tpu.memory_space<vmem>>)
        tpu.yield
      }) : () -> ()
      %mul3A_136 = arith.constant 25000 : i32
      %mul3A_137 = arith.muli %arg0, %mul3A_136 : i32
      %mul3A_138 = arith.constant 1000 : i32
      %mul3A_139 = arith.muli %add3A_133, %mul3A_138 : i32
      %add3A_140 = arith.addi %mul3A_137, %mul3A_139 : i32
      "tpu.region"() ({
        %run_scoped3A = tpu.sem_alloc : memref<!tpu.dma_semaphore, #tpu.memory_space<semaphore_mem>>
        %dma_start3A_148 = arith.constant 0 : i32
        %dma_start3A_149 = arith.constant 0 : i32
        %dma_start3A_150 = tpu.memref_slice %arg9[%dma_start3A_148, %dma_start3A_149] : memref<1024x32xf32, #tpu.memory_space<vmem>> -> memref<1000x32xf32, #tpu.memory_space<vmem>>
        %dma_start3A_151 = arith.constant 0 : i32
        %dma_start3A_152 = tpu.memref_slice %arg5[%add3A_140, %dma_start3A_151] : memref<50000x32xf32, #tpu.memory_space<hbm>> -> memref<1000x32xf32, #tpu.memory_space<hbm>>
        %dma_start3A_153 = arith.constant 0 : i32
        %dma_start3A_154 = tpu.memref_slice %arg5[%add3A_140, %dma_start3A_153] : memref<50000x32xf32, #tpu.memory_space<hbm>> -> memref<1000x32xf32, #tpu.memory_space<hbm>>
        %dma_start3A_155 = arith.constant 0 : i32
        %dma_start3A_156 = arith.constant 0 : i32
        %dma_start3A_157 = tpu.memref_slice %arg9[%dma_start3A_155, %dma_start3A_156] : memref<1024x32xf32, #tpu.memory_space<vmem>> -> memref<1000x32xf32, #tpu.memory_space<vmem>>
        tpu.enqueue_dma source(%dma_start3A_157 : memref<1000x32xf32, #tpu.memory_space<vmem>>) target(%dma_start3A_154 : memref<1000x32xf32, #tpu.memory_space<hbm>>) target_semaphore(%run_scoped3A : memref<!tpu.dma_semaphore, #tpu.memory_space<semaphore_mem>>)
        %dma_wait3A_158 = arith.constant 0 : i32
        %dma_wait3A_159 = arith.constant 0 : i32
        %dma_wait3A_160 = tpu.memref_slice %arg9[%dma_wait3A_158, %dma_wait3A_159] : memref<1024x32xf32, #tpu.memory_space<vmem>> -> memref<1000x32xf32, #tpu.memory_space<vmem>>
        %dma_wait3A_161 = arith.constant 0 : i32
        %dma_wait3A_162 = tpu.memref_slice %arg5[%add3A_140, %dma_wait3A_161] : memref<50000x32xf32, #tpu.memory_space<hbm>> -> memref<1000x32xf32, #tpu.memory_space<hbm>>
        %dma_wait3A_163 = arith.constant 0 : i32
        %dma_wait3A_164 = tpu.memref_slice %arg5[%add3A_140, %dma_wait3A_163] : memref<50000x32xf32, #tpu.memory_space<hbm>> -> memref<1000x32xf32, #tpu.memory_space<hbm>>
        %dma_wait3A_165 = arith.constant 0 : i32
        %dma_wait3A_166 = arith.constant 0 : i32
        %dma_wait3A_167 = tpu.memref_slice %arg9[%dma_wait3A_165, %dma_wait3A_166] : memref<1024x32xf32, #tpu.memory_space<vmem>> -> memref<1000x32xf32, #tpu.memory_space<vmem>>
        tpu.wait_dma2 semaphore(%run_scoped3A : memref<!tpu.dma_semaphore, #tpu.memory_space<semaphore_mem>>) src(%dma_wait3A_167 : memref<1000x32xf32, #tpu.memory_space<vmem>>) dst(%dma_wait3A_164 : memref<1000x32xf32, #tpu.memory_space<hbm>>)
        tpu.yield
      }) : () -> ()
      %mul3A_141 = arith.constant 1000 : i32
      %mul3A_142 = arith.muli %add3A_133, %mul3A_141 : i32
      "tpu.region"() ({
        %run_scoped3A = tpu.sem_alloc : memref<!tpu.dma_semaphore, #tpu.memory_space<semaphore_mem>>
        %dma_start3A_148 = arith.constant 0 : i32
        %dma_start3A_149 = tpu.memref_slice %arg15[%dma_start3A_148] : memref<1008xf32, #tpu.memory_space<vmem>> -> memref<1000xf32, #tpu.memory_space<vmem>>
        %dma_start3A_150 = tpu.memref_slice %arg17[%mul3A_142] : memref<25512xf32, #tpu.memory_space<vmem_shared>> -> memref<1000xf32, #tpu.memory_space<vmem_shared>>
        %dma_start3A_151 = arith.constant 0 : i32
        %dma_start3A_152 = tpu.memref_slice %arg15[%dma_start3A_151] : memref<1008xf32, #tpu.memory_space<vmem>> -> memref<1000xf32, #tpu.memory_space<vmem>>
        %dma_start3A_153 = tpu.memref_slice %arg17[%mul3A_142] : memref<25512xf32, #tpu.memory_space<vmem_shared>> -> memref<1000xf32, #tpu.memory_space<vmem_shared>>
        tpu.enqueue_dma source(%dma_start3A_153 : memref<1000xf32, #tpu.memory_space<vmem_shared>>) target(%dma_start3A_152 : memref<1000xf32, #tpu.memory_space<vmem>>) target_semaphore(%run_scoped3A : memref<!tpu.dma_semaphore, #tpu.memory_space<semaphore_mem>>)
        %dma_wait3A_154 = arith.constant 0 : i32
        %dma_wait3A_155 = tpu.memref_slice %arg15[%dma_wait3A_154] : memref<1008xf32, #tpu.memory_space<vmem>> -> memref<1000xf32, #tpu.memory_space<vmem>>
        %dma_wait3A_156 = tpu.memref_slice %arg17[%mul3A_142] : memref<25512xf32, #tpu.memory_space<vmem_shared>> -> memref<1000xf32, #tpu.memory_space<vmem_shared>>
        %dma_wait3A_157 = arith.constant 0 : i32
        %dma_wait3A_158 = tpu.memref_slice %arg15[%dma_wait3A_157] : memref<1008xf32, #tpu.memory_space<vmem>> -> memref<1000xf32, #tpu.memory_space<vmem>>
        %dma_wait3A_159 = tpu.memref_slice %arg17[%mul3A_142] : memref<25512xf32, #tpu.memory_space<vmem_shared>> -> memref<1000xf32, #tpu.memory_space<vmem_shared>>
        tpu.wait_dma2 semaphore(%run_scoped3A : memref<!tpu.dma_semaphore, #tpu.memory_space<semaphore_mem>>) src(%dma_wait3A_159 : memref<1000xf32, #tpu.memory_space<vmem_shared>>) dst(%dma_wait3A_158 : memref<1000xf32, #tpu.memory_space<vmem>>)
        tpu.yield
      }) : () -> ()
      %mul3A_143 = arith.constant 25000 : i32
      %mul3A_144 = arith.muli %arg0, %mul3A_143 : i32
      %mul3A_145 = arith.constant 1000 : i32
      %mul3A_146 = arith.muli %add3A_133, %mul3A_145 : i32
      %add3A_147 = arith.addi %mul3A_144, %mul3A_146 : i32
      "tpu.region"() ({
        %run_scoped3A = tpu.sem_alloc : memref<!tpu.dma_semaphore, #tpu.memory_space<semaphore_mem>>
        %dma_start3A_148 = arith.constant 0 : i32
        %dma_start3A_149 = tpu.memref_slice %arg15[%dma_start3A_148] : memref<1008xf32, #tpu.memory_space<vmem>> -> memref<1000xf32, #tpu.memory_space<vmem>>
        %dma_start3A_150 = tpu.memref_slice %arg6[%add3A_147] : memref<50000xf32, #tpu.memory_space<hbm>> -> memref<1000xf32, #tpu.memory_space<hbm>>
        %dma_start3A_151 = tpu.memref_slice %arg6[%add3A_147] : memref<50000xf32, #tpu.memory_space<hbm>> -> memref<1000xf32, #tpu.memory_space<hbm>>
        %dma_start3A_152 = arith.constant 0 : i32
        %dma_start3A_153 = tpu.memref_slice %arg15[%dma_start3A_152] : memref<1008xf32, #tpu.memory_space<vmem>> -> memref<1000xf32, #tpu.memory_space<vmem>>
        tpu.enqueue_dma source(%dma_start3A_153 : memref<1000xf32, #tpu.memory_space<vmem>>) target(%dma_start3A_151 : memref<1000xf32, #tpu.memory_space<hbm>>) target_semaphore(%run_scoped3A : memref<!tpu.dma_semaphore, #tpu.memory_space<semaphore_mem>>)
        %dma_wait3A_154 = arith.constant 0 : i32
        %dma_wait3A_155 = tpu.memref_slice %arg15[%dma_wait3A_154] : memref<1008xf32, #tpu.memory_space<vmem>> -> memref<1000xf32, #tpu.memory_space<vmem>>
        %dma_wait3A_156 = tpu.memref_slice %arg6[%add3A_147] : memref<50000xf32, #tpu.memory_space<hbm>> -> memref<1000xf32, #tpu.memory_space<hbm>>
        %dma_wait3A_157 = tpu.memref_slice %arg6[%add3A_147] : memref<50000xf32, #tpu.memory_space<hbm>> -> memref<1000xf32, #tpu.memory_space<hbm>>
        %dma_wait3A_158 = arith.constant 0 : i32
        %dma_wait3A_159 = tpu.memref_slice %arg15[%dma_wait3A_158] : memref<1008xf32, #tpu.memory_space<vmem>> -> memref<1000xf32, #tpu.memory_space<vmem>>
        tpu.wait_dma2 semaphore(%run_scoped3A : memref<!tpu.dma_semaphore, #tpu.memory_space<semaphore_mem>>) src(%dma_wait3A_159 : memref<1000xf32, #tpu.memory_space<vmem>>) dst(%dma_wait3A_157 : memref<1000xf32, #tpu.memory_space<hbm>>)
        tpu.yield
      }) : () -> ()
    } else {
    }
    return
  }
}

module attributes {stable_mosaic.version = 14 : i64} {
  func.func @_tc_body(%arg0: i32, %arg1: memref<5000x32xf32, #tpu.memory_space<vmem>>, %arg2: memref<5000x1xf32, #tpu.memory_space<vmem>>, %arg3: memref<1x32xf32, #tpu.memory_space<vmem>>, %arg4: memref<1x32xf32, #tpu.memory_space<vmem>>, %arg5: memref<32x32xf32, #tpu.memory_space<vmem>>, %arg6: memref<1x32xf32, #tpu.memory_space<vmem>>, %arg7: memref<5000x32xf32, #tpu.memory_space<vmem>>, %arg8: memref<2x32xf32, #tpu.memory_space<vmem>>) attributes {dimension_semantics = [#tpu.dimension_semantics<arbitrary>], iteration_bounds = array<i64: 20>, scalar_prefetch = 0 : i64, scratch_operands = 1 : i64, tpu.core_type = #tpu.core_type<tc>, window_params = [{transform_indices = @transform_0, window_bounds = array<i64: 5000, 32>}, {transform_indices = @transform_1, window_bounds = array<i64: 5000, 1>}, {pipeline_mode = #tpu.pipeline_mode<synchronous>, transform_indices = @transform_2, window_bounds = array<i64: 1, 32>}, {pipeline_mode = #tpu.pipeline_mode<synchronous>, transform_indices = @transform_3, window_bounds = array<i64: 1, 32>}, {pipeline_mode = #tpu.pipeline_mode<synchronous>, transform_indices = @transform_4, window_bounds = array<i64: 32, 32>}, {pipeline_mode = #tpu.pipeline_mode<synchronous>, transform_indices = @transform_5, window_bounds = array<i64: 1, 32>}, {transform_indices = @transform_6, window_bounds = array<i64: 5000, 32>}]} {
    %get3A = arith.constant 0 : index
    %get3A_0 = arith.constant 0 : index
    %get3A_1 = vector.load %arg1[%get3A, %get3A_0] : memref<5000x32xf32, #tpu.memory_space<vmem>>, vector<5000x32xf32>
    %get3A_2 = arith.constant 0 : index
    %get3A_3 = arith.constant 0 : index
    %get3A_4 = vector.load %arg2[%get3A_2, %get3A_3] : memref<5000x1xf32, #tpu.memory_space<vmem>>, vector<5000x1xf32>
    %max3A = arith.constant 1.000000e+00 : f32
    %max3A_5 = vector.broadcast %max3A : f32 to vector<5000x1xf32>
    %max3A_6 = arith.maximumf %get3A_4, %max3A_5 : vector<5000x1xf32>
    %div3A = vector.broadcast %max3A_6 : vector<5000x1xf32> to vector<5000x32xf32>
    %div3A_7 = arith.divf %get3A_1, %div3A : vector<5000x32xf32>
    %lt3A = arith.constant 10 : i32
    %lt3A_8 = arith.cmpi slt, %arg0, %lt3A : i32
    %convert_element_type3A = arith.extui %lt3A_8 : i1 to i32
    %cond3A = arith.constant 0 : i32
    %cond3A_9 = arith.cmpi ne, %convert_element_type3A, %cond3A : i32
    scf.if %cond3A_9 {
      %reduce_sum3A = arith.constant dense<0.000000e+00> : vector<32xf32>
      %reduce_sum3A_14 = vector.multi_reduction <add>, %div3A_7, %reduce_sum3A [0] : vector<5000x32xf32> to vector<32xf32>
      %broadcast_in_dim3A = vector.shape_cast %reduce_sum3A_14 : vector<32xf32> to vector<1x32xf32>
      %mul3A = arith.mulf %div3A_7, %div3A_7 : vector<5000x32xf32>
      %reduce_sum3A_15 = arith.constant dense<0.000000e+00> : vector<32xf32>
      %reduce_sum3A_16 = vector.multi_reduction <add>, %mul3A, %reduce_sum3A_15 [0] : vector<5000x32xf32> to vector<32xf32>
      %broadcast_in_dim3A_17 = vector.shape_cast %reduce_sum3A_16 : vector<32xf32> to vector<1x32xf32>
      %concatenate3A = tpu.concatenate %broadcast_in_dim3A, %broadcast_in_dim3A_17 in 0 : vector<1x32xf32>, vector<1x32xf32> -> vector<2x32xf32>
      %eq3A = arith.constant 0 : i32
      %eq3A_18 = arith.cmpi eq, %arg0, %eq3A : i32
      %convert_element_type3A_19 = arith.extui %eq3A_18 : i1 to i32
      %cond3A_20 = arith.constant 0 : i32
      %cond3A_21 = arith.cmpi ne, %convert_element_type3A_19, %cond3A_20 : i32
      scf.if %cond3A_21 {
        %swap3A = arith.constant 0 : index
        %swap3A_26 = arith.constant 0 : index
        %swap3A_27 = vector.load %arg8[%swap3A, %swap3A_26] : memref<2x32xf32, #tpu.memory_space<vmem>>, vector<2x32xf32>
        tpu.vector_store %arg8[%swap3A, %swap3A_26], %concatenate3A {strides = array<i32>} : memref<2x32xf32, #tpu.memory_space<vmem>>, vector<2x32xf32>,
      } else {
      }
      %gt3A = arith.constant 0 : i32
      %gt3A_22 = arith.cmpi sgt, %arg0, %gt3A : i32
      %convert_element_type3A_23 = arith.extui %gt3A_22 : i1 to i32
      %cond3A_24 = arith.constant 0 : i32
      %cond3A_25 = arith.cmpi ne, %convert_element_type3A_23, %cond3A_24 : i32
      scf.if %cond3A_25 {
        %get3A_26 = arith.constant 0 : index
        %get3A_27 = arith.constant 0 : index
        %get3A_28 = vector.load %arg8[%get3A_26, %get3A_27] : memref<2x32xf32, #tpu.memory_space<vmem>>, vector<2x32xf32>
        %add3A = arith.addf %get3A_28, %concatenate3A : vector<2x32xf32>
        %swap3A = arith.constant 0 : index
        %swap3A_29 = arith.constant 0 : index
        %swap3A_30 = vector.load %arg8[%swap3A, %swap3A_29] : memref<2x32xf32, #tpu.memory_space<vmem>>, vector<2x32xf32>
        tpu.vector_store %arg8[%swap3A, %swap3A_29], %add3A {strides = array<i32>} : memref<2x32xf32, #tpu.memory_space<vmem>>, vector<2x32xf32>,
      } else {
      }
    } else {
    }
    %ge3A = arith.constant 10 : i32
    %ge3A_10 = arith.cmpi sge, %arg0, %ge3A : i32
    %convert_element_type3A_11 = arith.extui %ge3A_10 : i1 to i32
    %cond3A_12 = arith.constant 0 : i32
    %cond3A_13 = arith.cmpi ne, %convert_element_type3A_11, %cond3A_12 : i32
    scf.if %cond3A_13 {
      %get3A_14 = arith.constant 0 : index
      %get3A_15 = arith.constant 0 : index
      %get3A_16 = vector.load %arg8[%get3A_14, %get3A_15] : memref<2x32xf32, #tpu.memory_space<vmem>>, vector<2x32xf32>
      %slice3A = vector.extract_strided_slice %get3A_16 {offsets = [0, 0], sizes = [1, 32], strides = [1, 1]} : vector<2x32xf32> to vector<1x32xf32>
      %mul3A = arith.constant 2.000000e-05 : f32
      %mul3A_17 = vector.broadcast %mul3A : f32 to vector<1x32xf32>
      %mul3A_18 = arith.mulf %slice3A, %mul3A_17 : vector<1x32xf32>
      %slice3A_19 = vector.extract_strided_slice %get3A_16 {offsets = [1, 0], sizes = [1, 32], strides = [1, 1]} : vector<2x32xf32> to vector<1x32xf32>
      %mul3A_20 = arith.constant 2.000000e-05 : f32
      %mul3A_21 = vector.broadcast %mul3A_20 : f32 to vector<1x32xf32>
      %mul3A_22 = arith.mulf %slice3A_19, %mul3A_21 : vector<1x32xf32>
      %mul3A_23 = arith.mulf %mul3A_18, %mul3A_18 : vector<1x32xf32>
      %sub3A = arith.subf %mul3A_22, %mul3A_23 : vector<1x32xf32>
      %get3A_24 = arith.constant 0 : index
      %get3A_25 = arith.constant 0 : index
      %get3A_26 = vector.load %arg3[%get3A_24, %get3A_25] : memref<1x32xf32, #tpu.memory_space<vmem>>, vector<1x32xf32>
      %add3A = arith.constant 9.99999974E-6 : f32
      %add3A_27 = vector.broadcast %add3A : f32 to vector<1x32xf32>
      %add3A_28 = arith.addf %sub3A, %add3A_27 : vector<1x32xf32>
      %rsqrt3A = math.rsqrt %add3A_28 : vector<1x32xf32>
      %mul3A_29 = arith.mulf %get3A_26, %rsqrt3A : vector<1x32xf32>
      %get3A_30 = arith.constant 0 : index
      %get3A_31 = arith.constant 0 : index
      %get3A_32 = vector.load %arg4[%get3A_30, %get3A_31] : memref<1x32xf32, #tpu.memory_space<vmem>>, vector<1x32xf32>
      %mul3A_33 = arith.mulf %mul3A_18, %mul3A_29 : vector<1x32xf32>
      %sub3A_34 = arith.subf %get3A_32, %mul3A_33 : vector<1x32xf32>
      %mul3A_35 = vector.broadcast %mul3A_29 : vector<1x32xf32> to vector<5000x32xf32>
      %mul3A_36 = arith.mulf %div3A_7, %mul3A_35 : vector<5000x32xf32>
      %add3A_37 = vector.broadcast %sub3A_34 : vector<1x32xf32> to vector<5000x32xf32>
      %add3A_38 = arith.addf %mul3A_36, %add3A_37 : vector<5000x32xf32>
      %get3A_39 = arith.constant 0 : index
      %get3A_40 = arith.constant 0 : index
      %get3A_41 = vector.load %arg5[%get3A_39, %get3A_40] : memref<32x32xf32, #tpu.memory_space<vmem>>, vector<32x32xf32>
      %dot_general3A = arith.constant dense<0.000000e+00> : vector<5000x32xf32>
      %dot_general3A_42 = tpu.matmul %add3A_38, %get3A_41, %dot_general3A {dimension_numbers = #tpu.dot_dimension_numbers<[1], [1], [0], [0], [0, 0, 1, 0], [], []>, transpose_lhs_hint = false} : vector<5000x32xf32>, vector<32x32xf32>, vector<5000x32xf32> -> vector<5000x32xf32>
      %get3A_43 = arith.constant 0 : index
      %get3A_44 = arith.constant 0 : index
      %get3A_45 = vector.load %arg6[%get3A_43, %get3A_44] : memref<1x32xf32, #tpu.memory_space<vmem>>, vector<1x32xf32>
      %add3A_46 = vector.broadcast %get3A_45 : vector<1x32xf32> to vector<5000x32xf32>
      %add3A_47 = arith.addf %dot_general3A_42, %add3A_46 : vector<5000x32xf32>
      %max3A_48 = arith.constant 0.000000e+00 : f32
      %max3A_49 = vector.broadcast %max3A_48 : f32 to vector<5000x32xf32>
      %max3A_50 = arith.maximumf %add3A_47, %max3A_49 : vector<5000x32xf32>
      %swap3A = arith.constant 0 : index
      %swap3A_51 = arith.constant 0 : index
      %swap3A_52 = vector.load %arg7[%swap3A, %swap3A_51] : memref<5000x32xf32, #tpu.memory_space<vmem>>, vector<5000x32xf32>
      tpu.vector_store %arg7[%swap3A, %swap3A_51], %max3A_50 {strides = array<i32>} : memref<5000x32xf32, #tpu.memory_space<vmem>>, vector<5000x32xf32>,
    } else {
    }
    return
  }
  func.func @transform_0(%arg0: i32) -> (i32, i32) {
    %jit3A = arith.constant 10 : i32
    %eq3A = arith.constant 0 : i32
    %eq3A_0 = arith.cmpi eq, %jit3A, %eq3A : i32
    %jit3A_1 = arith.constant 1 : i32
    %select_n3A = arith.select %eq3A_0, %jit3A_1, %jit3A : i32
    %rem3A = arith.remsi %arg0, %select_n3A : i32
    %ne3A = arith.constant 0 : i32
    %ne3A_2 = arith.cmpi ne, %rem3A, %ne3A : i32
    %lt3A = arith.constant 0 : i32
    %lt3A_3 = arith.cmpi slt, %rem3A, %lt3A : i32
    %lt3A_4 = arith.constant 0 : i32
    %lt3A_5 = arith.cmpi slt, %select_n3A, %lt3A_4 : i32
    %ne3A_6 = arith.xori %lt3A_3, %lt3A_5 : i1
    %and3A = arith.andi %ne3A_6, %ne3A_2 : i1
    %add3A = arith.addi %rem3A, %select_n3A : i32
    %select_n3A_7 = arith.select %and3A, %add3A, %rem3A : i32
    %c0_i32 = arith.constant 0 : i32
    %c0_i32_8 = arith.constant 0 : i32
    return %select_n3A_7, %c0_i32 : i32, i32
  }
  func.func @transform_1(%arg0: i32) -> (i32, i32) {
    %jit3A = arith.constant 10 : i32
    %eq3A = arith.constant 0 : i32
    %eq3A_0 = arith.cmpi eq, %jit3A, %eq3A : i32
    %jit3A_1 = arith.constant 1 : i32
    %select_n3A = arith.select %eq3A_0, %jit3A_1, %jit3A : i32
    %rem3A = arith.remsi %arg0, %select_n3A : i32
    %ne3A = arith.constant 0 : i32
    %ne3A_2 = arith.cmpi ne, %rem3A, %ne3A : i32
    %lt3A = arith.constant 0 : i32
    %lt3A_3 = arith.cmpi slt, %rem3A, %lt3A : i32
    %lt3A_4 = arith.constant 0 : i32
    %lt3A_5 = arith.cmpi slt, %select_n3A, %lt3A_4 : i32
    %ne3A_6 = arith.xori %lt3A_3, %lt3A_5 : i1
    %and3A = arith.andi %ne3A_6, %ne3A_2 : i1
    %add3A = arith.addi %rem3A, %select_n3A : i32
    %select_n3A_7 = arith.select %and3A, %add3A, %rem3A : i32
    %c0_i32 = arith.constant 0 : i32
    %c0_i32_8 = arith.constant 0 : i32
    return %select_n3A_7, %c0_i32 : i32, i32
  }
  func.func @transform_2(%arg0: i32) -> (i32, i32) {
    %c0_i32 = arith.constant 0 : i32
    %c0_i32_0 = arith.constant 0 : i32
    %c0_i32_1 = arith.constant 0 : i32
    return %c0_i32, %c0_i32_0 : i32, i32
  }
  func.func @transform_3(%arg0: i32) -> (i32, i32) {
    %c0_i32 = arith.constant 0 : i32
    %c0_i32_0 = arith.constant 0 : i32
    %c0_i32_1 = arith.constant 0 : i32
    return %c0_i32, %c0_i32_0 : i32, i32
  }
  func.func @transform_4(%arg0: i32) -> (i32, i32) {
    %c0_i32 = arith.constant 0 : i32
    %c0_i32_0 = arith.constant 0 : i32
    %c0_i32_1 = arith.constant 0 : i32
    return %c0_i32, %c0_i32_0 : i32, i32
  }
  func.func @transform_5(%arg0: i32) -> (i32, i32) {
    %c0_i32 = arith.constant 0 : i32
    %c0_i32_0 = arith.constant 0 : i32
    %c0_i32_1 = arith.constant 0 : i32
    return %c0_i32, %c0_i32_0 : i32, i32
  }
  func.func @transform_6(%arg0: i32) -> (i32, i32) {
    %jit3A = arith.constant 10 : i32
    %eq3A = arith.constant 0 : i32
    %eq3A_0 = arith.cmpi eq, %jit3A, %eq3A : i32
    %jit3A_1 = arith.constant 1 : i32
    %select_n3A = arith.select %eq3A_0, %jit3A_1, %jit3A : i32
    %rem3A = arith.remsi %arg0, %select_n3A : i32
    %ne3A = arith.constant 0 : i32
    %ne3A_2 = arith.cmpi ne, %rem3A, %ne3A : i32
    %lt3A = arith.constant 0 : i32
    %lt3A_3 = arith.cmpi slt, %rem3A, %lt3A : i32
    %lt3A_4 = arith.constant 0 : i32
    %lt3A_5 = arith.cmpi slt, %select_n3A, %lt3A_4 : i32
    %ne3A_6 = arith.xori %lt3A_3, %lt3A_5 : i1
    %and3A = arith.andi %ne3A_6, %ne3A_2 : i1
    %add3A = arith.addi %rem3A, %select_n3A : i32
    %select_n3A_7 = arith.select %and3A, %add3A, %rem3A : i32
    %c0_i32 = arith.constant 0 : i32
    %c0_i32_8 = arith.constant 0 : i32
    return %select_n3A_7, %c0_i32 : i32, i32
  }
}

</mosaic_0001>

<sc_bundles>
// kernel: kernel.4.cloned.1.call-start
scs
__scs_entry_jumppad:
0x0: {  	(pc) =	sbr.rel $0x88, $3  }
0x1: {  	(tag) =	ssettag $0x0;
	lr =	simm.s32 $0x1  }
0x2: {  	[smem:$0x3F9A] =	sst lr;
	_ =	strace $0xD0000000  }
0x3: {  	_ = 	snop  }
0x4: {  	_ = 	snop  }
0x5: {  	_ = 	snop  }
0x6: {  	_ = 	snop  }
0x7: {  	_ = 	snop  }
__scs_overlays_trampoline_lowered:
0x8: {  	[smem:$0x3FA9] =	sst s0  }
0x9: {  	[smem:$0x3FAA] =	sst s1  }
0xa: {  	[smem:$0x3FAB] =	sst s2  }
0xb: {  	[smem:$0x3FAC] =	sst s3  }
0xc: {  	[smem:$0x3FAD] =	sst s4  }
0xd: {  	[smem:$0x3FAE] =	sst s5  }
0xe: {  	[smem:$0x3FAF] =	sst s6  }
0xf: {  	[smem:$0x3FB0] =	sst s7  }
0x10: {  	[smem:$0x3FB1] =	sst s8  }
0x11: {  	[smem:$0x3FB2] =	sst s9;
	s0 =	simm.s32 @!p0 $0x0  }
0x12: {  	s1 =	sld [smem:$0x3F98];
	s0 =	simm.s32 @p0 $0x1  }
0x13: {  	[smem:$0x3FB3] =	sst s0;
	s0 =	simm.s32 @!p1 $0x0  }
0x14: {  	s2 =	sld [smem:$0x3F97];
	s0 =	simm.s32 @p1 $0x1  }
0x15: {  	[smem:$0x3FB4] =	sst s0;
	s0 =	simm.s32 @!p2 $0x0  }
0x16: {  	s3 =	sld [smem:$0x3FDB];
	s0 =	simm.s32 @p2 $0x1  }
0x17: {  	s4 =	simm.s32 $0x1BF5;
	[smem:$0x3FB6] =	sst s0  }
0x18: {  	s0 =	sld [smem:$0x3F99];
	_ =	swait.ge [sflag:s4], $0x0  }
0x19: {  	s7 =	sld [smem:$0x3F9A]  }
0x1a: {  	s8 =	sadd.s32 $0xFFFFE003, lr  }
0x1b: {  	s9 =	sadd.s32 $0xFFFFFEF7, lr;
	s5 =	simm.s32 $0xFFFFFFFF;
	p2 =	slt.u32 s8, $0xFFFFF086  }
0x1c: {  	p1 =	slt.u32 s9, $0xF7A;
	s5 =	simm.s32 @!p2 $0x0  }
0x1d: {  	s5 =	simm.s32 @p1 $0x1;
	p0 =	seq.s32 s7, s2  }
0x1e: {  	s7 =	smul.u32 @!p0 $0xF7A, s2;
	p2 =	seq.s32 @!p0 s5, $0x0  }
0x1f: {  	s9 =	smul.u32 $0xF7A, s1;
	s8 =	simm.s32 @!p0 $0x1BF5;
	p2 =	por !p2, p0  }
0x20: {  	[sflag:s8] =	ssyncset.s32 @!p0 $0xFFFFF086;
	s6 =	sadd.s32 @!p0 s3, s7;
	s7 =	simm.s32 @!p0 $0x108  }
0x21: {  	s3 =	sadd.s32 s3, s9;
	s6 =	sadd.s32 @!p0 $0x88, s6;
	s7 =	simm.s32 @p2 $0x1082  }
0x22: {  	[simem:s7], [sflag:s8] =	dma.local @!p0 [hbm:s6], $0xF7A  }
0x23: {  	s9 =	sor.u32 $0xD0000000, s2;
	s6 =	simm.s32 $0x108;
	_ =	swait.ge @!p0 [sflag:s8], $0x0  }
0x24: {  	s3 =	sadd.s32 $0x88, s3;
	s6 =	simm.s32 @!p1 $0x1082;
	[sflag:s4] =	ssyncset.s32 $0xFFFFF086  }
0x25: {  	[simem:s6], [sflag:s4] =	dma.local [hbm:s3], $0xF7A  }
0x26: {  	[smem:$0x3F9A] =	sst s1;
	(tag) =	ssettag s2;
	_ =	strace s9  }
0x27: {  	s1 =	sld [smem:$0x3FAA]  }
0x28: {  	s2 =	sld [smem:$0x3FAB]  }
0x29: {  	s4 =	sld [smem:$0x3FAD]  }
0x2a: {  	p0 =	seq.s32 s5, $0x0;
	s5 =	sld [smem:$0x3FAE]  }
0x2b: {  	s6 =	sld [smem:$0x3FAF]  }
0x2c: {  	s7 =	sld [smem:$0x3FB0]  }
0x2d: {  	s3 =	simm.s32 $0x108;
	s8 =	sld [smem:$0x3FB1]  }
0x2e: {  	s3 =	simm.s32 @!p0 $0x1082;
	s9 =	sld [smem:$0x3FB2]  }
0x2f: {  	lr =	sadd.s32 s0, s3;
	s0 =	sld [smem:$0x3FA9]  }
0x30: {  	s3 =	sld [smem:$0x3FAC]  }
0x31: {  	[smem:$0x3FB5] =	sst s10  }
0x32: {  	s10 =	sld [smem:$0x3FB3];
	_ =	sdelay $0x3  }
0x33: {  	p0 =	seq.s32 s10, $0x1;
	s10 =	sld [smem:$0x3FB5];
	_ =	sdelay $0x3  }
0x34: {  	[smem:$0x3FB5] =	sst s10  }
0x35: {  	s10 =	sld [smem:$0x3FB4];
	_ =	sdelay $0x3  }
0x36: {  	p1 =	seq.s32 s10, $0x1;
	s10 =	sld [smem:$0x3FB5];
	_ =	sdelay $0x3  }
0x37: {  	[smem:$0x3FB5] =	sst s10  }
0x38: {  	s10 =	sld [smem:$0x3FB6]  }
0x39: {  	_ = 	snop;
	(pc) =	sbr.ind lr, $3  }
0x3a: {  	_ = 	snop  }
0x3b: {  	_ = 	snop  }
0x3c: {  	p2 =	seq.s32 s10, $0x1;
	s10 =	sld [smem:$0x3FB5]  }
0x3d: {  	_ =	shalt  }
0x3e: {  	_ =	shalt  }
0x3f: {  	_ =	shalt  }
0x40: {  	_ =	shalt  }
0x41: {  	_ =	shalt  }
0x42: {  	_ =	shalt  }
0x43: {  	_ =	shalt  }
0x44: {  	_ =	shalt  }
0x45: {  	_ =	shalt  }
0x46: {  	_ =	shalt  }
0x47: {  	_ =	shalt  }
0x48: {  	_ =	shalt  }
0x49: {  	_ =	shalt  }
0x4a: {  	_ =	shalt  }
0x4b: {  	_ =	shalt  }
0x4c: {  	_ =	shalt  }
0x4d: {  	_ =	shalt  }
0x4e: {  	_ =	shalt  }
0x4f: {  	_ =	shalt  }
0x50: {  	_ =	shalt  }
0x51: {  	_ =	shalt  }
0x52: {  	_ =	shalt  }
0x53: {  	_ =	shalt  }
0x54: {  	_ =	shalt  }
0x55: {  	_ =	shalt  }
0x56: {  	_ =	shalt  }
0x57: {  	_ =	shalt  }
0x58: {  	_ =	shalt  }
0x59: {  	_ =	shalt  }
0x5a: {  	_ =	shalt  }
0x5b: {  	_ =	shalt  }
0x5c: {  	_ =	shalt  }
0x5d: {  	_ =	shalt  }
0x5e: {  	_ =	shalt  }
0x5f: {  	_ =	shalt  }
0x60: {  	_ =	shalt  }
0x61: {  	_ =	shalt  }
0x62: {  	_ =	shalt  }
0x63: {  	_ =	shalt  }
0x64: {  	_ =	shalt  }
0x65: {  	_ =	shalt  }
0x66: {  	_ =	shalt  }
0x67: {  	_ =	shalt  }
0x68: {  	_ =	shalt  }
0x69: {  	_ =	shalt  }
0x6a: {  	_ =	shalt  }
0x6b: {  	_ =	shalt  }
0x6c: {  	_ =	shalt  }
0x6d: {  	_ =	shalt  }
0x6e: {  	_ =	shalt  }
0x6f: {  	_ =	shalt  }
0x70: {  	_ =	shalt  }
0x71: {  	_ =	shalt  }
0x72: {  	_ =	shalt  }
0x73: {  	_ =	shalt  }
0x74: {  	_ =	shalt  }
0x75: {  	_ =	shalt  }
0x76: {  	_ =	shalt  }
0x77: {  	_ =	shalt  }
0x78: {  	_ =	shalt  }
0x79: {  	_ =	shalt  }
0x7a: {  	_ =	shalt  }
0x7b: {  	_ =	shalt  }
0x7c: {  	_ =	shalt  }
0x7d: {  	_ =	shalt  }
0x7e: {  	_ =	shalt  }
0x7f: {  	_ =	shalt  }
0x80: {  	_ =	shalt  }
0x81: {  	_ =	shalt  }
0x82: {  	_ =	shalt  }
0x83: {  	_ =	shalt  }
0x84: {  	_ =	shalt  }
0x85: {  	_ =	shalt  }
0x86: {  	_ =	shalt  }
0x87: {  	_ =	shalt  }
.Lfunc_end0:
.L_simem_size_0:
called_computation_lowered:
.L_overlay_start_0:
0x88: {  	s2 =	sld [smem:$0x3FD9]  }
0x89: {  	s3 =	sld [smem:$0x3FFE];
	_ =	sdelay $0x1  }
0x8a: {  	s1 =	srdreg.scid  }
0x8b: {  	s0 =	sand.u32 $0x1, s1  }
0x8c: {  	s17 =	sshll.u32 s0, $0xA;
	s2 =	sadd.s32 s3, s2  }
0x8d: {  	s2 =	sadd.s32 s2, s17  }
0x8e: {  	[smem:$0x3FC1] =	sst s2  }
0x8f: {  	_ = 	snop  }
0x90: {  	s2 =	sld [smem:$0x3FD0];
	(tm) =	ssettm $0x1  }
0x91: {  	s18 =	sld [smem:$0x3FFB];
	_ =	sdelay $0x3  }
0x92: {  	_ =	strace s18  }
0x93: {  	s3 =	sld [smem:$0x3FFC];
	_ =	sdelay $0x3  }
0x94: {  	_ =	strace s3  }
0x95: {  	s3 =	sld [smem:$0x3FFD];
	_ =	sdelay $0x3  }
0x96: {  	_ =	strace s3  }
0x97: {  	_ =	strace $0x8FFFFFFF  }
0x98: {  	s19 =	sld [smem:$0x3FDB];
	_ =	sdelay $0x1  }
0x99: {  	s4 =	simm.s32 $_scs_section_size  }
0x9a: {  	s5 =	simm.s32 $_size__tile_overlayer_lowered;
	s6 =	simm.s32 $_tile_overlayer_lowered  }
0x9b: {  	s22 =	simm.s32 $0x1BFF;
	s21 =	sshll.u32 s6, $0x1;
	s3 =	sadd.s32 s4, s19  }
0x9c: {  	s7 =	simm.s32 $0x0;
	s20 =	sshll.u32 s5, $0x1;
	s5 =	sadd.s32 s21, s3  }
0x9d: {  	[timem:s7], [sflag:s22] =	dma.local [hbm:s5], s20  }
0x9e: {  	_ =	swait.ge [sflag:s22], s20  }
0x9f: {  	s4 =	ssub.s32 $0x0, s20;
	[sflag:s22] =	ssyncset.done $0x0  }
0xa0: {  	[sflag:s22] =	ssyncadd.s32 s4;
	_ =	sdelay $0x1  }
0xa1: {  	s23 =	simm.s32 $0x1B8B  }
0xa2: {  	_ =	swait.ge [sflag:s23], $0x1  }
0xa3: {  	[sflag:s23] =	ssyncset.done $0x0  }
0xa4: {  	s25 =	simm.s32 $0x1B8E;
	s24 =	sld [smem:$0x3FFE];
	[sflag:s23] =	ssyncadd.s32 $0xFFFFFFFF  }
0xa5: {  	s26 =	simm.s32 $execute0_lowered;
	[smem:$0x3FD2] =	sst s25  }
0xa6: {  	s5 =	sshll.u32 s26, $0x1;
	_ =	strace $0x80000046;
	[dreg:$0x1] =	wrdreg $0xFFFFFFFF  }
0xa7: {  	s28 =	simm.s32 $_size_execute0_lowered;
	s3 =	sadd.s32 s3, s5;
	[dreg:$0x0] =	wrdreg $0x0  }
0xa8: {  	s5 =	sshll.u32 s28, $0x1;
	[dreg:$0x2] =	wrdreg s3  }
0xa9: {  	[dreg:$0x3] =	wrdreg s5  }
0xaa: {  	[dreg:$0x4] =	wrdreg $0xC0  }
0xab: {  	_ =	task [dreg:s7], $0x5FFFF  }
0xac: {  	[dreg:$0x1] =	wrdreg $0xFFFFFFFF  }
0xad: {  	[dreg:$0x0] =	wrdreg $0x60  }
0xae: {  	[dreg:$0x2] =	wrdreg s2  }
0xaf: {  	[dreg:$0x3] =	wrdreg s24  }
0xb0: {  	[dreg:$0x4] =	wrdreg $0x106700  }
0xb1: {  	[dreg:$0x5] =	wrdreg $0x1CDC00  }
0xb2: {  	[dreg:$0x6] =	wrdreg $0x9  }
0xb3: {  	_ =	task.clear_ibuf [dreg:s7], $0x7FFFF;
	_ =	strace $0x90000046  }
0xb4: {  	s29 =	simm.s32 $0x9;
	_ =	strace $0x80000048  }
0xb5: {  	_ =	swait.ge [sflag:s29], $0x1  }
0xb6: {  	[sflag:s29] =	ssyncadd.s32 $0xFFFFFFFF  }
0xb7: {  	_ =	strace $0x90000048  }
0xb8: {  	_ =	sfence  }
0xb9: {  	s30 =	sld [smem:$0x0];
	_ =	sdelay $0x2  }
0xba: {  	s31 =	sshll.u32 s1, $0xD;
	s1 =	sshrl.u32 s1, $0x2  }
0xbb: {  	s3 =	sand.u32 $0x4000, s31;
	s1 =	sadd.s32 s1, s30  }
0xbc: {  	s0 =	sor.u32 s3, s0;
	s1 =	sshll.u32 s1, $0x11  }
0xbd: {  	s0 =	sor.u32 s1, s0  }
0xbe: {  	s0 =	sadd.s32 $0x8F2B, s0  }
0xbf: {  	[sflag:s0] =	ssyncadd.remote.s32 $0x1  }
0xc0: {  	_ =	sfence.sel $0xFFFF  }
0xc1: {  	[dreg:$0x0] =	wrdreg $0xFFFFFFFF;
	(pc) =	sbr.abs _section_cstart, $3  }
0xc2: {  	[dreg:$0x1] =	wrdreg $0xFFFFFFFF  }
0xc3: {  	_ =	task.clear_ibuf [dreg:s7], $0x2FFFF;
	_ =	strace $0x9FFFFFFF  }
0xc4: {  	(tm) =	ssettm $0x7FFFFFFF  }
0xc5: {  	_ =	shalt  }
tec
execute0_lowered:
.L_overlay_start_1:
0x0: {  	(tag) =	ssettag $0x1  }
0x1: {  	s1 =	rddreg [dreg:$0x0]  }
0x2: {  	s0 =	rddreg [dreg:$0x1]  }
0x3: {  	s2 =	rddreg [dreg:$0x2]  }
0x4: {  	s3 =	rddreg [dreg:$0x3];
	s4 =	simm.s32 $0x0  }
0x5: {  	s10 =	srdreg.scid;
	s16 =	stileid.u32;
	s28 =	simm.s32 $0x10200  }
0x6: {  	s29 =	simm.s32 $0x2;
	s30 =	simm.s32 $0x0;
	[smem:$0x7FF] =	sst s4  }
0x7: {  	s6 =	sadd.s32 $0x1C00, s0;
	s4 =	sand.u32 $0x1, s10;
	s8 =	smul.u32 $0x1F400, s16  }
0x8: {  	s7 =	sadd.s32 $0x33C00, s0;
	s9 =	sadd.s32 $0x65C00, s0;
	s12 =	smul.u32 $0x3E8, s16  }
0x9: {  	s0 =	sadd.s32 $0x96A00, s0;
	s13 =	smul.u32 $0x3200, s16;
	p0 =	sgt.u32 s16, $0x8  }
0xa: {  	_ =	strace $0x80000047;
	s5 =	ssub.s32 $0x2, s4;
	s4 =	smul.u32 $0x61A8, s4  }
0xb: {  	s10 =	sshrl.u32 s5, $0x1;
	s8 =	sshrl.u32 s8, $0x2;
	s11 =	sadd.s32 $0x3E80, s12  }
0xc: {  	s18 =	sadd.s32 s12, s3;
	s21 =	sadd.s32 s6, s13;
	s22 =	sadd.s32 s7, s13  }
0xd: {  	s5 =	ssub.s32 s5, s10;
	s17 =	sadd.s32 s8, s2;
	s20 =	sshll.u32 s11, $0x5  }
0xe: {  	s14 =	sadd.s32 s12, s4;
	s12 =	smul.u32 $0x320, s16;
	[dreg:$0x7] =	wrdreg s21  }
0xf: {  	[dreg:$0x8] =	wrdreg s22;
	v0 =	vmov s4;
	s4 =	sadd.s32 s4, s11;
	s21 =	simm.s32 $0x4  }
0x10: {  	s10 =	simm.s32 $0x10280;
	[dreg:$0x6] =	wrdreg s18;
	s19 =	sadd.s32 s20, s2  }
0x11: {  	s20 =	sadd.s32 s11, s3;
	s15 =	sshll.u32 s14, $0x2;
	s24 =	sshrl.u32 s14, $0x3  }
0x12: {  	s25 =	sshll.u32 s4, $0x2;
	s31 =	smax.u32 s5, $0x1;
	[dreg:$0x5] =	wrdreg s17  }
0x13: {  	v1 =	vimm.f32 $0.0e+00;
	v2 =	vimm.f32 $1.000000000e+00;
	v3 =	vlaneseq.u32;
	s4 =	sshrl.u32 s4, $0x3;
	s23 =	sadd.s32 s9, s15;
	[dreg:$0xd] =	wrdreg s31  }
.Ltmp0:
0x14: {  	v4 =	vadd.s32 $0x61A8, v3;
	v5 =	vor.u32 $0x10, v3;
	v6 =	vadd.s32 $0x61B8, v3;
	s8 =	sadd.s32 s0, s24;
	[dreg:$0x9] =	wrdreg s23;
	(pc) =	sbr.rel .LBB2_1-.Ltmp0, $4  }
0x15: {  	v7 =	vor.u32 $0x20, v3;
	v8 =	vadd.s32 $0x61C8, v3;
	v9 =	vor.u32 $0x30, v3;
	s26 =	sadd.s32 s9, s25;
	s0 =	sadd.s32 s0, s4;
	[dreg:$0xa] =	wrdreg s8  }
0x16: {  	v10 =	vadd.s32 $0x61D8, v3;
	v11 =	vor.u32 $0x40, v3;
	v12 =	vadd.s32 $0x61E8, v3;
	s9 =	simm.s32 $0x5000;
	[dreg:$0xc] =	wrdreg s0;
	s0 =	simm.s32 @!p0 $0x0  }
0x17: {  	v13 =	vor.u32 $0x50, v3;
	v14 =	vadd.s32 $0x61F8, v3;
	v15 =	vor.u32 $0x60, v3;
	s24 =	simm.s32 $0x3;
	[dreg:$0xb] =	wrdreg s26;
	s0 =	simm.s32 @p0 $0x1  }
0x18: {  	v16 =	vadd.s32 $0x6208, v3;
	v17 =	vor.u32 $0x70, v3;
	v18 =	vadd.s32 $0x6218, v3;
	s25 =	simm.s32 $0x1;
	s26 =	simm.s32 $0x80;
	[smem:$0x7FD] =	sst s0  }
.LBB2_20:
0x19: {  	[sflag:s29] =	ssyncadd.s32 $0xFFFFFF80  }
.LBB2_21:
0x1a: {  	[bflag:$0x0] =	sbarrier.arrive $0xFFFF  }
0x1b: {  	[tilespmem:s9], [sflag:$0x4] =	stream.linear.gather [spmem:s17], $0x7D00, $0x38;
	[tilespmem:$0x1D400] =	vst v63  }
0x1c: {  	_ =	swait.ge [sflag:s21], $0x7D00  }
0x1d: {  	[sflag:s21] =	ssyncset.done $0x0  }
0x1e: {  	s0 =	simm.s32 $0x0;
	s4 =	rddreg [dreg:$0x9];
	[sflag:s21] =	ssyncadd.s32 $0xFFFF8300  }
0x1f: {  	[hbm4b:s4+s0] =	stream.linear.scatter [tilespmem:s9], [sflag:$0x4], $0x7D00, $0x38;
	[tilespmem:$0x1D400] =	vst v63  }
0x20: {  	_ =	swait.ge [sflag:s21], $0x7D00  }
0x21: {  	[sflag:s21] =	ssyncset.done $0x0  }
0x22: {  	[sflag:s21] =	ssyncadd.s32 $0xFFFF8300  }
0x23: {  	[tilespmem:s10], [sflag:$0x4] =	stream.linear.gather [spmem:s18], $0x3E8, $0x38;
	[tilespmem:$0x1D400] =	vst v63  }
0x24: {  	_ =	swait.ge [sflag:s21], $0x3E8  }
0x25: {  	[sflag:s21] =	ssyncset.done $0x0  }
0x26: {  	s22 =	rddreg [dreg:$0xa];
	[sflag:s21] =	ssyncadd.s32 $0xFFFFFC18  }
0x27: {  	[hbm4b:s22+s0] =	stream.linear.scatter [tilespmem:s10], [sflag:$0x4], $0x3E8, $0x38;
	[tilespmem:$0x1D400] =	vst v63  }
0x28: {  	_ =	swait.ge [sflag:s21], $0x3E8  }
0x29: {  	s23 =	sld [smem:$0x7FD];
	_ =	sdelay $0x2  }
0x2a: {  	[sflag:s21] =	ssyncset.done $0x0;
	p1 =	seq.s32 s23, $0x1  }
0x2b: {  	[sflag:s21] =	ssyncadd.s32 $0xFFFFFC18;
	s0 =	simm.s32 @!p1 $0x5000;
	s4 =	simm.s32 @!p1 $0x4  }
0x2c: {  	[tilespmem:s0], [sflag:$0x4] =	stream.linear.gather @!p1 [spmem:s19], $0x7D00, $0x38;
	[tilespmem:$0x1D400] =	vst v63  }
0x2d: {  	_ =	swait.ge @!p1 [sflag:s4], $0x7D00  }
0x2e: {  	[sflag:s4] =	ssyncset.done @!p1 $0x0  }
0x2f: {  	s5 =	simm.s32 @!p1 $0x0;
	s8 =	rddreg [dreg:$0xb];
	[sflag:s4] =	ssyncadd.s32 @!p1 $0xFFFF8300  }
0x30: {  	[hbm4b:s8+s5] =	stream.linear.scatter @!p1 [tilespmem:s0], [sflag:$0x4], $0x7D00, $0x38;
	[tilespmem:$0x1D400] =	vst v63  }
0x31: {  	_ =	swait.ge @!p1 [sflag:s4], $0x7D00  }
0x32: {  	[sflag:s4] =	ssyncset.done @!p1 $0x0  }
0x33: {  	s0 =	simm.s32 @!p1 $0x10280;
	[sflag:s4] =	ssyncadd.s32 @!p1 $0xFFFF8300  }
0x34: {  	[tilespmem:s0], [sflag:$0x4] =	stream.linear.gather @!p1 [spmem:s20], $0x3E8, $0x38;
	[tilespmem:$0x1D400] =	vst v63  }
0x35: {  	_ =	swait.ge @!p1 [sflag:s4], $0x3E8  }
0x36: {  	[sflag:s4] =	ssyncset.done @!p1 $0x0  }
0x37: {  	s8 =	rddreg [dreg:$0xc];
	[sflag:s4] =	ssyncadd.s32 @!p1 $0xFFFFFC18  }
0x38: {  	[hbm4b:s8+s5] =	stream.linear.scatter @!p1 [tilespmem:s0], [sflag:$0x4], $0x3E8, $0x38;
	[tilespmem:$0x1D400] =	vst v63  }
0x39: {  	_ =	swait.ge @!p1 [sflag:s4], $0x3E8  }
0x3a: {  	s30 =	sadd.s32 $0x1, s30;
	s31 =	rddreg [dreg:$0xd]  }
0x3b: {  	p0 =	sne.s32 s30, s31  }
.Ltmp1:
0x3c: {  	_ = 	snop;
	(pc) =	sbr.rel @!p0 .LBB2_22-.Ltmp1, $3  }
0x3d: {  	_ =	sdelay $0x1  }
0x3e: {  	[sflag:s4] =	ssyncset.done @!p1 $0x0  }
0x3f: {  	[sflag:s4] =	ssyncadd.s32 @!p1 $0xFFFFFC18  }
.LBB2_1:
0x40: {  	s0 =	simm.s32 $0x0  }
.LBB2_2:
0x41: {  	p0 =	sne.s32 s0, $0x1F380  }
.Ltmp2:
0x42: {  	_ = 	snop;
	(pc) =	sbr.rel @p0 .LBB2_2-.Ltmp2, $4  }
0x43: {  	_ = 	snop  }
0x44: {  	s4 =	sshra.s32 s0, $0x2  }
0x45: {  	[tilespmem:s4+$0x5000] =	vst v1  }
0x46: {  	s0 =	sadd.s32 $0x80, s0;
	[tilespmem:s4+$0x5010] =	vst v1  }
0x47: {  	s0 =	simm.s32 $0x40;
	s4 =	simm.s32 $0x0  }
.LBB2_4:
0x48: {  	p0 =	sne.s32 s0, $0xF80;
	[tilespmem:s4+$0x10280] =	vst v1;
	s4 =	smov.u32 s0;
	s0 =	sadd.s32 $0x40, s0  }
.Ltmp3:
0x49: {  	(pc) =	sbr.rel @p0 .LBB2_4-.Ltmp3, $2  }
0x4a: {  	_ =	sdelay $0x2  }
0x4b: {  	s4 =	sshra.s32 s4, $0x2  }
0x4c: {  	[tilespmem:s4+$0x10280] =	vst v1  }
0x4d: {  	[tilespmem:$0x10200] =	vst v2  }
0x4e: {  	[tilespmem:$0x10210] =	vst v2  }
0x4f: {  	[tilespmem:$0x10220] =	vst v2  }
0x50: {  	[tilespmem:$0x10230] =	vst v2  }
0x51: {  	[tilespmem:$0x10240] =	vst v2  }
0x52: {  	[tilespmem:$0x10250] =	vst v2  }
0x53: {  	[tilespmem:$0x10260] =	vst v2  }
0x54: {  	[tilespmem:$0x10270] =	vst v2  }
0x55: {  	[spmem:s17] =	stream.linear.scatter [tilespmem:s9], [sflag:$0x4], $0x7D00, $0x38;
	[tilespmem:$0x1D400] =	vst v63  }
0x56: {  	_ =	swait.ge [sflag:s21], $0x7D00  }
0x57: {  	[sflag:s21] =	ssyncset.done $0x0  }
0x58: {  	[sflag:s21] =	ssyncadd.s32 $0xFFFF8300  }
0x59: {  	[spmem:s18] =	stream.linear.scatter [tilespmem:s10], [sflag:$0x4], $0x3E8, $0x38;
	[tilespmem:$0x1D400] =	vst v63  }
0x5a: {  	_ =	swait.ge [sflag:s21], $0x3E8  }
0x5b: {  	s0 =	sld [smem:$0x7FD];
	_ =	sdelay $0x2  }
0x5c: {  	[sflag:s21] =	ssyncset.done $0x0;
	p0 =	seq.s32 s0, $0x1  }
0x5d: {  	[sflag:s21] =	ssyncadd.s32 $0xFFFFFC18;
	s0 =	simm.s32 @!p0 $0x5000  }
0x5e: {  	[spmem:s19] =	stream.linear.scatter @!p0 [tilespmem:s0], [sflag:$0x4], $0x7D00, $0x38;
	[tilespmem:$0x1D400] =	vst v63  }
0x5f: {  	s0 =	simm.s32 @!p0 $0x4  }
0x60: {  	_ =	swait.ge @!p0 [sflag:s0], $0x7D00  }
0x61: {  	[sflag:s0] =	ssyncset.done @!p0 $0x0  }
0x62: {  	s4 =	simm.s32 @!p0 $0x10280;
	[sflag:s0] =	ssyncadd.s32 @!p0 $0xFFFF8300  }
0x63: {  	[spmem:s20] =	stream.linear.scatter @!p0 [tilespmem:s4], [sflag:$0x4], $0x3E8, $0x38;
	[tilespmem:$0x1D400] =	vst v63  }
0x64: {  	_ =	swait.ge @!p0 [sflag:s0], $0x3E8  }
0x65: {  	[sflag:s0] =	ssyncset.done @!p0 $0x0  }
0x66: {  	[sflag:s0] =	ssyncadd.s32 @!p0 $0xFFFFFC18  }
0x67: {  	[bflag:$0x0] =	sbarrier.arrive $0xFFFF  }
0x68: {  	s11 =	smov.u32 s20;
	s5 =	simm.s32 $0x0;
	s20 =	rddreg [dreg:$0x7]  }
0x69: {  	[tilespmem:s5], [sflag:$0x3] =	stream.linear.gather [hbm4b:s20+s5], $0x1400, $0x38;
	[tilespmem:$0x1D400] =	vst v63  }
0x6a: {  	s23 =	simm.s32 $0x2800;
	s22 =	rddreg [dreg:$0x8]  }
0x6b: {  	[tilespmem:s23], [sflag:$0x3] =	stream.linear.gather [hbm4b:s22+s5], $0x1400, $0x38;
	[tilespmem:$0x1D400] =	vst v63  }
0x6c: {  	_ =	swait.ge [sflag:s24], $0x1400  }
.Ltmp4:
0x6d: {  	[sflag:s24] =	ssyncset.done $0x0;
	(pc) =	sbr.rel .LBB2_6-.Ltmp4, $4  }
0x6e: {  	[sflag:s24] =	ssyncadd.s32 $0xFFFFEC00  }
0x6f: {  	s31 =	simm.s32 $0x0;
	_ =	swait.ge [sflag:s24], $0x1400  }
0x70: {  	s13 =	simm.s32 $0x0;
	s8 =	simm.s32 $0x0;
	[sflag:s24] =	ssyncset.done $0x0  }
0x71: {  	s10 =	smov.u32 s19;
	s0 =	simm.s32 $0x0;
	[sflag:s24] =	ssyncadd.s32 $0xFFFFEC00  }
.LBB2_23:
0x72: {  	p0 =	seq.s32 s23, $0x14  }
.Ltmp5:
0x73: {  	_ = 	snop;
	(pc) =	sbr.rel @p0 .LBB2_17-.Ltmp5, $2  }
0x74: {  	_ =	sdelay $0x2  }
0x75: {  	s8 =	smov.u32 s23  }
.LBB2_6:
0x76: {  	s23 =	sadd.s32 $0x1, s8;
	p0 =	seq.s32 s8, $0x13  }
0x77: {  	s4 =	smul.u32 @!p0 $0x28, s23  }
0x78: {  	s9 =	sand.u32 @!p0 $0x1, s23  }
0x79: {  	p1 =	seq.s32 @!p0 s9, $0x1;
	s4 =	sadd.s32 @!p0 s12, s4  }
0x7a: {  	s9 =	simm.s32 @!p0 $0x1400;
	p1 =	por !p1, p0;
	s4 =	sshll.u32 @!p0 s4, $0x4  }
0x7b: {  	s15 =	simm.s32 @!p0 $0x0;
	s9 =	simm.s32 @p1 $0x0;
	s14 =	sadd.s32 @!p0 s6, s4  }
0x7c: {  	[tilespmem:s9], [sflag:$0x3] =	stream.linear.gather @!p0 [hbm4b:s14+s15], $0x1400, $0x38;
	[tilespmem:$0x1D400] =	vst v63  }
0x7d: {  	p1 =	seq.s32 @!p0 s8, $0x0;
	s4 =	sadd.s32 @!p0 s7, s4;
	s9 =	sor.u32 @!p0 $0x2800, s9  }
0x7e: {  	[tilespmem:s9], [sflag:$0x3] =	stream.linear.gather @!p0 [hbm4b:s4+s15], $0x1400, $0x38;
	[tilespmem:$0x1D400] =	vst v63  }
0x7f: {  	p0 =	por p0, !p1  }
0x80: {  	_ =	swait.ge @p0 [sflag:s24], $0x1400  }
0x81: {  	[sflag:s24] =	ssyncset.done @p0 $0x0  }
0x82: {  	[sflag:s24] =	ssyncadd.s32 @p0 $0xFFFFEC00  }
0x83: {  	_ =	swait.ge @p0 [sflag:s24], $0x1400  }
0x84: {  	s19 =	sand.u32 $0x1, s8;
	[sflag:s24] =	ssyncset.done @p0 $0x0  }
0x85: {  	s8 =	simm.s32 $0x1400;
	[sflag:s24] =	ssyncadd.s32 @p0 $0xFFFFEC00;
	p0 =	seq.s32 s19, $0x1  }
0x86: {  	s8 =	simm.s32 @!p0 $0x0  }
0x87: {  	s20 =	sor.u32 $0x2840, s8  }
0x88: {  	v19 =	vmov s20;
	_ =	sdelay $0x3  }
0x89: {  	s22 =	simm.s32 $0x0  }
0x8a: {  	v20 =	vld.idx.msk [tilespmem:v19+s22+$0xFFFFFFD0 ss:$0x1], $0xffff  }
0x8b: {  	v21 =	vld.idx.msk [tilespmem:v19+s22+$0xFFFFFFC0 ss:$0x1], $0xffff;
	_ =	sdelay $0x3  }
0x8c: {  	v22 =	vld.idx.msk [tilespmem:v19+s22+$0xFFFFFFE0 ss:$0x1], $0xffff;
	v23 =	vsub.s32 v20, v0  }
0x8d: {  	v21 =	vsub.s32 v21, v0;
	vm0 =	vlt.u32 v23, $0x61A8  }
0x8e: {  	v20 =	vld.idx.msk [tilespmem:v19+s22+$0xFFFFFFF0 ss:$0x1], $0xffff;
	vm5 =	vlt.u32 v21, $0x61A8;
	v24 =	vmpcnt.ones.xlane vm0  }
0x8f: {  	v25 =	vmpcnt.ones.xlane vm5  }
0x90: {  	v26 =	vld.idx.msk [tilespmem:v19+s22+$0x0 ss:$0x1], $0xffff;
	v24 =	vxor.u32 $0x80000000, v24  }
0x91: {  	v22 =	vsub.s32 v22, v0;
	v25 =	vxor.u32 $0x80000000, v25;
	(xrf0) =	vmax.scan.msk.u32 $0xffff, v24  }
0x92: {  	v50 =	vld.idx.msk [tilespmem:v19+s22+$0x10 ss:$0x1], $0xffff;
	vm3 =	vlt.u32 v22, $0x61A8;
	(xrf0) =	vmax.scan.msk.u32 $0xffff, v25  }
0x93: {  	v27 =	vmpcnt.ones.xlane vm3;
	v51 =	vsub.s32 v20, v0;
	v20 =	vld.idx.msk [tilespmem:v19+s22+$0x20 ss:$0x1], $0xffff  }
0x94: {  	vm6 =	vlt.u32 v51, $0x61A8  }
0x95: {  	v28 =	vld.idx.msk [tilespmem:v19+s22+$0x30 ss:$0x1], $0xffff;
	v26 =	vsub.s32 v26, v0;
	v27 =	vxor.u32 $0x80000000, v27;
	v29 =	vmpcnt.ones.xlane vm6  }
0x96: {  	vm2 =	vlt.u32 v26, $0x61A8;
	(xrf0) =	vmax.scan.msk.u32 $0xffff, v27  }
0x97: {  	v53 =	vmpcnt.ones.xlane vm2;
	v24 =	vsub.s32 v50, v0;
	v52 =	vxor.u32 $0x80000000, v29;
	v30, _, _ =	vpop (xrf0)  }
0x98: {  	vm1 =	vlt.u32 v24, $0x61A8;
	v54 =	vsub.s32 v20, v0;
	(xrf0) =	vmax.scan.msk.u32 $0xffff, v52;
	v20, _, _ =	vpop (xrf0)  }
0x99: {  	v31 =	vmpcnt.ones.xlane vm1;
	v29 =	vxor.u32 $0x80000000, v53;
	(v2sf) =	vpush v20, $0xF  }
0x9a: {  	v28 =	vsub.s32 v28, v0;
	vm4 =	vlt.u32 v54, $0x61A8;
	(xrf0) =	vmax.scan.msk.u32 $0xffff, v29  }
0x9b: {  	v55 =	vmpcnt.ones.xlane vm4;
	v20 =	vxor.u32 $0x80000000, v31;
	(v2sf) =	vpush v30, $0xF  }
0x9c: {  	vm7 =	vlt.u32 v28, $0x61A8;
	v56, _, _ =	vpop (xrf0);
	(xrf0) =	vmax.scan.msk.u32 $0xffff, v20  }
0x9d: {  	v57 =	vmpcnt.ones.xlane vm7;
	v20 =	vxor.u32 $0x80000000, v55;
	(v2sf) =	vpush v56, $0xF  }
0x9e: {  	v58, _, _ =	vpop (xrf0);
	(xrf0) =	vmax.scan.msk.u32 $0xffff, v20  }
0x9f: {  	v20 =	vxor.u32 $0x80000000, v57;
	(v2sf) =	vpush v58, $0xF  }
0xa0: {  	v59, _, _ =	vpop (xrf0);
	(xrf0) =	vmax.scan.msk.u32 $0xffff, v20  }
0xa1: {  	(v2sf) =	vpush v59, $0xF  }
0xa2: {  	v20, _, _ =	vpop (xrf0)  }
0xa3: {  	(v2sf) =	vpush v20, $0xF  }
0xa4: {  	v20, _, _ =	vpop (xrf0)  }
0xa5: {  	(v2sf) =	vpush v20, $0xF  }
0xa6: {  	s8 =	sor.u32 $0x70, s8;
	v60, _, _ =	vpop (xrf0)  }
0xa7: {  	v20 =	vmov s8;
	(v2sf) =	vpush v60, $0xF  }
0xa8: {  	s16 =	spop (v2sf)  }
0xa9: {  	s8 =	sadd.s32 s16, s13  }
0xaa: {  	s17 =	spop (v2sf);
	s8 =	sadd.s32 $0x80000000, s8  }
0xab: {  	s9 =	sadd.s32 s17, s8  }
0xac: {  	v61 =	vld.idx.msk [tilespmem:v20+s22+$0x0 ss:$0x1], $0xffff;
	s18 =	spop (v2sf);
	s9 =	sadd.s32 $0x80000000, s9  }
0xad: {  	v62 =	vld.idx.msk [tilespmem:v20+s22+$0xFFFFFFF0 ss:$0x1], $0xffff;
	s14 =	sadd.s32 s18, s9  }
0xae: {  	v63 =	vld.idx.msk [tilespmem:v20+s22+$0xFFFFFFE0 ss:$0x1], $0xffff;
	s19 =	spop (v2sf);
	s14 =	sadd.s32 $0x80000000, s14  }
0xaf: {  	v32 =	vld.idx.msk [tilespmem:v20+s22+$0xFFFFFF90 ss:$0x1], $0xffff;
	s15 =	sadd.s32 s19, s14  }
0xb0: {  	v33 =	vld.idx.msk [tilespmem:v20+s22+$0xFFFFFFD0 ss:$0x1], $0xffff;
	s16 =	spop (v2sf);
	s15 =	sadd.s32 $0x80000000, s15  }
0xb1: {  	v34 =	vld.idx.msk [tilespmem:v20+s22+$0xFFFFFFA0 ss:$0x1], $0xffff;
	s16 =	sadd.s32 s16, s15  }
0xb2: {  	v35 =	vld.idx.msk [tilespmem:v20+s22+$0xFFFFFFC0 ss:$0x1], $0xffff;
	s20 =	spop (v2sf);
	s16 =	sadd.s32 $0x80000000, s16  }
0xb3: {  	v36 =	vld.idx.msk [tilespmem:v20+s22+$0xFFFFFFB0 ss:$0x1], $0xffff;
	[tilespmem:s13+$0xE500] =	vst.msk vm5, v21;
	s4 =	sadd.s32 s20, s16  }
0xb4: {  	[tilespmem:s13+$0xD000] =	vst.msk vm5, v32;
	s22 =	spop (v2sf);
	s13 =	sadd.s32 $0x80000000, s4  }
0xb5: {  	[tilespmem:s8+$0xE500] =	vst.msk vm0, v23;
	s4 =	sadd.s32 s22, s13  }
0xb6: {  	[tilespmem:s8+$0xD000] =	vst.msk vm0, v34;
	s18 =	spop (v2sf);
	s17 =	sadd.s32 $0x80000000, s4  }
0xb7: {  	[tilespmem:s9+$0xE500] =	vst.msk vm3, v22;
	s4 =	sadd.s32 s18, s17  }
0xb8: {  	[tilespmem:s9+$0xD000] =	vst.msk vm3, v36;
	s4 =	sadd.s32 $0x80000000, s4  }
0xb9: {  	[tilespmem:s14+$0xE500] =	vst.msk vm6, v51;
	s19 =	sand.u32 $0x7F, s4  }
0xba: {  	[tilespmem:s14+$0xD000] =	vst.msk vm6, v35;
	s20 =	sshra.s32 s4, $0x1F;
	p4 =	slt.s32 s4, $0x1;
	p5 =	sne.s32 s19, $0x0  }
0xbb: {  	[tilespmem:s15+$0xE500] =	vst.msk vm2, v26;
	s22 =	sshrl.u32 s20, $0x19;
	p0 =	por !p4, !p5  }
0xbc: {  	s14 =	simm.s32 $0x1;
	[tilespmem:s15+$0xD000] =	vst.msk vm2, v33;
	s9 =	sadd.s32 s22, s4;
	p0 =	por !p0, !p0  }
0xbd: {  	[tilespmem:s16+$0xE500] =	vst.msk vm1, v24;
	s9 =	sshra.s32 s9, $0x7;
	s14 =	simm.s32 @!p0 $0x0  }
0xbe: {  	[tilespmem:s16+$0xD000] =	vst.msk vm1, v63;
	s9 =	ssub.s32 s9, s14  }
0xbf: {  	[tilespmem:s13+$0xE500] =	vst.msk vm4, v54;
	s14 =	ssub.s32 s0, s31;
	p1 =	sle.s32 s9, $0x0  }
0xc0: {  	[tilespmem:s13+$0xD000] =	vst.msk vm4, v62;
	p0 =	slt.s32 @!p1 s14, $0x5  }
0xc1: {  	[tilespmem:s17+$0xE500] =	vst.msk vm7, v28;
	p0 =	por p0, p1  }
0xc2: {  	[tilespmem:s17+$0xD000] =	vst.msk vm7, v61;
	s8 =	simm.s32 @!p0 $0x2  }
0xc3: {  	_ =	swait.ge @!p0 [sflag:s8], $0x1000  }
0xc4: {  	[sflag:s8] =	ssyncset.done @!p0 $0x0  }
0xc5: {  	[sflag:s8] =	ssyncadd.s32 @!p0 $0xFFFFF000  }
0xc6: {  	_ =	swait.ge @!p0 [sflag:s8], $0x80  }
0xc7: {  	[sflag:s8] =	ssyncset.done @!p0 $0x0  }
0xc8: {  	[sflag:s8] =	ssyncadd.s32 @!p0 $0xFFFFFF80;
	s8 =	simm.s32 @!p1 $0x0  }
0xc9: {  	v21 =	vld @!p1 [tilespmem:s8+$0xD000];
	_ =	sdelay $0x2  }
0xca: {  	s16 =	sshll.u32 @!p1 s5, $0x7  }
0xcb: {  	s17 =	sand.u32 @!p1 $0x380, s16  }
0xcc: {  	[tilespmem:s17+$0xFA00] =	vst @!p1 v21  }
0xcd: {  	v21 =	vld @!p1 [tilespmem:s8+$0xE500];
	_ =	sdelay $0x4  }
0xce: {  	[tilespmem:s17+$0xFE00] =	vst @!p1 v21  }
0xcf: {  	v21 =	vld @!p1 [tilespmem:s8+$0xD010];
	_ =	sdelay $0x4  }
0xd0: {  	[tilespmem:s17+$0xFA10] =	vst @!p1 v21  }
0xd1: {  	v21 =	vld @!p1 [tilespmem:s8+$0xE510];
	_ =	sdelay $0x4  }
0xd2: {  	[tilespmem:s17+$0xFE10] =	vst @!p1 v21  }
0xd3: {  	v21 =	vld @!p1 [tilespmem:s8+$0xD020];
	_ =	sdelay $0x4  }
0xd4: {  	[tilespmem:s17+$0xFA20] =	vst @!p1 v21  }
0xd5: {  	v21 =	vld @!p1 [tilespmem:s8+$0xE520];
	_ =	sdelay $0x4  }
0xd6: {  	[tilespmem:s17+$0xFE20] =	vst @!p1 v21  }
0xd7: {  	v21 =	vld @!p1 [tilespmem:s8+$0xD030];
	_ =	sdelay $0x4  }
0xd8: {  	[tilespmem:s17+$0xFA30] =	vst @!p1 v21  }
0xd9: {  	v21 =	vld @!p1 [tilespmem:s8+$0xE530];
	_ =	sdelay $0x4  }
0xda: {  	[tilespmem:s17+$0xFE30] =	vst @!p1 v21  }
0xdb: {  	v21 =	vld @!p1 [tilespmem:s8+$0xD040];
	_ =	sdelay $0x4  }
0xdc: {  	[tilespmem:s17+$0xFA40] =	vst @!p1 v21  }
0xdd: {  	v21 =	vld @!p1 [tilespmem:s8+$0xE540];
	_ =	sdelay $0x4  }
0xde: {  	[tilespmem:s17+$0xFE40] =	vst @!p1 v21  }
0xdf: {  	v21 =	vld @!p1 [tilespmem:s8+$0xD050];
	_ =	sdelay $0x4  }
0xe0: {  	[tilespmem:s17+$0xFA50] =	vst @!p1 v21  }
0xe1: {  	v21 =	vld @!p1 [tilespmem:s8+$0xE550];
	_ =	sdelay $0x4  }
0xe2: {  	[tilespmem:s17+$0xFE50] =	vst @!p1 v21  }
0xe3: {  	v21 =	vld @!p1 [tilespmem:s8+$0xD060];
	_ =	sdelay $0x4  }
0xe4: {  	[tilespmem:s17+$0xFA60] =	vst @!p1 v21  }
0xe5: {  	v21 =	vld @!p1 [tilespmem:s8+$0xE560];
	_ =	sdelay $0x4  }
0xe6: {  	[tilespmem:s17+$0xFE60] =	vst @!p1 v21  }
0xe7: {  	v21 =	vld @!p1 [tilespmem:s8+$0xD070];
	_ =	sdelay $0x2  }
0xe8: {  	p6 =	por $0x0, $0x0;
	p2 =	sgt.s32 s9, $0x0  }
0xe9: {  	s13 =	simm.s32 $0x200;
	p3 =	sgt.s32 s14, $0x4;
	p4 =	por !p6, !p2  }
0xea: {  	s9 =	simm.s32 $0x1;
	p3 =	por !p3, !p2;
	p4 =	por !p4, !p4;
	[tilespmem:s17+$0xFA70] =	vst @!p1 v21  }
0xeb: {  	s14 =	simm.s32 $0x1;
	p3 =	por !p3, !p3;
	s9 =	simm.s32 @!p4 $0x0;
	v21 =	vld @!p1 [tilespmem:s8+$0xE570]  }
0xec: {  	s14 =	simm.s32 @!p3 $0x0;
	s0 =	sadd.s32 s9, s0;
	p0 =	por @!p1 $0x1, $0x1  }
0xed: {  	s31 =	sadd.s32 s14, s31;
	p5 =	por p0, p1;
	s8 =	simm.s32 $0x1  }
0xee: {  	s9 =	sadd.s32 @!p1 $0xFA00, s17;
	s16 =	sadd.s32 @!p5 $0x300, s16;
	s8 =	simm.s32 @!p2 $0x0  }
0xef: {  	s15 =	sadd.s32 $0x0, s8;
	s5 =	sadd.s32 s8, s5;
	s8 =	sshll.u32 @!p1 s17, $0x5  }
0xf0: {  	s14 =	sadd.s32 @!p1 $0x5000, s8;
	s8 =	simm.s32 @!p5 $0x1;
	[tilespmem:s17+$0xFE70] =	vst @!p1 v21;
	s17 =	simm.s32 @!p1 $0x80  }
0xf1: {  	[tilespmem:s14], [sflag:$0x1] =	stream.indirect.gather @!p1 [hbm4b:s1+s17], $0x20, s9, s17, $0xb8;
	[tilespmem:$0x1D400] =	vst v63  }
0xf2: {  	s14 =	sand.u32 @!p5 $0x380, s16;
	s9 =	simm.s32 @!p5 $0x80;
	_ =	swait.ge @!p5 [sflag:s8], $0x1000  }
0xf3: {  	s17 =	sshll.u32 @!p5 s14, $0x5;
	s20 =	sadd.s32 @!p5 $0xFE00, s14;
	[sflag:s8] =	ssyncset.done @!p5 $0x0  }
.LBB2_7:
0xf4: {  	[sflag:s8] =	ssyncadd.s32 @!p5 $0xFFFFF000;
	s8 =	sadd.s32 @!p5 $0x5000, s17  }
0xf5: {  	[spmem:s2] =	stream.indirect.scatter.add.f32 @!p5 [tilespmem:s8], [sflag:$0x2], $0x20, s20, s9, $0xb8;
	[tilespmem:$0x1D400] =	vst v63  }
0xf6: {  	s16 =	simm.s32 @!p5 $0x10200;
	s22 =	sshra.s32 s13, $0x2  }
0xf7: {  	[spmem:s3] =	stream.indirect.scatter.add.f32 @!p5 [tilespmem:s16], [sflag:$0x2], $0x1, s20, s9, $0xb8;
	[tilespmem:$0x1D400] =	vst v63  }
0xf8: {  	v21 =	vld.idx.msk [tilespmem:v19+s22+$0xFFFFFFD0 ss:$0x1], $0xffff  }
0xf9: {  	v22 =	vld.idx.msk [tilespmem:v19+s22+$0xFFFFFFC0 ss:$0x1], $0xffff;
	_ =	sdelay $0x3  }
0xfa: {  	v23 =	vld.idx.msk [tilespmem:v19+s22+$0xFFFFFFE0 ss:$0x1], $0xffff;
	v21 =	vsub.s32 v21, v0  }
0xfb: {  	v22 =	vsub.s32 v22, v0;
	vm0 =	vlt.u32 v21, $0x61A8  }
0xfc: {  	v24 =	vld.idx.msk [tilespmem:v19+s22+$0xFFFFFFF0 ss:$0x1], $0xffff;
	vm7 =	vlt.u32 v22, $0x61A8;
	v27 =	vmpcnt.ones.xlane vm0  }
0xfd: {  	v28 =	vmpcnt.ones.xlane vm7  }
0xfe: {  	v25 =	vld.idx.msk [tilespmem:v19+s22+$0x0 ss:$0x1], $0xffff;
	v27 =	vxor.u32 $0x80000000, v27  }
0xff: {  	v26 =	vld.idx.msk [tilespmem:v19+s22+$0x10 ss:$0x1], $0xffff;
	v23 =	vsub.s32 v23, v0;
	v28 =	vxor.u32 $0x80000000, v28;
	(xrf0) =	vmax.scan.msk.u32 $0xffff, v27  }
0x100: {  	v29 =	vld.idx.msk [tilespmem:v19+s22+$0x20 ss:$0x1], $0xffff;
	vm1 =	vlt.u32 v23, $0x61A8;
	(xrf0) =	vmax.scan.msk.u32 $0xffff, v28  }
0x101: {  	v24 =	vsub.s32 v24, v0;
	v30 =	vmpcnt.ones.xlane vm1  }
0x102: {  	vm2 =	vlt.u32 v24, $0x61A8  }
0x103: {  	v25 =	vsub.s32 v25, v0;
	v31 =	vmpcnt.ones.xlane vm2;
	v30 =	vxor.u32 $0x80000000, v30  }
0x104: {  	v44 =	vld.idx.msk [tilespmem:v19+s22+$0x30 ss:$0x1], $0xffff;
	v26 =	vsub.s32 v26, v0;
	vm3 =	vlt.u32 v25, $0x61A8;
	(xrf0) =	vmax.scan.msk.u32 $0xffff, v30  }
0x105: {  	v47 =	vsub.s32 v29, v0;
	v46 =	vmpcnt.ones.xlane vm3;
	v45 =	vxor.u32 $0x80000000, v31;
	v50, _, _ =	vpop (xrf0)  }
0x106: {  	vm4 =	vlt.u32 v26, $0x61A8;
	vm5 =	vlt.u32 v47, $0x61A8;
	(xrf0) =	vmax.scan.msk.u32 $0xffff, v45;
	v32, _, _ =	vpop (xrf0)  }
0x107: {  	v49 =	vmpcnt.ones.xlane vm4;
	v48 =	vxor.u32 $0x80000000, v46;
	(v2sf) =	vpush v32, $0xF  }
0x108: {  	v52 =	vmpcnt.ones.xlane vm5;
	(xrf0) =	vmax.scan.msk.u32 $0xffff, v48  }
0x109: {  	v51 =	vxor.u32 $0x80000000, v49;
	v27 =	vsub.s32 v44, v0;
	(v2sf) =	vpush v50, $0xF  }
0x10a: {  	vm6 =	vlt.u32 v27, $0x61A8;
	v53, _, _ =	vpop (xrf0);
	(xrf0) =	vmax.scan.msk.u32 $0xffff, v51  }
0x10b: {  	v54 =	vxor.u32 $0x80000000, v52;
	v33 =	vmpcnt.ones.xlane vm6;
	(v2sf) =	vpush v53, $0xF  }
0x10c: {  	v55, _, _ =	vpop (xrf0);
	(xrf0) =	vmax.scan.msk.u32 $0xffff, v54  }
0x10d: {  	v56 =	vxor.u32 $0x80000000, v33;
	(v2sf) =	vpush v55, $0xF  }
0x10e: {  	v57, _, _ =	vpop (xrf0);
	(xrf0) =	vmax.scan.msk.u32 $0xffff, v56  }
0x10f: {  	(v2sf) =	vpush v57, $0xF  }
0x110: {  	v58 =	vld.idx.msk [tilespmem:v20+s22+$0x0 ss:$0x1], $0xffff;
	v60, _, _ =	vpop (xrf0)  }
0x111: {  	v59 =	vld.idx.msk [tilespmem:v20+s22+$0xFFFFFFF0 ss:$0x1], $0xffff;
	(v2sf) =	vpush v60, $0xF  }
0x112: {  	s13 =	sadd.s32 $0x200, s13;
	v61 =	vld.idx.msk [tilespmem:v20+s22+$0xFFFFFFE0 ss:$0x1], $0xffff;
	v62, _, _ =	vpop (xrf0)  }
0x113: {  	p0 =	sne.s32 s13, $0x5000;
	v34 =	vld.idx.msk [tilespmem:v20+s22+$0xFFFFFF90 ss:$0x1], $0xffff;
	(v2sf) =	vpush v62, $0xF  }
0x114: {  	s9 =	simm.s32 @!p0 $0x0;
	v35 =	vld.idx.msk [tilespmem:v20+s22+$0xFFFFFFD0 ss:$0x1], $0xffff;
	v63, _, _ =	vpop (xrf0)  }
0x115: {  	s9 =	simm.s32 @p0 $0x1;
	v36 =	vld.idx.msk [tilespmem:v20+s22+$0xFFFFFFA0 ss:$0x1], $0xffff;
	(v2sf) =	vpush v63, $0xF  }
0x116: {  	v37 =	vld.idx.msk [tilespmem:v20+s22+$0xFFFFFFC0 ss:$0x1], $0xffff;
	[smem:$0x7FC] =	sst s9;
	s9 =	spop (v2sf)  }
0x117: {  	v38 =	vld.idx.msk [tilespmem:v20+s22+$0xFFFFFFB0 ss:$0x1], $0xffff;
	[tilespmem:s4+$0xE500] =	vst.msk vm7, v22;
	s16 =	sadd.s32 s9, s4  }
0x118: {  	[tilespmem:s4+$0xD000] =	vst.msk vm7, v34;
	s18 =	spop (v2sf);
	s4 =	sadd.s32 $0x80000000, s16  }
0x119: {  	s8 =	sadd.s32 s18, s4  }
0x11a: {  	s19 =	spop (v2sf);
	[tilespmem:s4+$0xE500] =	vst.msk vm0, v21;
	s8 =	sadd.s32 $0x80000000, s8  }
0x11b: {  	[tilespmem:s4+$0xD000] =	vst.msk vm0, v36;
	s4 =	sadd.s32 s19, s8  }
0x11c: {  	s20 =	spop (v2sf);
	[tilespmem:s8+$0xE500] =	vst.msk vm1, v23;
	s4 =	sadd.s32 $0x80000000, s4  }
0x11d: {  	[tilespmem:s8+$0xD000] =	vst.msk vm1, v38;
	s8 =	sadd.s32 s20, s4  }
0x11e: {  	s22 =	spop (v2sf);
	[tilespmem:s4+$0xE500] =	vst.msk vm2, v24;
	s8 =	sadd.s32 $0x80000000, s8  }
0x11f: {  	[tilespmem:s4+$0xD000] =	vst.msk vm2, v37;
	s4 =	sadd.s32 s22, s8  }
0x120: {  	s9 =	spop (v2sf);
	[tilespmem:s8+$0xE500] =	vst.msk vm3, v25;
	s4 =	sadd.s32 $0x80000000, s4  }
0x121: {  	[tilespmem:s8+$0xD000] =	vst.msk vm3, v35;
	s8 =	sadd.s32 s9, s4  }
0x122: {  	s16 =	spop (v2sf);
	[tilespmem:s4+$0xE500] =	vst.msk vm4, v26;
	s8 =	sadd.s32 $0x80000000, s8  }
0x123: {  	[tilespmem:s4+$0xD000] =	vst.msk vm4, v61;
	s4 =	sadd.s32 s16, s8  }
0x124: {  	s19 =	spop (v2sf);
	s18 =	sadd.s32 $0x80000000, s4  }
0x125: {  	s4 =	sadd.s32 s19, s18  }
0x126: {  	s4 =	sadd.s32 $0x80000000, s4  }
0x127: {  	[tilespmem:s8+$0xE500] =	vst.msk vm5, v47;
	s20 =	sshra.s32 s4, $0x1F;
	s22 =	sand.u32 $0x7F, s4;
	p0 =	slt.s32 s4, $0x1  }
0x128: {  	[tilespmem:s8+$0xD000] =	vst.msk vm5, v59;
	s8 =	sshrl.u32 s20, $0x19;
	p1 =	sne.s32 s22, $0x0;
	s9 =	simm.s32 @!p0 $0x0  }
0x129: {  	[tilespmem:s18+$0xE500] =	vst.msk vm6, v27;
	s8 =	sadd.s32 s8, s4;
	s9 =	simm.s32 @p0 $0x1;
	p0 =	por !p0, !p1  }
0x12a: {  	[tilespmem:s18+$0xD000] =	vst.msk vm6, v58;
	p0 =	por !p0, !p0;
	s18 =	sshra.s32 s8, $0x7;
	s8 =	simm.s32 $0x1  }
0x12b: {  	[smem:$0x7FA] =	sst s9;
	s9 =	simm.s32 @!p1 $0x0;
	s8 =	simm.s32 @!p0 $0x0  }
0x12c: {  	s9 =	simm.s32 @p1 $0x1;
	s16 =	ssub.s32 s18, s8  }
0x12d: {  	[smem:$0x7FB] =	sst s9;
	s9 =	ssub.s32 s0, s31;
	p4 =	sle.s32 s16, s15  }
0x12e: {  	p1 =	slt.s32 @!p4 s9, $0x5  }
0x12f: {  	p0 =	por p1, p4  }
0x130: {  	s8 =	simm.s32 @!p0 $0x2  }
0x131: {  	_ =	swait.ge @!p0 [sflag:s8], $0x1000  }
0x132: {  	[sflag:s8] =	ssyncset.done @!p0 $0x0  }
0x133: {  	[sflag:s8] =	ssyncadd.s32 @!p0 $0xFFFFF000  }
0x134: {  	_ =	swait.ge @!p0 [sflag:s8], $0x80  }
0x135: {  	s17 =	smov.u32 s15;
	[sflag:s8] =	ssyncset.done @!p0 $0x0  }
0x136: {  	s22 =	sshll.u32 @!p4 s17, $0x7;
	[sflag:s8] =	ssyncadd.s32 @!p0 $0xFFFFFF80  }
0x137: {  	v21 =	vld @!p4 [tilespmem:s22+$0xD000];
	_ =	sdelay $0x2  }
0x138: {  	s20 =	sshll.u32 @!p4 s5, $0x7  }
0x139: {  	s8 =	sand.u32 @!p4 $0x380, s20  }
0x13a: {  	[tilespmem:s8+$0xFA00] =	vst @!p4 v21  }
0x13b: {  	v21 =	vld @!p4 [tilespmem:s22+$0xE500];
	_ =	sdelay $0x4  }
0x13c: {  	[tilespmem:s8+$0xFE00] =	vst @!p4 v21  }
0x13d: {  	v21 =	vld @!p4 [tilespmem:s22+$0xD010];
	_ =	sdelay $0x4  }
0x13e: {  	[tilespmem:s8+$0xFA10] =	vst @!p4 v21  }
0x13f: {  	v21 =	vld @!p4 [tilespmem:s22+$0xE510];
	_ =	sdelay $0x4  }
0x140: {  	[tilespmem:s8+$0xFE10] =	vst @!p4 v21  }
0x141: {  	v21 =	vld @!p4 [tilespmem:s22+$0xD020];
	_ =	sdelay $0x4  }
0x142: {  	[tilespmem:s8+$0xFA20] =	vst @!p4 v21  }
0x143: {  	v21 =	vld @!p4 [tilespmem:s22+$0xE520];
	_ =	sdelay $0x4  }
0x144: {  	[tilespmem:s8+$0xFE20] =	vst @!p4 v21  }
0x145: {  	v21 =	vld @!p4 [tilespmem:s22+$0xD030];
	_ =	sdelay $0x4  }
0x146: {  	[tilespmem:s8+$0xFA30] =	vst @!p4 v21  }
0x147: {  	v21 =	vld @!p4 [tilespmem:s22+$0xE530];
	_ =	sdelay $0x4  }
0x148: {  	[tilespmem:s8+$0xFE30] =	vst @!p4 v21  }
0x149: {  	v21 =	vld @!p4 [tilespmem:s22+$0xD040];
	_ =	sdelay $0x4  }
0x14a: {  	[tilespmem:s8+$0xFA40] =	vst @!p4 v21  }
0x14b: {  	v21 =	vld @!p4 [tilespmem:s22+$0xE540];
	_ =	sdelay $0x4  }
0x14c: {  	[tilespmem:s8+$0xFE40] =	vst @!p4 v21  }
0x14d: {  	v21 =	vld @!p4 [tilespmem:s22+$0xD050];
	_ =	sdelay $0x4  }
0x14e: {  	[tilespmem:s8+$0xFA50] =	vst @!p4 v21  }
0x14f: {  	v21 =	vld @!p4 [tilespmem:s22+$0xE550];
	_ =	sdelay $0x4  }
0x150: {  	[tilespmem:s8+$0xFE50] =	vst @!p4 v21  }
0x151: {  	v21 =	vld @!p4 [tilespmem:s22+$0xD060];
	_ =	sdelay $0x4  }
0x152: {  	[tilespmem:s8+$0xFA60] =	vst @!p4 v21  }
0x153: {  	v21 =	vld @!p4 [tilespmem:s22+$0xE560];
	_ =	sdelay $0x4  }
0x154: {  	[tilespmem:s8+$0xFE60] =	vst @!p4 v21  }
0x155: {  	v21 =	vld @!p4 [tilespmem:s22+$0xD070];
	_ =	sdelay $0x4  }
0x156: {  	[tilespmem:s8+$0xFA70] =	vst @!p4 v21  }
0x157: {  	p2 =	sgt.s32 s15, $0x1;
	p6 =	sgt.s32 s16, s15;
	v21 =	vld @!p4 [tilespmem:s22+$0xE570]  }
0x158: {  	p3 =	sgt.s32 s9, $0x4;
	p2 =	por !p2, !p6  }
0x159: {  	p5 =	slt.s32 @!p4 s15, $0x2;
	s9 =	simm.s32 $0x1;
	p1 =	por !p2, !p2  }
0x15a: {  	p5 =	por p5, p4;
	s9 =	simm.s32 @!p1 $0x0  }
0x15b: {  	s0 =	sadd.s32 s9, s0;
	s17 =	sadd.s32 @!p4 $0xFA00, s8;
	s9 =	sshll.u32 @!p4 s8, $0x5  }
0x15c: {  	s9 =	sadd.s32 @!p4 $0x5000, s9;
	s22 =	simm.s32 @!p4 $0x80;
	[tilespmem:s8+$0xFE70] =	vst @!p4 v21;
	s8 =	simm.s32 @!p5 $0x1  }
0x15d: {  	[tilespmem:s9], [sflag:$0x1] =	stream.indirect.gather @!p4 [hbm4b:s1+s22], $0x20, s17, s22, $0xb8;
	[tilespmem:$0x1D400] =	vst v63  }
0x15e: {  	_ =	swait.ge @!p5 [sflag:s8], $0x1000  }
0x15f: {  	s22 =	sld [smem:$0x7FC]  }
0x160: {  	p3 =	por !p3, !p6  }
0x161: {  	s19 =	simm.s32 $0x1;
	p2 =	por !p3, !p3  }
0x162: {  	s19 =	simm.s32 @!p2 $0x0;
	p0 =	seq.s32 s22, $0x1  }
.Ltmp6:
0x163: {  	s31 =	sadd.s32 s19, s31;
	s19 =	simm.s32 $0x1;
	(pc) =	sbr.rel @p0 .LBB2_7-.Ltmp6, $4  }
0x164: {  	s19 =	simm.s32 @!p6 $0x0  }
0x165: {  	s14 =	smov.u32 s5;
	s15 =	sadd.s32 s19, s15;
	s20 =	sadd.s32 @!p5 $0x300, s20  }
0x166: {  	s5 =	sadd.s32 s19, s5;
	s20 =	sand.u32 @!p5 $0x380, s20;
	s9 =	simm.s32 @!p5 $0x80  }
0x167: {  	s17 =	sshll.u32 @!p5 s20, $0x5;
	s20 =	sadd.s32 @!p5 $0xFE00, s20;
	[sflag:s8] =	ssyncset.done @!p5 $0x0  }
0x168: {  	[sflag:s8] =	ssyncadd.s32 @!p5 $0xFFFFF000;
	s8 =	sadd.s32 @!p5 $0x5000, s17  }
0x169: {  	[spmem:s2] =	stream.indirect.scatter.add.f32 @!p5 [tilespmem:s8], [sflag:$0x2], $0x20, s20, s9, $0xb8;
	[tilespmem:$0x1D400] =	vst v63  }
0x16a: {  	s8 =	simm.s32 @!p5 $0x10200  }
0x16b: {  	[spmem:s3] =	stream.indirect.scatter.add.f32 @!p5 [tilespmem:s8], [sflag:$0x2], $0x1, s20, s9, $0xb8;
	[tilespmem:$0x1D400] =	vst v63  }
0x16c: {  	p0 =	sgt.s32 s16, $0x2;
	s8 =	smov.u32 s16  }
0x16d: {  	s8 =	simm.s32 @!p0 $0x2  }
0x16e: {  	s22 =	sadd.s32 $0xFFFFFFFE, s8  }
0x16f: {  	p0 =	sge.s32 s22, s16  }
.Ltmp7:
0x170: {  	s13 =	sld [smem:$0x7FB];
	(pc) =	sbr.rel @p0 .LBB2_14-.Ltmp7, $2  }
0x171: {  	s15 =	sld [smem:$0x7FA];
	_ =	sdelay $0x2  }
0x172: {  	p2 =	seq.s32 s13, $0x1;
	p1 =	seq.s32 s15, $0x1  }
0x173: {  	p0 =	por !p2, !p1  }
0x174: {  	s9 =	simm.s32 $0x1;
	p0 =	por !p0, !p0  }
0x175: {  	s9 =	simm.s32 @!p0 $0x0  }
0x176: {  	s13 =	ssub.s32 s18, s9  }
0x177: {  	s17 =	ssub.s32 s13, s8  }
0x178: {  	s14 =	sadd.s32 s8, s14;
	s8 =	sadd.s32 $0x2, s17  }
0x179: {  	s8 =	sadd.s32 $0xFFFFFFFF, s8  }
0x17a: {  	p0 =	sne.s32 s8, $0x0  }
.Ltmp8:
0x17b: {  	_ = 	snop;
	(pc) =	sbr.rel @!p0 .LBB2_10-.Ltmp8, $4  }
0x17c: {  	s20 =	sadd.s32 s19, s14;
	s9 =	ssub.s32 s9, s18  }
0x17d: {  	s9 =	sadd.s32 s9, s20  }
0x17e: {  	s22 =	ssub.s32 s0, s31;
	p2 =	por $0x0, $0x0;
	s9 =	sshll.u32 s9, $0x7  }
0x17f: {  	p1 =	slt.s32 s22, $0x5;
	p3 =	sgt.s32 s22, $0x4;
	s9 =	sadd.s32 $0xFFFFFF00, s9  }
0x180: {  	s14 =	simm.s32 @!p1 $0x2  }
0x181: {  	s13 =	simm.s32 $0x1;
	s8 =	sadd.s32 $0xFFFFFFFF, s8;
	_ =	swait.ge @!p1 [sflag:s14], $0x1000  }
0x182: {  	s0 =	sadd.s32 $0x1, s0;
	p0 =	sne.s32 s8, $0x0;
	[sflag:s14] =	ssyncset.done @!p1 $0x0  }
.Ltmp9:
0x183: {  	s13 =	simm.s32 @!p3 $0x0;
	[sflag:s14] =	ssyncadd.s32 @!p1 $0xFFFFF000;
	(pc) =	sbr.rel @!p0 .LBB2_13-.Ltmp9, $4  }
0x184: {  	p2 =	por $0x1, $0x1;
	s31 =	sadd.s32 s13, s31;
	_ =	swait.ge @!p1 [sflag:s14], $0x80  }
0x185: {  	s13 =	sand.u32 $0x380, s9;
	s15 =	ssub.s32 s0, s31;
	[sflag:s14] =	ssyncset.done @!p1 $0x0  }
0x186: {  	s9 =	sadd.s32 $0x80, s9;
	p3 =	sgt.s32 s15, $0x4;
	[sflag:s14] =	ssyncadd.s32 @!p1 $0xFFFFFF80  }
0x187: {  	s14 =	sshll.u32 s13, $0x5;
	p1 =	slt.s32 s15, $0x5;
	_ =	swait.ge [sflag:s25], $0x1000  }
.LBB2_12:
0x188: {  	s15 =	simm.s32 $0x1  }
0x189: {  	[sflag:s25] =	ssyncset.done $0x0;
	s14 =	sadd.s32 $0x5000, s14;
	s15 =	simm.s32 @!p3 $0x0  }
0x18a: {  	s13 =	sadd.s32 $0xFE00, s13;
	s31 =	sadd.s32 s15, s31;
	[sflag:s25] =	ssyncadd.s32 $0xFFFFF000  }
0x18b: {  	[spmem:s2] =	stream.indirect.scatter.add.f32 [tilespmem:s14], [sflag:$0x2], $0x20, s13, s26, $0xb8;
	[tilespmem:$0x1D400] =	vst v63  }
0x18c: {  	s8 =	sadd.s32 $0xFFFFFFFF, s8;
	s15 =	smov.u32 s9;
	s14 =	simm.s32 @!p1 $0x2  }
0x18d: {  	[spmem:s3] =	stream.indirect.scatter.add.f32 [tilespmem:s28], [sflag:$0x2], $0x1, s13, s26, $0xb8;
	[tilespmem:$0x1D400] =	vst v63  }
0x18e: {  	p0 =	sne.s32 s8, $0x0;
	_ =	swait.ge @!p1 [sflag:s14], $0x1000  }
0x18f: {  	[sflag:s14] =	ssyncset.done @!p1 $0x0  }
.Ltmp10:
0x190: {  	[sflag:s14] =	ssyncadd.s32 @!p1 $0xFFFFF000;
	(pc) =	sbr.rel @p0 .LBB2_12-.Ltmp10, $4  }
0x191: {  	s9 =	sadd.s32 $0x80, s9;
	_ =	swait.ge @!p1 [sflag:s14], $0x80  }
0x192: {  	s0 =	sadd.s32 $0x1, s0;
	s13 =	sand.u32 $0x380, s15;
	[sflag:s14] =	ssyncset.done @!p1 $0x0  }
0x193: {  	s15 =	ssub.s32 s0, s31;
	[sflag:s14] =	ssyncadd.s32 @!p1 $0xFFFFFF80;
	s14 =	sshll.u32 s13, $0x5  }
0x194: {  	p3 =	sgt.s32 s15, $0x4;
	p1 =	slt.s32 s15, $0x5;
	_ =	swait.ge [sflag:s25], $0x1000  }
.LBB2_13:
0x195: {  	[sflag:s25] =	ssyncset.done @p2 $0x0  }
0x196: {  	s8 =	sadd.s32 @p2 $0x5000, s14;
	s13 =	sadd.s32 @p2 $0xFE00, s13;
	[sflag:s25] =	ssyncadd.s32 @p2 $0xFFFFF000  }
0x197: {  	[spmem:s2] =	stream.indirect.scatter.add.f32 @p2 [tilespmem:s8], [sflag:$0x2], $0x20, s13, s26, $0xb8;
	[tilespmem:$0x1D400] =	vst v63  }
0x198: {  	s8 =	simm.s32 @!p1 $0x2  }
0x199: {  	[spmem:s3] =	stream.indirect.scatter.add.f32 @p2 [tilespmem:s28], [sflag:$0x2], $0x1, s13, s26, $0xb8;
	[tilespmem:$0x1D400] =	vst v63  }
0x19a: {  	_ =	swait.ge @!p1 [sflag:s8], $0x1000  }
0x19b: {  	[sflag:s8] =	ssyncset.done @!p1 $0x0  }
0x19c: {  	[sflag:s8] =	ssyncadd.s32 @!p1 $0xFFFFF000  }
0x19d: {  	_ =	swait.ge @!p1 [sflag:s8], $0x80  }
0x19e: {  	[sflag:s8] =	ssyncset.done @!p1 $0x0  }
0x19f: {  	[sflag:s8] =	ssyncadd.s32 @!p1 $0xFFFFFF80  }
0x1a0: {  	s22 =	sand.u32 $0x380, s9;
	_ =	swait.ge [sflag:s25], $0x1000  }
0x1a1: {  	s9 =	sshll.u32 s22, $0x5;
	[sflag:s25] =	ssyncset.done $0x0  }
0x1a2: {  	s9 =	sadd.s32 $0x5000, s9;
	s8 =	sadd.s32 $0xFE00, s22;
	[sflag:s25] =	ssyncadd.s32 $0xFFFFF000  }
0x1a3: {  	[spmem:s2] =	stream.indirect.scatter.add.f32 [tilespmem:s9], [sflag:$0x2], $0x20, s8, s26, $0xb8;
	[tilespmem:$0x1D400] =	vst v63  }
0x1a4: {  	s9 =	simm.s32 $0x1  }
0x1a5: {  	s9 =	simm.s32 @!p3 $0x0  }
0x1a6: {  	[spmem:s3] =	stream.indirect.scatter.add.f32 [tilespmem:s28], [sflag:$0x2], $0x1, s8, s26, $0xb8;
	[tilespmem:$0x1D400] =	vst v63  }
0x1a7: {  	s0 =	sadd.s32 $0x1, s0;
	s31 =	sadd.s32 s9, s31  }
.LBB2_14:
0x1a8: {  	s8 =	sshll.u32 s16, $0x7  }
0x1a9: {  	s13 =	ssub.s32 s4, s8  }
0x1aa: {  	p0 =	slt.s32 s13, $0x1  }
.Ltmp11:
0x1ab: {  	_ = 	snop;
	(pc) =	sbr.rel @p0 .LBB2_23-.Ltmp11, $1  }
0x1ac: {  	_ =	sdelay $0x3  }
0x1ad: {  	v19 =	vld [tilespmem:s8+$0xD000];
	_ =	sdelay $0x4  }
0x1ae: {  	[tilespmem:$0xD000] =	vst v19  }
0x1af: {  	v19 =	vld [tilespmem:s8+$0xE500];
	_ =	sdelay $0x4  }
0x1b0: {  	[tilespmem:$0xE500] =	vst v19  }
0x1b1: {  	v19 =	vld [tilespmem:s8+$0xD010];
	_ =	sdelay $0x4  }
0x1b2: {  	[tilespmem:$0xD010] =	vst v19  }
0x1b3: {  	v19 =	vld [tilespmem:s8+$0xE510];
	_ =	sdelay $0x4  }
0x1b4: {  	[tilespmem:$0xE510] =	vst v19  }
0x1b5: {  	v19 =	vld [tilespmem:s8+$0xD020];
	_ =	sdelay $0x4  }
0x1b6: {  	[tilespmem:$0xD020] =	vst v19  }
0x1b7: {  	v19 =	vld [tilespmem:s8+$0xE520];
	_ =	sdelay $0x4  }
0x1b8: {  	[tilespmem:$0xE520] =	vst v19  }
0x1b9: {  	v19 =	vld [tilespmem:s8+$0xD030];
	_ =	sdelay $0x4  }
0x1ba: {  	[tilespmem:$0xD030] =	vst v19  }
0x1bb: {  	v19 =	vld [tilespmem:s8+$0xE530];
	_ =	sdelay $0x4  }
0x1bc: {  	[tilespmem:$0xE530] =	vst v19  }
0x1bd: {  	v19 =	vld [tilespmem:s8+$0xD040];
	_ =	sdelay $0x4  }
0x1be: {  	[tilespmem:$0xD040] =	vst v19  }
0x1bf: {  	v19 =	vld [tilespmem:s8+$0xE540];
	_ =	sdelay $0x4  }
0x1c0: {  	[tilespmem:$0xE540] =	vst v19  }
0x1c1: {  	v19 =	vld [tilespmem:s8+$0xD050];
	_ =	sdelay $0x4  }
0x1c2: {  	[tilespmem:$0xD050] =	vst v19  }
0x1c3: {  	v19 =	vld [tilespmem:s8+$0xE550];
	_ =	sdelay $0x4  }
0x1c4: {  	[tilespmem:$0xE550] =	vst v19  }
0x1c5: {  	v19 =	vld [tilespmem:s8+$0xD060];
	_ =	sdelay $0x4  }
0x1c6: {  	[tilespmem:$0xD060] =	vst v19  }
0x1c7: {  	v19 =	vld [tilespmem:s8+$0xE560];
	_ =	sdelay $0x4  }
0x1c8: {  	[tilespmem:$0xE560] =	vst v19  }
0x1c9: {  	v19 =	vld [tilespmem:s8+$0xD070];
	_ =	sdelay $0x4  }
0x1ca: {  	[tilespmem:$0xD070] =	vst v19  }
0x1cb: {  	p0 =	seq.s32 s23, $0x14;
	v19 =	vld [tilespmem:s8+$0xE570]  }
.Ltmp12:
0x1cc: {  	_ = 	snop;
	(pc) =	sbr.rel @!p0 .LBB2_6-.Ltmp12, $4  }
.Ltmp13:
0x1cd: {  	_ = 	snop;
	(pc) =	sbr.rel @p0 .LBB2_16-.Ltmp13, $4  }
0x1ce: {  	_ = 	snop  }
0x1cf: {  	_ = 	snop  }
0x1d0: {  	s8 =	smov.u32 s23;
	[tilespmem:$0xE570] =	vst v19  }
0x1d1: {  	_ = 	snop  }
.LBB2_10:
.Ltmp14:
0x1d2: {  	(pc) =	sbr.rel .LBB2_13-.Ltmp14, $2  }
0x1d3: {  	_ =	sdelay $0x2  }
0x1d4: {  	_ = 	snop  }
.LBB2_16:
0x1d5: {  	[tilespmem:s13+$0xD000] =	vst v3;
	s8 =	sand.u32 $0x7FFFFFF8, s13;
	s4 =	sand.u32 $0x7, s4  }
0x1d6: {  	[tilespmem:s13+$0xE500] =	vst v4;
	s4 =	sor.u32 s4, s8  }
0x1d7: {  	[tilespmem:s4+$0xD010] =	vst v5  }
0x1d8: {  	[tilespmem:s4+$0xE510] =	vst v6  }
0x1d9: {  	[tilespmem:s4+$0xD020] =	vst v7  }
0x1da: {  	[tilespmem:s4+$0xE520] =	vst v8  }
0x1db: {  	[tilespmem:s4+$0xD030] =	vst v9  }
0x1dc: {  	[tilespmem:s4+$0xE530] =	vst v10  }
0x1dd: {  	[tilespmem:s4+$0xD040] =	vst v11  }
0x1de: {  	[tilespmem:s4+$0xE540] =	vst v12  }
0x1df: {  	[tilespmem:s4+$0xD050] =	vst v13  }
0x1e0: {  	[tilespmem:s4+$0xE550] =	vst v14  }
0x1e1: {  	[tilespmem:s4+$0xD060] =	vst v15  }
0x1e2: {  	[tilespmem:s4+$0xE560] =	vst v16  }
0x1e3: {  	[tilespmem:s4+$0xD070] =	vst v17  }
0x1e4: {  	[tilespmem:s4+$0xE570] =	vst v18  }
0x1e5: {  	v19 =	vld [tilespmem:$0xD000];
	_ =	sdelay $0x2  }
0x1e6: {  	s20 =	sshll.u32 s5, $0x7  }
0x1e7: {  	s4 =	sand.u32 $0x380, s20  }
0x1e8: {  	[tilespmem:s4+$0xFA00] =	vst v19  }
0x1e9: {  	v19 =	vld [tilespmem:$0xE500];
	_ =	sdelay $0x4  }
0x1ea: {  	[tilespmem:s4+$0xFE00] =	vst v19  }
0x1eb: {  	v19 =	vld [tilespmem:$0xD010];
	_ =	sdelay $0x4  }
0x1ec: {  	[tilespmem:s4+$0xFA10] =	vst v19  }
0x1ed: {  	v19 =	vld [tilespmem:$0xE510];
	_ =	sdelay $0x4  }
0x1ee: {  	[tilespmem:s4+$0xFE10] =	vst v19  }
0x1ef: {  	v19 =	vld [tilespmem:$0xD020];
	_ =	sdelay $0x4  }
0x1f0: {  	[tilespmem:s4+$0xFA20] =	vst v19  }
0x1f1: {  	v19 =	vld [tilespmem:$0xE520];
	_ =	sdelay $0x4  }
0x1f2: {  	[tilespmem:s4+$0xFE20] =	vst v19  }
0x1f3: {  	v19 =	vld [tilespmem:$0xD030];
	_ =	sdelay $0x4  }
0x1f4: {  	[tilespmem:s4+$0xFA30] =	vst v19  }
0x1f5: {  	v19 =	vld [tilespmem:$0xE530];
	_ =	sdelay $0x4  }
0x1f6: {  	[tilespmem:s4+$0xFE30] =	vst v19  }
0x1f7: {  	v19 =	vld [tilespmem:$0xD040];
	_ =	sdelay $0x4  }
0x1f8: {  	[tilespmem:s4+$0xFA40] =	vst v19  }
0x1f9: {  	v19 =	vld [tilespmem:$0xE540];
	_ =	sdelay $0x4  }
0x1fa: {  	[tilespmem:s4+$0xFE40] =	vst v19  }
0x1fb: {  	v19 =	vld [tilespmem:$0xD050];
	_ =	sdelay $0x4  }
0x1fc: {  	[tilespmem:s4+$0xFA50] =	vst v19  }
0x1fd: {  	v19 =	vld [tilespmem:$0xE550];
	_ =	sdelay $0x4  }
0x1fe: {  	[tilespmem:s4+$0xFE50] =	vst v19  }
0x1ff: {  	v19 =	vld [tilespmem:$0xD060];
	_ =	sdelay $0x4  }
0x200: {  	[tilespmem:s4+$0xFA60] =	vst v19  }
0x201: {  	v19 =	vld [tilespmem:$0xE560];
	_ =	sdelay $0x4  }
0x202: {  	[tilespmem:s4+$0xFE60] =	vst v19  }
0x203: {  	v19 =	vld [tilespmem:$0xD070];
	_ =	sdelay $0x4  }
0x204: {  	[tilespmem:s4+$0xFA70] =	vst v19  }
0x205: {  	v19 =	vld [tilespmem:$0xE570];
	_ =	sdelay $0x3  }
0x206: {  	s22 =	sshll.u32 s4, $0x5  }
0x207: {  	s23 =	sadd.s32 $0xFA00, s4;
	s5 =	sadd.s32 $0x5000, s22;
	[tilespmem:s4+$0xFE70] =	vst v19  }
0x208: {  	[tilespmem:s5], [sflag:$0x1] =	stream.indirect.gather [hbm4b:s1+s26], $0x20, s23, s26, $0xb8;
	[tilespmem:$0x1D400] =	vst v63  }
0x209: {  	_ =	swait.ge [sflag:s25], $0x1000  }
0x20a: {  	[sflag:s25] =	ssyncset.done $0x0  }
0x20b: {  	s4 =	sadd.s32 $0xFE00, s4;
	[sflag:s25] =	ssyncadd.s32 $0xFFFFF000  }
0x20c: {  	[spmem:s2] =	stream.indirect.scatter.add.f32 [tilespmem:s5], [sflag:$0x2], $0x20, s4, s26, $0xb8;
	[tilespmem:$0x1D400] =	vst v63  }
0x20d: {  	_ = 	snop  }
0x20e: {  	[spmem:s3] =	stream.indirect.scatter.add.f32 [tilespmem:s28], [sflag:$0x2], $0x1, s4, s26, $0xb8;
	[tilespmem:$0x1D400] =	vst v63  }
.LBB2_17:
0x20f: {  	p0 =	sgt.s32 s13, $0x0;
	s4 =	simm.s32 $0x1  }
0x210: {  	s4 =	simm.s32 @!p0 $0x0  }
0x211: {  	s0 =	sadd.s32 s4, s0  }
0x212: {  	p0 =	sge.s32 s31, s0  }
.Ltmp15:
0x213: {  	_ = 	snop;
	(pc) =	sbr.rel @p0 .LBB2_21-.Ltmp15, $4  }
0x214: {  	_ = 	snop  }
0x215: {  	s17 =	rddreg [dreg:$0x5]  }
0x216: {  	s18 =	rddreg [dreg:$0x6];
	s19 =	smov.u32 s10  }
0x217: {  	s20 =	smov.u32 s11;
	s9 =	simm.s32 $0x5000;
	s10 =	simm.s32 $0x10280  }
0x218: {  	s0 =	ssub.s32 s0, s31  }
0x219: {  	p0 =	sne.s32 s0, $0x1  }
.Ltmp16:
0x21a: {  	_ =	swait.ge [sflag:s29], $0x1000;
	(pc) =	sbr.rel @!p0 .LBB2_20-.Ltmp16, $4  }
0x21b: {  	[sflag:s29] =	ssyncset.done $0x0  }
0x21c: {  	[sflag:s29] =	ssyncadd.s32 $0xFFFFF000  }
0x21d: {  	_ =	swait.ge [sflag:s29], $0x80  }
0x21e: {  	s0 =	sadd.s32 $0xFFFFFFFF, s0;
	[sflag:s29] =	ssyncset.done $0x0  }
.LBB2_19:
0x21f: {  	p0 =	sne.s32 s0, $0x1;
	s0 =	sadd.s32 $0xFFFFFFFF, s0;
	[sflag:s29] =	ssyncadd.s32 $0xFFFFFF80  }
.Ltmp17:
0x220: {  	_ =	swait.ge [sflag:s29], $0x1000;
	(pc) =	sbr.rel @p0 .LBB2_19-.Ltmp17, $4  }
0x221: {  	[sflag:s29] =	ssyncset.done $0x0  }
0x222: {  	[sflag:s29] =	ssyncadd.s32 $0xFFFFF000  }
0x223: {  	_ =	swait.ge [sflag:s29], $0x80  }
0x224: {  	[sflag:s29] =	ssyncset.done $0x0  }
.Ltmp18:
0x225: {  	_ = 	snop;
	(pc) =	sbr.rel .LBB2_20-.Ltmp18, $1  }
0x226: {  	_ =	sdelay $0x3  }
.LBB2_22:
0x227: {  	_ =	sfence.sel $0x180000  }
0x228: {  	[bflag:$0x0] =	sbarrier.arrive $0xFFFF  }
0x229: {  	_ =	strace $0x90000047  }
0x22a: {  	s0 =	stileid.u32;
	[bflag:$0x2] =	sbarrier.arrive $0xFFFF  }
0x22b: {  	p0 =	sne.s32 s0, $0x0;
	s0 =	rddreg [dreg:$0x4]  }
0x22c: {  	s0 =	sadd.s32 @!p0 $0x100000, s0  }
0x22d: {  	[sflag:s0] =	ssyncadd.tile.s32 @!p0 $0x1;
	_ =	shalt  }
.Lfunc_end2:
_tile_overlayer_lowered:
.L_overlay_start_2:
0x22e: {  	(tag) =	ssettag $0x2  }
0x22f: {  	s0 =	rddreg [dreg:$0x0];
	s2 =	stileid.u32  }
0x230: {  	s1 =	rddreg [dreg:$0x1];
	p0 =	sne.s32 s2, $0x0  }
0x231: {  	s3 =	rddreg [dreg:$0x2];
	[bflag:$0x3] =	sbarrier.arrive $0xFFFF;
	s2 =	simm.s32 @!p0 $0x1C04  }
0x232: {  	[timem:s3], [sflag:s2] =	dma.local @!p0 [hbm:s0], s1  }
0x233: {  	s0 =	simm.s32 @!p0 $0x4  }
0x234: {  	_ =	swait.ge @!p0 [sflag:s0], s1  }
0x235: {  	s1 =	ssub.s32 @!p0 $0x0, s1;
	[sflag:s0] =	ssyncset.done @!p0 $0x0  }
0x236: {  	[sflag:s0] =	ssyncadd.s32 @!p0 s1  }
0x237: {  	[bflag:$0x3] =	sbarrier.arrive $0xFFFF  }
0x238: {  	_ =	shalt  }

</sc_bundles>
